<compile_context>
chip_gen: v7x
topology: tpu7x:2x2x1
jax: 0.10.2.dev20260603
libtpu: 0.0.44.dev20260713+nightly
codegen_flags: <defaults>
</compile_context>

<pallas_src>
import jax
import jax.numpy as jnp
from jax import lax
from jax.experimental import pallas as pl
from jax.experimental.pallas import tpu as pltpu
from jax.experimental.pallas import tpu_sc as plsc

B, N, D = 16, 4096, 256
NC, NS = 2, 16
BPC = B // NC
NV = N // 16
HALF = N // 2
CHUNK = 64
NBUF = 4
NGRP = HALF // (NBUF * CHUNK)
INF_BITS = 0x7F800000


def _body(x_hbm, mag_hbm, mask_hbm, out_hbm,
          fbuf, mbuf, kb0, ib0, kb1, ib1, hist, obuf, dbuf, rnk, tot,
          idxbuf, rows0, rows1, rows2, rows3, perm_sh,
          sem0, sem1, sem2, sem3):
    c = lax.axis_index("c")
    s = lax.axis_index("s")
    lane = lax.iota(jnp.int32, 16)
    rows = [rows0, rows1, rows2, rows3]
    sems = [sem0, sem1, sem2, sem3]

    @pl.when(s < BPC)
    def _sort():
        b = c * BPC + s
        pltpu.sync_copy(mag_hbm.at[b], fbuf)
        pltpu.sync_copy(mask_hbm.at[b], mbuf)

        zeros = jnp.zeros((16,), jnp.int32)
        ones = jnp.ones((16,), jnp.int32)

        @plsc.parallel_loop(0, NV, 1, unroll=4)
        def _init(t):
            ki = jnp.bitwise_and(fbuf[pl.ds(t * 16, 16)], 0x7FFFFFFF)
            m = mbuf[pl.ds(t * 16, 16)]
            e = t * 16 + lane
            a = jnp.bitwise_and(e, 255)
            addr = a * 16 + jnp.bitwise_and(jnp.right_shift(e, 8) + a, 15)
            plsc.store_scatter(kb0, [addr], jnp.where(m != 0, ki, INF_BITS))
            ib0[pl.ds(t * 16, 16)] = jnp.bitwise_and(lane - t, 15) * 256 + t
            hist[pl.ds(t * 16, 16)] = zeros

        bufs = [(kb0, ib0), (kb1, ib1)]
        for p in range(4):
            kin, iin = bufs[p % 2]
            kout, iout = bufs[(p + 1) % 2]
            shift = 8 * p

            @plsc.parallel_loop(0, NV, 1, unroll=4)
            def _dig(t):
                k = kin[pl.ds(t * 16, 16)]
                lv = jnp.bitwise_and(lane - t, 15)
                dbuf[pl.ds(t * 16, 16)] = jnp.bitwise_and(
                    jnp.right_shift(k, shift), 255) * 16 + lv

            def hist_body(t, carry):
                hidx = dbuf[pl.ds(t * 16, 16)]
                r = plsc.load_gather(hist, [hidx])
                rnk[pl.ds(t * 16, 16)] = r
                plsc.addupdate_scatter(hist, [hidx], ones)
                return carry
            lax.fori_loop(0, NV, hist_body, jnp.int32(0), unroll=4)

            @plsc.parallel_loop(0, 256, 1, unroll=4)
            def _scan_a(dd):
                h = hist[pl.ds(dd * 16, 16)]
                obuf[pl.ds(dd * 16, 16)] = jnp.cumsum(h) - h
                tot[dd] = jnp.sum(h)
                hist[pl.ds(dd * 16, 16)] = zeros

            def scan_b(dd, carry):
                t = tot[dd]
                tot[dd] = carry
                return carry + t
            lax.fori_loop(0, 256, scan_b, jnp.int32(0), unroll=4)

            @plsc.parallel_loop(0, 256, 1, unroll=4)
            def _scan_c(dd):
                obuf[pl.ds(dd * 16, 16)] = obuf[pl.ds(dd * 16, 16)] + tot[dd]

            last = p == 3

            @plsc.parallel_loop(0, NV, 1, unroll=4)
            def _perm(t):
                k = kin[pl.ds(t * 16, 16)]
                v = iin[pl.ds(t * 16, 16)]
                hidx = dbuf[pl.ds(t * 16, 16)]
                pos = plsc.load_gather(obuf, [hidx]) + rnk[pl.ds(t * 16, 16)]
                if not last:
                    a2 = jnp.bitwise_and(pos, 255)
                    pos = a2 * 16 + jnp.bitwise_and(
                        jnp.right_shift(pos, 8) + a2, 15)
                plsc.store_scatter(kout, [pos], k)
                plsc.store_scatter(iout, [pos], v)

        base_row = b * N

        @plsc.parallel_loop(0, NV, 1, unroll=4)
        def _add(t):
            ib0[pl.ds(t * 16, 16)] = ib0[pl.ds(t * 16, 16)] + base_row
        pltpu.sync_copy(ib0, perm_sh.at[s])

    plsc.subcore_barrier()

    j = s // 2
    b = c * BPC + j
    out_base = b * N + (s % 2) * HALF
    pltpu.sync_copy(perm_sh.at[j, pl.ds((s % 2) * HALF, HALF)], idxbuf)

    def fire(ck, rbuf_, sem_):
        pltpu.async_copy(
            x_hbm.at[idxbuf.at[pl.ds(ck * CHUNK, CHUNK)]], rbuf_, sem_)

    for bb in range(NBUF):
        fire(bb, rows[bb], sems[bb])

    def g_body(g, carry):
        for bb in range(NBUF):
            ck = g * NBUF + bb
            pltpu.make_async_copy(
                x_hbm.at[idxbuf.at[pl.ds(ck * CHUNK, CHUNK)]], rows[bb],
                sems[bb]).wait()
            pltpu.sync_copy(rows[bb],
                            out_hbm.at[pl.ds(out_base + ck * CHUNK, CHUNK)])

            @pl.when(g < NGRP - 1)
            def _():
                fire(ck + NBUF, rows[bb], sems[bb])
        return carry
    lax.fori_loop(0, NGRP, g_body, jnp.int32(0))


_sorter = pl.kernel(
    _body,
    out_type=jax.ShapeDtypeStruct((B * N, D), jnp.float32),
    mesh=plsc.VectorSubcoreMesh(core_axis_name="c", subcore_axis_name="s"),
    compiler_params=pltpu.CompilerParams(needs_layout_passes=False),
    scratch_types=[
        pltpu.VMEM((N,), jnp.int32),
        pltpu.VMEM((N,), jnp.int32),
        pltpu.VMEM((N,), jnp.int32),
        pltpu.VMEM((N,), jnp.int32),
        pltpu.VMEM((N,), jnp.int32),
        pltpu.VMEM((N,), jnp.int32),
        pltpu.VMEM((4096,), jnp.int32),
        pltpu.VMEM((4096,), jnp.int32),
        pltpu.VMEM((N,), jnp.int32),
        pltpu.VMEM((N,), jnp.int32),
        pltpu.SMEM((256,), jnp.int32),
        pltpu.VMEM((HALF,), jnp.int32),
        pltpu.VMEM((CHUNK, D), jnp.float32),
        pltpu.VMEM((CHUNK, D), jnp.float32),
        pltpu.VMEM((CHUNK, D), jnp.float32),
        pltpu.VMEM((CHUNK, D), jnp.float32),
        pltpu.VMEM_SHARED((BPC, N), jnp.int32),
        pltpu.SemaphoreType.DMA,
        pltpu.SemaphoreType.DMA,
        pltpu.SemaphoreType.DMA,
        pltpu.SemaphoreType.DMA,
    ],
)


@jax.jit
def kernel(set_inputs, mag, mask):
    x = set_inputs.reshape(B * N, D)
    mag2 = lax.bitcast_convert_type(mag.reshape(B, N), jnp.int32)
    mask2 = mask.reshape(B, N).astype(jnp.int32)
    out = _sorter(x, mag2, mask2)
    return out.reshape(B, N, D)

# --- scband reference (transcript-rebuilt; emitter-appended) ---
"""Pipeline reference for scband-masked-set-sorter-47278999994588 (READ-ONLY COPY).

The authoritative reference and input builder live on the scoring server;
editing this copy changes nothing except your own understanding.
"""

import jax, jax.numpy as jnp
import numpy as np


def setup_inputs(seed: int = 0) -> dict:
    key = jax.random.key(seed)
    k1, k2, k3 = jax.random.split(key, 3)
    B, N, d = 16, 4096, 256
    set_inputs = jax.random.normal(k1, (B, N, d), dtype=jnp.float32)
    mag = jax.random.normal(k2, (B, N, 1), dtype=jnp.float32)
    mask = jax.random.randint(k3, (B, N, 1), 0, 2).astype(bool)
    return {"set_inputs": set_inputs, "mag": mag, "mask": mask}


def reference(set_inputs, mag, mask):
    # mag -> absolute ranking magnitude
    m = jnp.abs(mag)
    # masked (invalid) entries pushed to the end: replace with (per-sample max + 1)
    mask_b = mask.astype(bool)
    max_per_sample = jnp.max(m, axis=1, keepdims=True)
    large_val = max_per_sample + 1.0
    m = jnp.where(mask_b, m, jnp.broadcast_to(large_val, m.shape))
    # ascending argsort over the set dimension
    sort_indices = jnp.argsort(m[:, :, 0], axis=1)
    # batched gather (equivalent of tf.gather with batch_dims=1)
    sorted_x = jnp.take_along_axis(set_inputs, sort_indices[:, :, None], axis=1)
    return sorted_x

if __name__ == "__main__":
    import jax
    _d = setup_inputs()
    print(jax.jit(kernel)(*tuple(_d.values())))

</pallas_src>

<mosaic_0001>
#map = affine_map<(d0, d1) -> (0, 0)>
module attributes {stable_mosaic.version = 14 : i64} {
  func.func @_body(%arg0: i32, %arg1: i32, %arg2: memref<65536x256xf32, #tpu.memory_space<hbm>>, %arg3: memref<16x4096xi32, #tpu.memory_space<hbm>>, %arg4: memref<16x4096xi32, #tpu.memory_space<hbm>>, %arg5: memref<65536x256xf32, #tpu.memory_space<hbm>>, %arg6: memref<4096xi32, #tpu.memory_space<vmem>>, %arg7: memref<4096xi32, #tpu.memory_space<vmem>>, %arg8: memref<4096xi32, #tpu.memory_space<vmem>>, %arg9: memref<4096xi32, #tpu.memory_space<vmem>>, %arg10: memref<4096xi32, #tpu.memory_space<vmem>>, %arg11: memref<4096xi32, #tpu.memory_space<vmem>>, %arg12: memref<4096xi32, #tpu.memory_space<vmem>>, %arg13: memref<4096xi32, #tpu.memory_space<vmem>>, %arg14: memref<4096xi32, #tpu.memory_space<vmem>>, %arg15: memref<4096xi32, #tpu.memory_space<vmem>>, %arg16: memref<256xi32, #tpu.memory_space<smem>>, %arg17: memref<2048xi32, #tpu.memory_space<vmem>>, %arg18: memref<64x256xf32, #tpu.memory_space<vmem>>, %arg19: memref<64x256xf32, #tpu.memory_space<vmem>>, %arg20: memref<64x256xf32, #tpu.memory_space<vmem>>, %arg21: memref<64x256xf32, #tpu.memory_space<vmem>>, %arg22: memref<8x4096xi32, #tpu.memory_space<vmem_shared>>, %arg23: memref<!tpu.dma_semaphore, #tpu.memory_space<semaphore_mem>>, %arg24: memref<!tpu.dma_semaphore, #tpu.memory_space<semaphore_mem>>, %arg25: memref<!tpu.dma_semaphore, #tpu.memory_space<semaphore_mem>>, %arg26: memref<!tpu.dma_semaphore, #tpu.memory_space<semaphore_mem>>) attributes {dimension_semantics = [#tpu.dimension_semantics<core_parallel>, #tpu.dimension_semantics<subcore_parallel>], iteration_bounds = array<i64: 2, 16>, scalar_prefetch = 0 : i64, scratch_operands = 21 : i64, tpu.core_type = #tpu.core_type<sc_vector_subcore>, window_params = [{transform_indices = #map}, {transform_indices = #map}, {transform_indices = #map}, {transform_indices = #map}]} {
    %iota3A = tpu.iota {dimensions = array<i32: 0>} : vector<16xi32>
    %lt3A = arith.constant 8 : i32
    %lt3A_0 = arith.cmpi slt, %arg1, %lt3A : i32
    %convert_element_type3A = arith.extui %lt3A_0 : i1 to i32
    %cond3A = arith.constant 0 : i32
    %cond3A_1 = arith.cmpi ne, %convert_element_type3A, %cond3A : i32
    scf.if %cond3A_1 {
      %mul3A_81 = arith.constant 8 : i32
      %mul3A_82 = arith.muli %arg0, %mul3A_81 : i32
      %add3A_83 = arith.addi %mul3A_82, %arg1 : i32
      "tpu.region"() ({
        %run_scoped3A = tpu.sem_alloc : memref<!tpu.dma_semaphore, #tpu.memory_space<semaphore_mem>>
        %dma_start3A_194 = arith.constant 0 : i32
        %dma_start3A_195 = tpu.memref_slice %arg3[%add3A_83, %dma_start3A_194] : memref<16x4096xi32, #tpu.memory_space<hbm>> -> memref<1x4096xi32, #tpu.memory_space<hbm>>
        %dma_start3A_196 = tpu.memref_squeeze %dma_start3A_195 : memref<1x4096xi32, #tpu.memory_space<hbm>> -> memref<4096xi32, #tpu.memory_space<hbm>>
        %dma_start3A_197 = arith.constant 0 : i32
        %dma_start3A_198 = tpu.memref_slice %arg3[%add3A_83, %dma_start3A_197] : memref<16x4096xi32, #tpu.memory_space<hbm>> -> memref<1x4096xi32, #tpu.memory_space<hbm>>
        %dma_start3A_199 = tpu.memref_squeeze %dma_start3A_198 : memref<1x4096xi32, #tpu.memory_space<hbm>> -> memref<4096xi32, #tpu.memory_space<hbm>>
        tpu.enqueue_dma source(%dma_start3A_199 : memref<4096xi32, #tpu.memory_space<hbm>>) target(%arg6 : memref<4096xi32, #tpu.memory_space<vmem>>) target_semaphore(%run_scoped3A : memref<!tpu.dma_semaphore, #tpu.memory_space<semaphore_mem>>)
        %dma_wait3A = arith.constant 0 : i32
        %dma_wait3A_200 = tpu.memref_slice %arg3[%add3A_83, %dma_wait3A] : memref<16x4096xi32, #tpu.memory_space<hbm>> -> memref<1x4096xi32, #tpu.memory_space<hbm>>
        %dma_wait3A_201 = tpu.memref_squeeze %dma_wait3A_200 : memref<1x4096xi32, #tpu.memory_space<hbm>> -> memref<4096xi32, #tpu.memory_space<hbm>>
        %dma_wait3A_202 = arith.constant 0 : i32
        %dma_wait3A_203 = tpu.memref_slice %arg3[%add3A_83, %dma_wait3A_202] : memref<16x4096xi32, #tpu.memory_space<hbm>> -> memref<1x4096xi32, #tpu.memory_space<hbm>>
        %dma_wait3A_204 = tpu.memref_squeeze %dma_wait3A_203 : memref<1x4096xi32, #tpu.memory_space<hbm>> -> memref<4096xi32, #tpu.memory_space<hbm>>
        tpu.wait_dma2 semaphore(%run_scoped3A : memref<!tpu.dma_semaphore, #tpu.memory_space<semaphore_mem>>) src(%dma_wait3A_204 : memref<4096xi32, #tpu.memory_space<hbm>>) dst(%arg6 : memref<4096xi32, #tpu.memory_space<vmem>>)
        tpu.yield
      }) : () -> ()
      "tpu.region"() ({
        %run_scoped3A = tpu.sem_alloc : memref<!tpu.dma_semaphore, #tpu.memory_space<semaphore_mem>>
        %dma_start3A_194 = arith.constant 0 : i32
        %dma_start3A_195 = tpu.memref_slice %arg4[%add3A_83, %dma_start3A_194] : memref<16x4096xi32, #tpu.memory_space<hbm>> -> memref<1x4096xi32, #tpu.memory_space<hbm>>
        %dma_start3A_196 = tpu.memref_squeeze %dma_start3A_195 : memref<1x4096xi32, #tpu.memory_space<hbm>> -> memref<4096xi32, #tpu.memory_space<hbm>>
        %dma_start3A_197 = arith.constant 0 : i32
        %dma_start3A_198 = tpu.memref_slice %arg4[%add3A_83, %dma_start3A_197] : memref<16x4096xi32, #tpu.memory_space<hbm>> -> memref<1x4096xi32, #tpu.memory_space<hbm>>
        %dma_start3A_199 = tpu.memref_squeeze %dma_start3A_198 : memref<1x4096xi32, #tpu.memory_space<hbm>> -> memref<4096xi32, #tpu.memory_space<hbm>>
        tpu.enqueue_dma source(%dma_start3A_199 : memref<4096xi32, #tpu.memory_space<hbm>>) target(%arg7 : memref<4096xi32, #tpu.memory_space<vmem>>) target_semaphore(%run_scoped3A : memref<!tpu.dma_semaphore, #tpu.memory_space<semaphore_mem>>)
        %dma_wait3A = arith.constant 0 : i32
        %dma_wait3A_200 = tpu.memref_slice %arg4[%add3A_83, %dma_wait3A] : memref<16x4096xi32, #tpu.memory_space<hbm>> -> memref<1x4096xi32, #tpu.memory_space<hbm>>
        %dma_wait3A_201 = tpu.memref_squeeze %dma_wait3A_200 : memref<1x4096xi32, #tpu.memory_space<hbm>> -> memref<4096xi32, #tpu.memory_space<hbm>>
        %dma_wait3A_202 = arith.constant 0 : i32
        %dma_wait3A_203 = tpu.memref_slice %arg4[%add3A_83, %dma_wait3A_202] : memref<16x4096xi32, #tpu.memory_space<hbm>> -> memref<1x4096xi32, #tpu.memory_space<hbm>>
        %dma_wait3A_204 = tpu.memref_squeeze %dma_wait3A_203 : memref<1x4096xi32, #tpu.memory_space<hbm>> -> memref<4096xi32, #tpu.memory_space<hbm>>
        tpu.wait_dma2 semaphore(%run_scoped3A : memref<!tpu.dma_semaphore, #tpu.memory_space<semaphore_mem>>) src(%dma_wait3A_204 : memref<4096xi32, #tpu.memory_space<hbm>>) dst(%arg7 : memref<4096xi32, #tpu.memory_space<vmem>>)
        tpu.yield
      }) : () -> ()
      %broadcast_in_dim3A = arith.constant 0 : i32
      %broadcast_in_dim3A_84 = vector.broadcast %broadcast_in_dim3A : i32 to vector<16xi32>
      %broadcast_in_dim3A_85 = arith.constant 1 : i32
      %broadcast_in_dim3A_86 = vector.broadcast %broadcast_in_dim3A_85 : i32 to vector<16xi32>
      %parallel_loop3A = arith.constant 0 : i32
      %parallel_loop3A_87 = arith.constant 256 : i32
      %parallel_loop3A_88 = arith.constant 1 : i32
      scf.for %parallel_loop3A_194 = %parallel_loop3A to %parallel_loop3A_87 step %parallel_loop3A_88  : i32 {
        %parallel_loop3A_195 = arith.constant 16 : i32
        %parallel_loop3A_196 = arith.muli %parallel_loop3A_194, %parallel_loop3A_195 : i32
        %parallel_loop3A_197 = arith.index_cast %parallel_loop3A_196 : i32 to index
        %parallel_loop3A_198 = tpu.vector_load %arg6[%parallel_loop3A_197] {strides = array<i32>} : memref<4096xi32, #tpu.memory_space<vmem>>, vector<16xi32>,
        %parallel_loop3A_199 = arith.constant 2147483647 : i32
        %parallel_loop3A_200 = vector.broadcast %parallel_loop3A_199 : i32 to vector<16xi32>
        %parallel_loop3A_201 = arith.andi %parallel_loop3A_198, %parallel_loop3A_200 : vector<16xi32>
        %parallel_loop3A_202 = arith.constant 16 : i32
        %parallel_loop3A_203 = arith.muli %parallel_loop3A_194, %parallel_loop3A_202 : i32
        %parallel_loop3A_204 = arith.index_cast %parallel_loop3A_203 : i32 to index
        %parallel_loop3A_205 = tpu.vector_load %arg7[%parallel_loop3A_204] {strides = array<i32>} : memref<4096xi32, #tpu.memory_space<vmem>>, vector<16xi32>,
        %parallel_loop3A_206 = arith.constant 16 : i32
        %parallel_loop3A_207 = arith.muli %parallel_loop3A_194, %parallel_loop3A_206 : i32
        %parallel_loop3A_208 = vector.broadcast %parallel_loop3A_207 : i32 to vector<16xi32>
        %parallel_loop3A_209 = arith.addi %parallel_loop3A_208, %iota3A : vector<16xi32>
        %parallel_loop3A_210 = arith.constant 255 : i32
        %parallel_loop3A_211 = vector.broadcast %parallel_loop3A_210 : i32 to vector<16xi32>
        %parallel_loop3A_212 = arith.andi %parallel_loop3A_209, %parallel_loop3A_211 : vector<16xi32>
        %parallel_loop3A_213 = arith.constant 16 : i32
        %parallel_loop3A_214 = vector.broadcast %parallel_loop3A_213 : i32 to vector<16xi32>
        %parallel_loop3A_215 = arith.muli %parallel_loop3A_212, %parallel_loop3A_214 : vector<16xi32>
        %parallel_loop3A_216 = arith.constant 8 : i32
        %parallel_loop3A_217 = vector.broadcast %parallel_loop3A_216 : i32 to vector<16xi32>
        %parallel_loop3A_218 = arith.shrsi %parallel_loop3A_209, %parallel_loop3A_217 : vector<16xi32>
        %parallel_loop3A_219 = arith.addi %parallel_loop3A_218, %parallel_loop3A_212 : vector<16xi32>
        %parallel_loop3A_220 = arith.constant 15 : i32
        %parallel_loop3A_221 = vector.broadcast %parallel_loop3A_220 : i32 to vector<16xi32>
        %parallel_loop3A_222 = arith.andi %parallel_loop3A_219, %parallel_loop3A_221 : vector<16xi32>
        %parallel_loop3A_223 = arith.addi %parallel_loop3A_215, %parallel_loop3A_222 : vector<16xi32>
        %parallel_loop3A_224 = arith.constant 0 : i32
        %parallel_loop3A_225 = vector.broadcast %parallel_loop3A_224 : i32 to vector<16xi32>
        %parallel_loop3A_226 = arith.cmpi ne, %parallel_loop3A_205, %parallel_loop3A_225 : vector<16xi32>
        %parallel_loop3A_227 = arith.constant 2139095040 : i32
        %parallel_loop3A_228 = vector.broadcast %parallel_loop3A_227 : i32 to vector<16xi32>
        %parallel_loop3A_229 = arith.select %parallel_loop3A_226, %parallel_loop3A_201, %parallel_loop3A_228 : vector<16xi1>, vector<16xi32>
        tpu.vector_store_idx %arg8[%parallel_loop3A_223], %parallel_loop3A_229 : memref<4096xi32, #tpu.memory_space<vmem>>[vector<16xi32>], vector<16xi32>,
        %parallel_loop3A_230 = vector.broadcast %parallel_loop3A_194 : i32 to vector<16xi32>
        %parallel_loop3A_231 = arith.subi %iota3A, %parallel_loop3A_230 : vector<16xi32>
        %parallel_loop3A_232 = arith.constant 15 : i32
        %parallel_loop3A_233 = vector.broadcast %parallel_loop3A_232 : i32 to vector<16xi32>
        %parallel_loop3A_234 = arith.andi %parallel_loop3A_231, %parallel_loop3A_233 : vector<16xi32>
        %parallel_loop3A_235 = arith.constant 256 : i32
        %parallel_loop3A_236 = vector.broadcast %parallel_loop3A_235 : i32 to vector<16xi32>
        %parallel_loop3A_237 = arith.muli %parallel_loop3A_234, %parallel_loop3A_236 : vector<16xi32>
        %parallel_loop3A_238 = vector.broadcast %parallel_loop3A_194 : i32 to vector<16xi32>
        %parallel_loop3A_239 = arith.addi %parallel_loop3A_237, %parallel_loop3A_238 : vector<16xi32>
        %parallel_loop3A_240 = arith.constant 16 : i32
        %parallel_loop3A_241 = arith.muli %parallel_loop3A_194, %parallel_loop3A_240 : i32
        %parallel_loop3A_242 = arith.index_cast %parallel_loop3A_241 : i32 to index
        %parallel_loop3A_243 = tpu.vector_load %arg9[%parallel_loop3A_242] {strides = array<i32>} : memref<4096xi32, #tpu.memory_space<vmem>>, vector<16xi32>,
        tpu.vector_store %arg9[%parallel_loop3A_242], %parallel_loop3A_239 {strides = array<i32>} : memref<4096xi32, #tpu.memory_space<vmem>>, vector<16xi32>,
        %parallel_loop3A_244 = arith.constant 16 : i32
        %parallel_loop3A_245 = arith.muli %parallel_loop3A_194, %parallel_loop3A_244 : i32
        %parallel_loop3A_246 = arith.index_cast %parallel_loop3A_245 : i32 to index
        %parallel_loop3A_247 = tpu.vector_load %arg12[%parallel_loop3A_246] {strides = array<i32>} : memref<4096xi32, #tpu.memory_space<vmem>>, vector<16xi32>,
        tpu.vector_store %arg12[%parallel_loop3A_246], %broadcast_in_dim3A_84 {strides = array<i32>} : memref<4096xi32, #tpu.memory_space<vmem>>, vector<16xi32>,
      } {sc.loop_unroll_factor = 4 : i64, sc.parallel_access}
      %parallel_loop3A_89 = arith.constant 0 : i32
      %parallel_loop3A_90 = arith.constant 256 : i32
      %parallel_loop3A_91 = arith.constant 1 : i32
      scf.for %parallel_loop3A_194 = %parallel_loop3A_89 to %parallel_loop3A_90 step %parallel_loop3A_91  : i32 {
        %parallel_loop3A_195 = arith.constant 16 : i32
        %parallel_loop3A_196 = arith.muli %parallel_loop3A_194, %parallel_loop3A_195 : i32
        %parallel_loop3A_197 = arith.index_cast %parallel_loop3A_196 : i32 to index
        %parallel_loop3A_198 = tpu.vector_load %arg8[%parallel_loop3A_197] {strides = array<i32>} : memref<4096xi32, #tpu.memory_space<vmem>>, vector<16xi32>,
        %parallel_loop3A_199 = vector.broadcast %parallel_loop3A_194 : i32 to vector<16xi32>
        %parallel_loop3A_200 = arith.subi %iota3A, %parallel_loop3A_199 : vector<16xi32>
        %parallel_loop3A_201 = arith.constant 15 : i32
        %parallel_loop3A_202 = vector.broadcast %parallel_loop3A_201 : i32 to vector<16xi32>
        %parallel_loop3A_203 = arith.andi %parallel_loop3A_200, %parallel_loop3A_202 : vector<16xi32>
        %parallel_loop3A_204 = arith.constant 0 : i32
        %parallel_loop3A_205 = vector.broadcast %parallel_loop3A_204 : i32 to vector<16xi32>
        %parallel_loop3A_206 = arith.shrsi %parallel_loop3A_198, %parallel_loop3A_205 : vector<16xi32>
        %parallel_loop3A_207 = arith.constant 255 : i32
        %parallel_loop3A_208 = vector.broadcast %parallel_loop3A_207 : i32 to vector<16xi32>
        %parallel_loop3A_209 = arith.andi %parallel_loop3A_206, %parallel_loop3A_208 : vector<16xi32>
        %parallel_loop3A_210 = arith.constant 16 : i32
        %parallel_loop3A_211 = vector.broadcast %parallel_loop3A_210 : i32 to vector<16xi32>
        %parallel_loop3A_212 = arith.muli %parallel_loop3A_209, %parallel_loop3A_211 : vector<16xi32>
        %parallel_loop3A_213 = arith.addi %parallel_loop3A_212, %parallel_loop3A_203 : vector<16xi32>
        %parallel_loop3A_214 = arith.constant 16 : i32
        %parallel_loop3A_215 = arith.muli %parallel_loop3A_194, %parallel_loop3A_214 : i32
        %parallel_loop3A_216 = arith.index_cast %parallel_loop3A_215 : i32 to index
        %parallel_loop3A_217 = tpu.vector_load %arg14[%parallel_loop3A_216] {strides = array<i32>} : memref<4096xi32, #tpu.memory_space<vmem>>, vector<16xi32>,
        tpu.vector_store %arg14[%parallel_loop3A_216], %parallel_loop3A_213 {strides = array<i32>} : memref<4096xi32, #tpu.memory_space<vmem>>, vector<16xi32>,
      } {sc.loop_unroll_factor = 4 : i64, sc.parallel_access}
      %scan3A_92 = arith.constant 0 : i32
      %scan3A_93 = arith.constant 0 : i32
      %scan3A_94 = arith.constant 256 : i32
      %scan3A_95 = arith.addi %scan3A_93, %scan3A_94 : i32
      %scan3A_96 = arith.constant 4 : i32
      scf.for %scan3A_194 = %scan3A_93 to %scan3A_95 step %scan3A_96  : i32 {
        %mul3A_195 = arith.constant 16 : i32
        %mul3A_196 = arith.muli %scan3A_194, %mul3A_195 : i32
        %get3A = arith.index_cast %mul3A_196 : i32 to index
        %get3A_197 = tpu.vector_load %arg14[%get3A] {strides = array<i32>} : memref<4096xi32, #tpu.memory_space<vmem>>, vector<16xi32>,
        %gather3A = tpu.vector_load_idx %arg12[%get3A_197] : memref<4096xi32, #tpu.memory_space<vmem>>[vector<16xi32>], vector<16xi32>,
        %mul3A_198 = arith.constant 16 : i32
        %mul3A_199 = arith.muli %scan3A_194, %mul3A_198 : i32
        %swap3A = arith.index_cast %mul3A_199 : i32 to index
        %swap3A_200 = tpu.vector_load %arg15[%swap3A] {strides = array<i32>} : memref<4096xi32, #tpu.memory_space<vmem>>, vector<16xi32>,
        tpu.vector_store %arg15[%swap3A], %gather3A {strides = array<i32>} : memref<4096xi32, #tpu.memory_space<vmem>>, vector<16xi32>,
        tpu.vector_store_idx %arg12[%get3A_197], %broadcast_in_dim3A_86 {add = true} : memref<4096xi32, #tpu.memory_space<vmem>>[vector<16xi32>], vector<16xi32>,
        %scan3A_201 = arith.constant 1 : i32
        %scan3A_202 = arith.addi %scan3A_194, %scan3A_201 : i32
        %mul3A_203 = arith.constant 16 : i32
        %mul3A_204 = arith.muli %scan3A_202, %mul3A_203 : i32
        %get3A_205 = arith.index_cast %mul3A_204 : i32 to index
        %get3A_206 = tpu.vector_load %arg14[%get3A_205] {strides = array<i32>} : memref<4096xi32, #tpu.memory_space<vmem>>, vector<16xi32>,
        %gather3A_207 = tpu.vector_load_idx %arg12[%get3A_206] : memref<4096xi32, #tpu.memory_space<vmem>>[vector<16xi32>], vector<16xi32>,
        %mul3A_208 = arith.constant 16 : i32
        %mul3A_209 = arith.muli %scan3A_202, %mul3A_208 : i32
        %swap3A_210 = arith.index_cast %mul3A_209 : i32 to index
        %swap3A_211 = tpu.vector_load %arg15[%swap3A_210] {strides = array<i32>} : memref<4096xi32, #tpu.memory_space<vmem>>, vector<16xi32>,
        tpu.vector_store %arg15[%swap3A_210], %gather3A_207 {strides = array<i32>} : memref<4096xi32, #tpu.memory_space<vmem>>, vector<16xi32>,
        tpu.vector_store_idx %arg12[%get3A_206], %broadcast_in_dim3A_86 {add = true} : memref<4096xi32, #tpu.memory_space<vmem>>[vector<16xi32>], vector<16xi32>,
        %scan3A_212 = arith.constant 2 : i32
        %scan3A_213 = arith.addi %scan3A_194, %scan3A_212 : i32
        %mul3A_214 = arith.constant 16 : i32
        %mul3A_215 = arith.muli %scan3A_213, %mul3A_214 : i32
        %get3A_216 = arith.index_cast %mul3A_215 : i32 to index
        %get3A_217 = tpu.vector_load %arg14[%get3A_216] {strides = array<i32>} : memref<4096xi32, #tpu.memory_space<vmem>>, vector<16xi32>,
        %gather3A_218 = tpu.vector_load_idx %arg12[%get3A_217] : memref<4096xi32, #tpu.memory_space<vmem>>[vector<16xi32>], vector<16xi32>,
        %mul3A_219 = arith.constant 16 : i32
        %mul3A_220 = arith.muli %scan3A_213, %mul3A_219 : i32
        %swap3A_221 = arith.index_cast %mul3A_220 : i32 to index
        %swap3A_222 = tpu.vector_load %arg15[%swap3A_221] {strides = array<i32>} : memref<4096xi32, #tpu.memory_space<vmem>>, vector<16xi32>,
        tpu.vector_store %arg15[%swap3A_221], %gather3A_218 {strides = array<i32>} : memref<4096xi32, #tpu.memory_space<vmem>>, vector<16xi32>,
        tpu.vector_store_idx %arg12[%get3A_217], %broadcast_in_dim3A_86 {add = true} : memref<4096xi32, #tpu.memory_space<vmem>>[vector<16xi32>], vector<16xi32>,
        %scan3A_223 = arith.constant 3 : i32
        %scan3A_224 = arith.addi %scan3A_194, %scan3A_223 : i32
        %mul3A_225 = arith.constant 16 : i32
        %mul3A_226 = arith.muli %scan3A_224, %mul3A_225 : i32
        %get3A_227 = arith.index_cast %mul3A_226 : i32 to index
        %get3A_228 = tpu.vector_load %arg14[%get3A_227] {strides = array<i32>} : memref<4096xi32, #tpu.memory_space<vmem>>, vector<16xi32>,
        %gather3A_229 = tpu.vector_load_idx %arg12[%get3A_228] : memref<4096xi32, #tpu.memory_space<vmem>>[vector<16xi32>], vector<16xi32>,
        %mul3A_230 = arith.constant 16 : i32
        %mul3A_231 = arith.muli %scan3A_224, %mul3A_230 : i32
        %swap3A_232 = arith.index_cast %mul3A_231 : i32 to index
        %swap3A_233 = tpu.vector_load %arg15[%swap3A_232] {strides = array<i32>} : memref<4096xi32, #tpu.memory_space<vmem>>, vector<16xi32>,
        tpu.vector_store %arg15[%swap3A_232], %gather3A_229 {strides = array<i32>} : memref<4096xi32, #tpu.memory_space<vmem>>, vector<16xi32>,
        tpu.vector_store_idx %arg12[%get3A_228], %broadcast_in_dim3A_86 {add = true} : memref<4096xi32, #tpu.memory_space<vmem>>[vector<16xi32>], vector<16xi32>,
      }
      %scan3A_97 = arith.constant 256 : i32
      %parallel_loop3A_98 = arith.constant 0 : i32
      %parallel_loop3A_99 = arith.constant 256 : i32
      %parallel_loop3A_100 = arith.constant 1 : i32
      scf.for %parallel_loop3A_194 = %parallel_loop3A_98 to %parallel_loop3A_99 step %parallel_loop3A_100  : i32 {
        %parallel_loop3A_195 = arith.constant 16 : i32
        %parallel_loop3A_196 = arith.muli %parallel_loop3A_194, %parallel_loop3A_195 : i32
        %parallel_loop3A_197 = arith.index_cast %parallel_loop3A_196 : i32 to index
        %parallel_loop3A_198 = tpu.vector_load %arg12[%parallel_loop3A_197] {strides = array<i32>} : memref<4096xi32, #tpu.memory_space<vmem>>, vector<16xi32>,
        %parallel_loop3A_199 = arith.constant true
        %parallel_loop3A_200 = vector.broadcast %parallel_loop3A_199 : i1 to vector<16xi1>
        %parallel_loop3A_201 = tpu.scan <sum>, %parallel_loop3A_198 masked %parallel_loop3A_200 : vector<16xi32>, vector<16xi1> -> vector<16xi32>
        %parallel_loop3A_202 = arith.subi %parallel_loop3A_201, %parallel_loop3A_198 : vector<16xi32>
        %parallel_loop3A_203 = arith.constant 16 : i32
        %parallel_loop3A_204 = arith.muli %parallel_loop3A_194, %parallel_loop3A_203 : i32
        %parallel_loop3A_205 = arith.index_cast %parallel_loop3A_204 : i32 to index
        %parallel_loop3A_206 = tpu.vector_load %arg13[%parallel_loop3A_205] {strides = array<i32>} : memref<4096xi32, #tpu.memory_space<vmem>>, vector<16xi32>,
        tpu.vector_store %arg13[%parallel_loop3A_205], %parallel_loop3A_202 {strides = array<i32>} : memref<4096xi32, #tpu.memory_space<vmem>>, vector<16xi32>,
        %parallel_loop3A_207 = arith.constant true
        %parallel_loop3A_208 = vector.broadcast %parallel_loop3A_207 : i1 to vector<16xi1>
        %parallel_loop3A_209 = tpu.scan <sum>, %parallel_loop3A_198 masked %parallel_loop3A_208 : vector<16xi32>, vector<16xi1> -> vector<16xi32>
        %parallel_loop3A_210 = vector.extract %parallel_loop3A_209[15] : i32 from vector<16xi32>
        %parallel_loop3A_211 = arith.index_cast %parallel_loop3A_194 : i32 to index
        %parallel_loop3A_212 = memref.load %arg16[%parallel_loop3A_211] : memref<256xi32, #tpu.memory_space<smem>>
        memref.store %parallel_loop3A_210, %arg16[%parallel_loop3A_211] : memref<256xi32, #tpu.memory_space<smem>>
        %parallel_loop3A_213 = arith.constant 16 : i32
        %parallel_loop3A_214 = arith.muli %parallel_loop3A_194, %parallel_loop3A_213 : i32
        %parallel_loop3A_215 = arith.index_cast %parallel_loop3A_214 : i32 to index
        %parallel_loop3A_216 = tpu.vector_load %arg12[%parallel_loop3A_215] {strides = array<i32>} : memref<4096xi32, #tpu.memory_space<vmem>>, vector<16xi32>,
        tpu.vector_store %arg12[%parallel_loop3A_215], %broadcast_in_dim3A_84 {strides = array<i32>} : memref<4096xi32, #tpu.memory_space<vmem>>, vector<16xi32>,
      } {sc.loop_unroll_factor = 4 : i64, sc.parallel_access}
      %scan3A_101 = arith.constant 0 : i32
      %scan3A_102 = arith.constant 0 : i32
      %scan3A_103 = arith.constant 256 : i32
      %scan3A_104 = arith.addi %scan3A_102, %scan3A_103 : i32
      %scan3A_105 = arith.constant 4 : i32
      %scan3A_106 = scf.for %scan3A_194 = %scan3A_102 to %scan3A_104 step %scan3A_105 iter_args(%scan3A_195 = %scan3A_101) -> (i32)  : i32 {
        %get3A = arith.index_cast %scan3A_194 : i32 to index
        %get3A_196 = memref.load %arg16[%get3A] : memref<256xi32, #tpu.memory_space<smem>>
        %swap3A = arith.index_cast %scan3A_194 : i32 to index
        %swap3A_197 = memref.load %arg16[%swap3A] : memref<256xi32, #tpu.memory_space<smem>>
        memref.store %scan3A_195, %arg16[%swap3A] : memref<256xi32, #tpu.memory_space<smem>>
        %add3A_198 = arith.addi %scan3A_195, %get3A_196 : i32
        %scan3A_199 = arith.constant 1 : i32
        %scan3A_200 = arith.addi %scan3A_194, %scan3A_199 : i32
        %get3A_201 = arith.index_cast %scan3A_200 : i32 to index
        %get3A_202 = memref.load %arg16[%get3A_201] : memref<256xi32, #tpu.memory_space<smem>>
        %swap3A_203 = arith.index_cast %scan3A_200 : i32 to index
        %swap3A_204 = memref.load %arg16[%swap3A_203] : memref<256xi32, #tpu.memory_space<smem>>
        memref.store %add3A_198, %arg16[%swap3A_203] : memref<256xi32, #tpu.memory_space<smem>>
        %add3A_205 = arith.addi %add3A_198, %get3A_202 : i32
        %scan3A_206 = arith.constant 2 : i32
        %scan3A_207 = arith.addi %scan3A_194, %scan3A_206 : i32
        %get3A_208 = arith.index_cast %scan3A_207 : i32 to index
        %get3A_209 = memref.load %arg16[%get3A_208] : memref<256xi32, #tpu.memory_space<smem>>
        %swap3A_210 = arith.index_cast %scan3A_207 : i32 to index
        %swap3A_211 = memref.load %arg16[%swap3A_210] : memref<256xi32, #tpu.memory_space<smem>>
        memref.store %add3A_205, %arg16[%swap3A_210] : memref<256xi32, #tpu.memory_space<smem>>
        %add3A_212 = arith.addi %add3A_205, %get3A_209 : i32
        %scan3A_213 = arith.constant 3 : i32
        %scan3A_214 = arith.addi %scan3A_194, %scan3A_213 : i32
        %get3A_215 = arith.index_cast %scan3A_214 : i32 to index
        %get3A_216 = memref.load %arg16[%get3A_215] : memref<256xi32, #tpu.memory_space<smem>>
        %swap3A_217 = arith.index_cast %scan3A_214 : i32 to index
        %swap3A_218 = memref.load %arg16[%swap3A_217] : memref<256xi32, #tpu.memory_space<smem>>
        memref.store %add3A_212, %arg16[%swap3A_217] : memref<256xi32, #tpu.memory_space<smem>>
        %add3A_219 = arith.addi %add3A_212, %get3A_216 : i32
        scf.yield %add3A_219 : i32
      }
      %scan3A_107 = arith.constant 256 : i32
      %parallel_loop3A_108 = arith.constant 0 : i32
      %parallel_loop3A_109 = arith.constant 256 : i32
      %parallel_loop3A_110 = arith.constant 1 : i32
      scf.for %parallel_loop3A_194 = %parallel_loop3A_108 to %parallel_loop3A_109 step %parallel_loop3A_110  : i32 {
        %parallel_loop3A_195 = arith.constant 16 : i32
        %parallel_loop3A_196 = arith.muli %parallel_loop3A_194, %parallel_loop3A_195 : i32
        %parallel_loop3A_197 = arith.index_cast %parallel_loop3A_196 : i32 to index
        %parallel_loop3A_198 = tpu.vector_load %arg13[%parallel_loop3A_197] {strides = array<i32>} : memref<4096xi32, #tpu.memory_space<vmem>>, vector<16xi32>,
        %parallel_loop3A_199 = arith.index_cast %parallel_loop3A_194 : i32 to index
        %parallel_loop3A_200 = memref.load %arg16[%parallel_loop3A_199] : memref<256xi32, #tpu.memory_space<smem>>
        %parallel_loop3A_201 = vector.broadcast %parallel_loop3A_200 : i32 to vector<16xi32>
        %parallel_loop3A_202 = arith.addi %parallel_loop3A_198, %parallel_loop3A_201 : vector<16xi32>
        %parallel_loop3A_203 = arith.constant 16 : i32
        %parallel_loop3A_204 = arith.muli %parallel_loop3A_194, %parallel_loop3A_203 : i32
        %parallel_loop3A_205 = arith.index_cast %parallel_loop3A_204 : i32 to index
        %parallel_loop3A_206 = tpu.vector_load %arg13[%parallel_loop3A_205] {strides = array<i32>} : memref<4096xi32, #tpu.memory_space<vmem>>, vector<16xi32>,
        tpu.vector_store %arg13[%parallel_loop3A_205], %parallel_loop3A_202 {strides = array<i32>} : memref<4096xi32, #tpu.memory_space<vmem>>, vector<16xi32>,
      } {sc.loop_unroll_factor = 4 : i64, sc.parallel_access}
      %parallel_loop3A_111 = arith.constant 0 : i32
      %parallel_loop3A_112 = arith.constant 256 : i32
      %parallel_loop3A_113 = arith.constant 1 : i32
      scf.for %parallel_loop3A_194 = %parallel_loop3A_111 to %parallel_loop3A_112 step %parallel_loop3A_113  : i32 {
        %parallel_loop3A_195 = arith.constant 16 : i32
        %parallel_loop3A_196 = arith.muli %parallel_loop3A_194, %parallel_loop3A_195 : i32
        %parallel_loop3A_197 = arith.index_cast %parallel_loop3A_196 : i32 to index
        %parallel_loop3A_198 = tpu.vector_load %arg8[%parallel_loop3A_197] {strides = array<i32>} : memref<4096xi32, #tpu.memory_space<vmem>>, vector<16xi32>,
        %parallel_loop3A_199 = arith.constant 16 : i32
        %parallel_loop3A_200 = arith.muli %parallel_loop3A_194, %parallel_loop3A_199 : i32
        %parallel_loop3A_201 = arith.index_cast %parallel_loop3A_200 : i32 to index
        %parallel_loop3A_202 = tpu.vector_load %arg9[%parallel_loop3A_201] {strides = array<i32>} : memref<4096xi32, #tpu.memory_space<vmem>>, vector<16xi32>,
        %parallel_loop3A_203 = arith.constant 16 : i32
        %parallel_loop3A_204 = arith.muli %parallel_loop3A_194, %parallel_loop3A_203 : i32
        %parallel_loop3A_205 = arith.index_cast %parallel_loop3A_204 : i32 to index
        %parallel_loop3A_206 = tpu.vector_load %arg14[%parallel_loop3A_205] {strides = array<i32>} : memref<4096xi32, #tpu.memory_space<vmem>>, vector<16xi32>,
        %parallel_loop3A_207 = tpu.vector_load_idx %arg13[%parallel_loop3A_206] : memref<4096xi32, #tpu.memory_space<vmem>>[vector<16xi32>], vector<16xi32>,
        %parallel_loop3A_208 = arith.constant 16 : i32
        %parallel_loop3A_209 = arith.muli %parallel_loop3A_194, %parallel_loop3A_208 : i32
        %parallel_loop3A_210 = arith.index_cast %parallel_loop3A_209 : i32 to index
        %parallel_loop3A_211 = tpu.vector_load %arg15[%parallel_loop3A_210] {strides = array<i32>} : memref<4096xi32, #tpu.memory_space<vmem>>, vector<16xi32>,
        %parallel_loop3A_212 = arith.addi %parallel_loop3A_207, %parallel_loop3A_211 : vector<16xi32>
        %parallel_loop3A_213 = arith.constant 255 : i32
        %parallel_loop3A_214 = vector.broadcast %parallel_loop3A_213 : i32 to vector<16xi32>
        %parallel_loop3A_215 = arith.andi %parallel_loop3A_212, %parallel_loop3A_214 : vector<16xi32>
        %parallel_loop3A_216 = arith.constant 16 : i32
        %parallel_loop3A_217 = vector.broadcast %parallel_loop3A_216 : i32 to vector<16xi32>
        %parallel_loop3A_218 = arith.muli %parallel_loop3A_215, %parallel_loop3A_217 : vector<16xi32>
        %parallel_loop3A_219 = arith.constant 8 : i32
        %parallel_loop3A_220 = vector.broadcast %parallel_loop3A_219 : i32 to vector<16xi32>
        %parallel_loop3A_221 = arith.shrsi %parallel_loop3A_212, %parallel_loop3A_220 : vector<16xi32>
        %parallel_loop3A_222 = arith.addi %parallel_loop3A_221, %parallel_loop3A_215 : vector<16xi32>
        %parallel_loop3A_223 = arith.constant 15 : i32
        %parallel_loop3A_224 = vector.broadcast %parallel_loop3A_223 : i32 to vector<16xi32>
        %parallel_loop3A_225 = arith.andi %parallel_loop3A_222, %parallel_loop3A_224 : vector<16xi32>
        %parallel_loop3A_226 = arith.addi %parallel_loop3A_218, %parallel_loop3A_225 : vector<16xi32>
        tpu.vector_store_idx %arg10[%parallel_loop3A_226], %parallel_loop3A_198 : memref<4096xi32, #tpu.memory_space<vmem>>[vector<16xi32>], vector<16xi32>,
        tpu.vector_store_idx %arg11[%parallel_loop3A_226], %parallel_loop3A_202 : memref<4096xi32, #tpu.memory_space<vmem>>[vector<16xi32>], vector<16xi32>,
      } {sc.loop_unroll_factor = 4 : i64, sc.parallel_access}
      %parallel_loop3A_114 = arith.constant 0 : i32
      %parallel_loop3A_115 = arith.constant 256 : i32
      %parallel_loop3A_116 = arith.constant 1 : i32
      scf.for %parallel_loop3A_194 = %parallel_loop3A_114 to %parallel_loop3A_115 step %parallel_loop3A_116  : i32 {
        %parallel_loop3A_195 = arith.constant 16 : i32
        %parallel_loop3A_196 = arith.muli %parallel_loop3A_194, %parallel_loop3A_195 : i32
        %parallel_loop3A_197 = arith.index_cast %parallel_loop3A_196 : i32 to index
        %parallel_loop3A_198 = tpu.vector_load %arg10[%parallel_loop3A_197] {strides = array<i32>} : memref<4096xi32, #tpu.memory_space<vmem>>, vector<16xi32>,
        %parallel_loop3A_199 = vector.broadcast %parallel_loop3A_194 : i32 to vector<16xi32>
        %parallel_loop3A_200 = arith.subi %iota3A, %parallel_loop3A_199 : vector<16xi32>
        %parallel_loop3A_201 = arith.constant 15 : i32
        %parallel_loop3A_202 = vector.broadcast %parallel_loop3A_201 : i32 to vector<16xi32>
        %parallel_loop3A_203 = arith.andi %parallel_loop3A_200, %parallel_loop3A_202 : vector<16xi32>
        %parallel_loop3A_204 = arith.constant 8 : i32
        %parallel_loop3A_205 = vector.broadcast %parallel_loop3A_204 : i32 to vector<16xi32>
        %parallel_loop3A_206 = arith.shrsi %parallel_loop3A_198, %parallel_loop3A_205 : vector<16xi32>
        %parallel_loop3A_207 = arith.constant 255 : i32
        %parallel_loop3A_208 = vector.broadcast %parallel_loop3A_207 : i32 to vector<16xi32>
        %parallel_loop3A_209 = arith.andi %parallel_loop3A_206, %parallel_loop3A_208 : vector<16xi32>
        %parallel_loop3A_210 = arith.constant 16 : i32
        %parallel_loop3A_211 = vector.broadcast %parallel_loop3A_210 : i32 to vector<16xi32>
        %parallel_loop3A_212 = arith.muli %parallel_loop3A_209, %parallel_loop3A_211 : vector<16xi32>
        %parallel_loop3A_213 = arith.addi %parallel_loop3A_212, %parallel_loop3A_203 : vector<16xi32>
        %parallel_loop3A_214 = arith.constant 16 : i32
        %parallel_loop3A_215 = arith.muli %parallel_loop3A_194, %parallel_loop3A_214 : i32
        %parallel_loop3A_216 = arith.index_cast %parallel_loop3A_215 : i32 to index
        %parallel_loop3A_217 = tpu.vector_load %arg14[%parallel_loop3A_216] {strides = array<i32>} : memref<4096xi32, #tpu.memory_space<vmem>>, vector<16xi32>,
        tpu.vector_store %arg14[%parallel_loop3A_216], %parallel_loop3A_213 {strides = array<i32>} : memref<4096xi32, #tpu.memory_space<vmem>>, vector<16xi32>,
      } {sc.loop_unroll_factor = 4 : i64, sc.parallel_access}
      %scan3A_117 = arith.constant 0 : i32
      %scan3A_118 = arith.constant 0 : i32
      %scan3A_119 = arith.constant 256 : i32
      %scan3A_120 = arith.addi %scan3A_118, %scan3A_119 : i32
      %scan3A_121 = arith.constant 4 : i32
      scf.for %scan3A_194 = %scan3A_118 to %scan3A_120 step %scan3A_121  : i32 {
        %mul3A_195 = arith.constant 16 : i32
        %mul3A_196 = arith.muli %scan3A_194, %mul3A_195 : i32
        %get3A = arith.index_cast %mul3A_196 : i32 to index
        %get3A_197 = tpu.vector_load %arg14[%get3A] {strides = array<i32>} : memref<4096xi32, #tpu.memory_space<vmem>>, vector<16xi32>,
        %gather3A = tpu.vector_load_idx %arg12[%get3A_197] : memref<4096xi32, #tpu.memory_space<vmem>>[vector<16xi32>], vector<16xi32>,
        %mul3A_198 = arith.constant 16 : i32
        %mul3A_199 = arith.muli %scan3A_194, %mul3A_198 : i32
        %swap3A = arith.index_cast %mul3A_199 : i32 to index
        %swap3A_200 = tpu.vector_load %arg15[%swap3A] {strides = array<i32>} : memref<4096xi32, #tpu.memory_space<vmem>>, vector<16xi32>,
        tpu.vector_store %arg15[%swap3A], %gather3A {strides = array<i32>} : memref<4096xi32, #tpu.memory_space<vmem>>, vector<16xi32>,
        tpu.vector_store_idx %arg12[%get3A_197], %broadcast_in_dim3A_86 {add = true} : memref<4096xi32, #tpu.memory_space<vmem>>[vector<16xi32>], vector<16xi32>,
        %scan3A_201 = arith.constant 1 : i32
        %scan3A_202 = arith.addi %scan3A_194, %scan3A_201 : i32
        %mul3A_203 = arith.constant 16 : i32
        %mul3A_204 = arith.muli %scan3A_202, %mul3A_203 : i32
        %get3A_205 = arith.index_cast %mul3A_204 : i32 to index
        %get3A_206 = tpu.vector_load %arg14[%get3A_205] {strides = array<i32>} : memref<4096xi32, #tpu.memory_space<vmem>>, vector<16xi32>,
        %gather3A_207 = tpu.vector_load_idx %arg12[%get3A_206] : memref<4096xi32, #tpu.memory_space<vmem>>[vector<16xi32>], vector<16xi32>,
        %mul3A_208 = arith.constant 16 : i32
        %mul3A_209 = arith.muli %scan3A_202, %mul3A_208 : i32
        %swap3A_210 = arith.index_cast %mul3A_209 : i32 to index
        %swap3A_211 = tpu.vector_load %arg15[%swap3A_210] {strides = array<i32>} : memref<4096xi32, #tpu.memory_space<vmem>>, vector<16xi32>,
        tpu.vector_store %arg15[%swap3A_210], %gather3A_207 {strides = array<i32>} : memref<4096xi32, #tpu.memory_space<vmem>>, vector<16xi32>,
        tpu.vector_store_idx %arg12[%get3A_206], %broadcast_in_dim3A_86 {add = true} : memref<4096xi32, #tpu.memory_space<vmem>>[vector<16xi32>], vector<16xi32>,
        %scan3A_212 = arith.constant 2 : i32
        %scan3A_213 = arith.addi %scan3A_194, %scan3A_212 : i32
        %mul3A_214 = arith.constant 16 : i32
        %mul3A_215 = arith.muli %scan3A_213, %mul3A_214 : i32
        %get3A_216 = arith.index_cast %mul3A_215 : i32 to index
        %get3A_217 = tpu.vector_load %arg14[%get3A_216] {strides = array<i32>} : memref<4096xi32, #tpu.memory_space<vmem>>, vector<16xi32>,
        %gather3A_218 = tpu.vector_load_idx %arg12[%get3A_217] : memref<4096xi32, #tpu.memory_space<vmem>>[vector<16xi32>], vector<16xi32>,
        %mul3A_219 = arith.constant 16 : i32
        %mul3A_220 = arith.muli %scan3A_213, %mul3A_219 : i32
        %swap3A_221 = arith.index_cast %mul3A_220 : i32 to index
        %swap3A_222 = tpu.vector_load %arg15[%swap3A_221] {strides = array<i32>} : memref<4096xi32, #tpu.memory_space<vmem>>, vector<16xi32>,
        tpu.vector_store %arg15[%swap3A_221], %gather3A_218 {strides = array<i32>} : memref<4096xi32, #tpu.memory_space<vmem>>, vector<16xi32>,
        tpu.vector_store_idx %arg12[%get3A_217], %broadcast_in_dim3A_86 {add = true} : memref<4096xi32, #tpu.memory_space<vmem>>[vector<16xi32>], vector<16xi32>,
        %scan3A_223 = arith.constant 3 : i32
        %scan3A_224 = arith.addi %scan3A_194, %scan3A_223 : i32
        %mul3A_225 = arith.constant 16 : i32
        %mul3A_226 = arith.muli %scan3A_224, %mul3A_225 : i32
        %get3A_227 = arith.index_cast %mul3A_226 : i32 to index
        %get3A_228 = tpu.vector_load %arg14[%get3A_227] {strides = array<i32>} : memref<4096xi32, #tpu.memory_space<vmem>>, vector<16xi32>,
        %gather3A_229 = tpu.vector_load_idx %arg12[%get3A_228] : memref<4096xi32, #tpu.memory_space<vmem>>[vector<16xi32>], vector<16xi32>,
        %mul3A_230 = arith.constant 16 : i32
        %mul3A_231 = arith.muli %scan3A_224, %mul3A_230 : i32
        %swap3A_232 = arith.index_cast %mul3A_231 : i32 to index
        %swap3A_233 = tpu.vector_load %arg15[%swap3A_232] {strides = array<i32>} : memref<4096xi32, #tpu.memory_space<vmem>>, vector<16xi32>,
        tpu.vector_store %arg15[%swap3A_232], %gather3A_229 {strides = array<i32>} : memref<4096xi32, #tpu.memory_space<vmem>>, vector<16xi32>,
        tpu.vector_store_idx %arg12[%get3A_228], %broadcast_in_dim3A_86 {add = true} : memref<4096xi32, #tpu.memory_space<vmem>>[vector<16xi32>], vector<16xi32>,
      }
      %scan3A_122 = arith.constant 256 : i32
      %parallel_loop3A_123 = arith.constant 0 : i32
      %parallel_loop3A_124 = arith.constant 256 : i32
      %parallel_loop3A_125 = arith.constant 1 : i32
      scf.for %parallel_loop3A_194 = %parallel_loop3A_123 to %parallel_loop3A_124 step %parallel_loop3A_125  : i32 {
        %parallel_loop3A_195 = arith.constant 16 : i32
        %parallel_loop3A_196 = arith.muli %parallel_loop3A_194, %parallel_loop3A_195 : i32
        %parallel_loop3A_197 = arith.index_cast %parallel_loop3A_196 : i32 to index
        %parallel_loop3A_198 = tpu.vector_load %arg12[%parallel_loop3A_197] {strides = array<i32>} : memref<4096xi32, #tpu.memory_space<vmem>>, vector<16xi32>,
        %parallel_loop3A_199 = arith.constant true
        %parallel_loop3A_200 = vector.broadcast %parallel_loop3A_199 : i1 to vector<16xi1>
        %parallel_loop3A_201 = tpu.scan <sum>, %parallel_loop3A_198 masked %parallel_loop3A_200 : vector<16xi32>, vector<16xi1> -> vector<16xi32>
        %parallel_loop3A_202 = arith.subi %parallel_loop3A_201, %parallel_loop3A_198 : vector<16xi32>
        %parallel_loop3A_203 = arith.constant 16 : i32
        %parallel_loop3A_204 = arith.muli %parallel_loop3A_194, %parallel_loop3A_203 : i32
        %parallel_loop3A_205 = arith.index_cast %parallel_loop3A_204 : i32 to index
        %parallel_loop3A_206 = tpu.vector_load %arg13[%parallel_loop3A_205] {strides = array<i32>} : memref<4096xi32, #tpu.memory_space<vmem>>, vector<16xi32>,
        tpu.vector_store %arg13[%parallel_loop3A_205], %parallel_loop3A_202 {strides = array<i32>} : memref<4096xi32, #tpu.memory_space<vmem>>, vector<16xi32>,
        %parallel_loop3A_207 = arith.constant true
        %parallel_loop3A_208 = vector.broadcast %parallel_loop3A_207 : i1 to vector<16xi1>
        %parallel_loop3A_209 = tpu.scan <sum>, %parallel_loop3A_198 masked %parallel_loop3A_208 : vector<16xi32>, vector<16xi1> -> vector<16xi32>
        %parallel_loop3A_210 = vector.extract %parallel_loop3A_209[15] : i32 from vector<16xi32>
        %parallel_loop3A_211 = arith.index_cast %parallel_loop3A_194 : i32 to index
        %parallel_loop3A_212 = memref.load %arg16[%parallel_loop3A_211] : memref<256xi32, #tpu.memory_space<smem>>
        memref.store %parallel_loop3A_210, %arg16[%parallel_loop3A_211] : memref<256xi32, #tpu.memory_space<smem>>
        %parallel_loop3A_213 = arith.constant 16 : i32
        %parallel_loop3A_214 = arith.muli %parallel_loop3A_194, %parallel_loop3A_213 : i32
        %parallel_loop3A_215 = arith.index_cast %parallel_loop3A_214 : i32 to index
        %parallel_loop3A_216 = tpu.vector_load %arg12[%parallel_loop3A_215] {strides = array<i32>} : memref<4096xi32, #tpu.memory_space<vmem>>, vector<16xi32>,
        tpu.vector_store %arg12[%parallel_loop3A_215], %broadcast_in_dim3A_84 {strides = array<i32>} : memref<4096xi32, #tpu.memory_space<vmem>>, vector<16xi32>,
      } {sc.loop_unroll_factor = 4 : i64, sc.parallel_access}
      %scan3A_126 = arith.constant 0 : i32
      %scan3A_127 = arith.constant 0 : i32
      %scan3A_128 = arith.constant 256 : i32
      %scan3A_129 = arith.addi %scan3A_127, %scan3A_128 : i32
      %scan3A_130 = arith.constant 4 : i32
      %scan3A_131 = scf.for %scan3A_194 = %scan3A_127 to %scan3A_129 step %scan3A_130 iter_args(%scan3A_195 = %scan3A_126) -> (i32)  : i32 {
        %get3A = arith.index_cast %scan3A_194 : i32 to index
        %get3A_196 = memref.load %arg16[%get3A] : memref<256xi32, #tpu.memory_space<smem>>
        %swap3A = arith.index_cast %scan3A_194 : i32 to index
        %swap3A_197 = memref.load %arg16[%swap3A] : memref<256xi32, #tpu.memory_space<smem>>
        memref.store %scan3A_195, %arg16[%swap3A] : memref<256xi32, #tpu.memory_space<smem>>
        %add3A_198 = arith.addi %scan3A_195, %get3A_196 : i32
        %scan3A_199 = arith.constant 1 : i32
        %scan3A_200 = arith.addi %scan3A_194, %scan3A_199 : i32
        %get3A_201 = arith.index_cast %scan3A_200 : i32 to index
        %get3A_202 = memref.load %arg16[%get3A_201] : memref<256xi32, #tpu.memory_space<smem>>
        %swap3A_203 = arith.index_cast %scan3A_200 : i32 to index
        %swap3A_204 = memref.load %arg16[%swap3A_203] : memref<256xi32, #tpu.memory_space<smem>>
        memref.store %add3A_198, %arg16[%swap3A_203] : memref<256xi32, #tpu.memory_space<smem>>
        %add3A_205 = arith.addi %add3A_198, %get3A_202 : i32
        %scan3A_206 = arith.constant 2 : i32
        %scan3A_207 = arith.addi %scan3A_194, %scan3A_206 : i32
        %get3A_208 = arith.index_cast %scan3A_207 : i32 to index
        %get3A_209 = memref.load %arg16[%get3A_208] : memref<256xi32, #tpu.memory_space<smem>>
        %swap3A_210 = arith.index_cast %scan3A_207 : i32 to index
        %swap3A_211 = memref.load %arg16[%swap3A_210] : memref<256xi32, #tpu.memory_space<smem>>
        memref.store %add3A_205, %arg16[%swap3A_210] : memref<256xi32, #tpu.memory_space<smem>>
        %add3A_212 = arith.addi %add3A_205, %get3A_209 : i32
        %scan3A_213 = arith.constant 3 : i32
        %scan3A_214 = arith.addi %scan3A_194, %scan3A_213 : i32
        %get3A_215 = arith.index_cast %scan3A_214 : i32 to index
        %get3A_216 = memref.load %arg16[%get3A_215] : memref<256xi32, #tpu.memory_space<smem>>
        %swap3A_217 = arith.index_cast %scan3A_214 : i32 to index
        %swap3A_218 = memref.load %arg16[%swap3A_217] : memref<256xi32, #tpu.memory_space<smem>>
        memref.store %add3A_212, %arg16[%swap3A_217] : memref<256xi32, #tpu.memory_space<smem>>
        %add3A_219 = arith.addi %add3A_212, %get3A_216 : i32
        scf.yield %add3A_219 : i32
      }
      %scan3A_132 = arith.constant 256 : i32
      %parallel_loop3A_133 = arith.constant 0 : i32
      %parallel_loop3A_134 = arith.constant 256 : i32
      %parallel_loop3A_135 = arith.constant 1 : i32
      scf.for %parallel_loop3A_194 = %parallel_loop3A_133 to %parallel_loop3A_134 step %parallel_loop3A_135  : i32 {
        %parallel_loop3A_195 = arith.constant 16 : i32
        %parallel_loop3A_196 = arith.muli %parallel_loop3A_194, %parallel_loop3A_195 : i32
        %parallel_loop3A_197 = arith.index_cast %parallel_loop3A_196 : i32 to index
        %parallel_loop3A_198 = tpu.vector_load %arg13[%parallel_loop3A_197] {strides = array<i32>} : memref<4096xi32, #tpu.memory_space<vmem>>, vector<16xi32>,
        %parallel_loop3A_199 = arith.index_cast %parallel_loop3A_194 : i32 to index
        %parallel_loop3A_200 = memref.load %arg16[%parallel_loop3A_199] : memref<256xi32, #tpu.memory_space<smem>>
        %parallel_loop3A_201 = vector.broadcast %parallel_loop3A_200 : i32 to vector<16xi32>
        %parallel_loop3A_202 = arith.addi %parallel_loop3A_198, %parallel_loop3A_201 : vector<16xi32>
        %parallel_loop3A_203 = arith.constant 16 : i32
        %parallel_loop3A_204 = arith.muli %parallel_loop3A_194, %parallel_loop3A_203 : i32
        %parallel_loop3A_205 = arith.index_cast %parallel_loop3A_204 : i32 to index
        %parallel_loop3A_206 = tpu.vector_load %arg13[%parallel_loop3A_205] {strides = array<i32>} : memref<4096xi32, #tpu.memory_space<vmem>>, vector<16xi32>,
        tpu.vector_store %arg13[%parallel_loop3A_205], %parallel_loop3A_202 {strides = array<i32>} : memref<4096xi32, #tpu.memory_space<vmem>>, vector<16xi32>,
      } {sc.loop_unroll_factor = 4 : i64, sc.parallel_access}
      %parallel_loop3A_136 = arith.constant 0 : i32
      %parallel_loop3A_137 = arith.constant 256 : i32
      %parallel_loop3A_138 = arith.constant 1 : i32
      scf.for %parallel_loop3A_194 = %parallel_loop3A_136 to %parallel_loop3A_137 step %parallel_loop3A_138  : i32 {
        %parallel_loop3A_195 = arith.constant 16 : i32
        %parallel_loop3A_196 = arith.muli %parallel_loop3A_194, %parallel_loop3A_195 : i32
        %parallel_loop3A_197 = arith.index_cast %parallel_loop3A_196 : i32 to index
        %parallel_loop3A_198 = tpu.vector_load %arg10[%parallel_loop3A_197] {strides = array<i32>} : memref<4096xi32, #tpu.memory_space<vmem>>, vector<16xi32>,
        %parallel_loop3A_199 = arith.constant 16 : i32
        %parallel_loop3A_200 = arith.muli %parallel_loop3A_194, %parallel_loop3A_199 : i32
        %parallel_loop3A_201 = arith.index_cast %parallel_loop3A_200 : i32 to index
        %parallel_loop3A_202 = tpu.vector_load %arg11[%parallel_loop3A_201] {strides = array<i32>} : memref<4096xi32, #tpu.memory_space<vmem>>, vector<16xi32>,
        %parallel_loop3A_203 = arith.constant 16 : i32
        %parallel_loop3A_204 = arith.muli %parallel_loop3A_194, %parallel_loop3A_203 : i32
        %parallel_loop3A_205 = arith.index_cast %parallel_loop3A_204 : i32 to index
        %parallel_loop3A_206 = tpu.vector_load %arg14[%parallel_loop3A_205] {strides = array<i32>} : memref<4096xi32, #tpu.memory_space<vmem>>, vector<16xi32>,
        %parallel_loop3A_207 = tpu.vector_load_idx %arg13[%parallel_loop3A_206] : memref<4096xi32, #tpu.memory_space<vmem>>[vector<16xi32>], vector<16xi32>,
        %parallel_loop3A_208 = arith.constant 16 : i32
        %parallel_loop3A_209 = arith.muli %parallel_loop3A_194, %parallel_loop3A_208 : i32
        %parallel_loop3A_210 = arith.index_cast %parallel_loop3A_209 : i32 to index
        %parallel_loop3A_211 = tpu.vector_load %arg15[%parallel_loop3A_210] {strides = array<i32>} : memref<4096xi32, #tpu.memory_space<vmem>>, vector<16xi32>,
        %parallel_loop3A_212 = arith.addi %parallel_loop3A_207, %parallel_loop3A_211 : vector<16xi32>
        %parallel_loop3A_213 = arith.constant 255 : i32
        %parallel_loop3A_214 = vector.broadcast %parallel_loop3A_213 : i32 to vector<16xi32>
        %parallel_loop3A_215 = arith.andi %parallel_loop3A_212, %parallel_loop3A_214 : vector<16xi32>
        %parallel_loop3A_216 = arith.constant 16 : i32
        %parallel_loop3A_217 = vector.broadcast %parallel_loop3A_216 : i32 to vector<16xi32>
        %parallel_loop3A_218 = arith.muli %parallel_loop3A_215, %parallel_loop3A_217 : vector<16xi32>
        %parallel_loop3A_219 = arith.constant 8 : i32
        %parallel_loop3A_220 = vector.broadcast %parallel_loop3A_219 : i32 to vector<16xi32>
        %parallel_loop3A_221 = arith.shrsi %parallel_loop3A_212, %parallel_loop3A_220 : vector<16xi32>
        %parallel_loop3A_222 = arith.addi %parallel_loop3A_221, %parallel_loop3A_215 : vector<16xi32>
        %parallel_loop3A_223 = arith.constant 15 : i32
        %parallel_loop3A_224 = vector.broadcast %parallel_loop3A_223 : i32 to vector<16xi32>
        %parallel_loop3A_225 = arith.andi %parallel_loop3A_222, %parallel_loop3A_224 : vector<16xi32>
        %parallel_loop3A_226 = arith.addi %parallel_loop3A_218, %parallel_loop3A_225 : vector<16xi32>
        tpu.vector_store_idx %arg8[%parallel_loop3A_226], %parallel_loop3A_198 : memref<4096xi32, #tpu.memory_space<vmem>>[vector<16xi32>], vector<16xi32>,
        tpu.vector_store_idx %arg9[%parallel_loop3A_226], %parallel_loop3A_202 : memref<4096xi32, #tpu.memory_space<vmem>>[vector<16xi32>], vector<16xi32>,
      } {sc.loop_unroll_factor = 4 : i64, sc.parallel_access}
      %parallel_loop3A_139 = arith.constant 0 : i32
      %parallel_loop3A_140 = arith.constant 256 : i32
      %parallel_loop3A_141 = arith.constant 1 : i32
      scf.for %parallel_loop3A_194 = %parallel_loop3A_139 to %parallel_loop3A_140 step %parallel_loop3A_141  : i32 {
        %parallel_loop3A_195 = arith.constant 16 : i32
        %parallel_loop3A_196 = arith.muli %parallel_loop3A_194, %parallel_loop3A_195 : i32
        %parallel_loop3A_197 = arith.index_cast %parallel_loop3A_196 : i32 to index
        %parallel_loop3A_198 = tpu.vector_load %arg8[%parallel_loop3A_197] {strides = array<i32>} : memref<4096xi32, #tpu.memory_space<vmem>>, vector<16xi32>,
        %parallel_loop3A_199 = vector.broadcast %parallel_loop3A_194 : i32 to vector<16xi32>
        %parallel_loop3A_200 = arith.subi %iota3A, %parallel_loop3A_199 : vector<16xi32>
        %parallel_loop3A_201 = arith.constant 15 : i32
        %parallel_loop3A_202 = vector.broadcast %parallel_loop3A_201 : i32 to vector<16xi32>
        %parallel_loop3A_203 = arith.andi %parallel_loop3A_200, %parallel_loop3A_202 : vector<16xi32>
        %parallel_loop3A_204 = arith.constant 16 : i32
        %parallel_loop3A_205 = vector.broadcast %parallel_loop3A_204 : i32 to vector<16xi32>
        %parallel_loop3A_206 = arith.shrsi %parallel_loop3A_198, %parallel_loop3A_205 : vector<16xi32>
        %parallel_loop3A_207 = arith.constant 255 : i32
        %parallel_loop3A_208 = vector.broadcast %parallel_loop3A_207 : i32 to vector<16xi32>
        %parallel_loop3A_209 = arith.andi %parallel_loop3A_206, %parallel_loop3A_208 : vector<16xi32>
        %parallel_loop3A_210 = arith.constant 16 : i32
        %parallel_loop3A_211 = vector.broadcast %parallel_loop3A_210 : i32 to vector<16xi32>
        %parallel_loop3A_212 = arith.muli %parallel_loop3A_209, %parallel_loop3A_211 : vector<16xi32>
        %parallel_loop3A_213 = arith.addi %parallel_loop3A_212, %parallel_loop3A_203 : vector<16xi32>
        %parallel_loop3A_214 = arith.constant 16 : i32
        %parallel_loop3A_215 = arith.muli %parallel_loop3A_194, %parallel_loop3A_214 : i32
        %parallel_loop3A_216 = arith.index_cast %parallel_loop3A_215 : i32 to index
        %parallel_loop3A_217 = tpu.vector_load %arg14[%parallel_loop3A_216] {strides = array<i32>} : memref<4096xi32, #tpu.memory_space<vmem>>, vector<16xi32>,
        tpu.vector_store %arg14[%parallel_loop3A_216], %parallel_loop3A_213 {strides = array<i32>} : memref<4096xi32, #tpu.memory_space<vmem>>, vector<16xi32>,
      } {sc.loop_unroll_factor = 4 : i64, sc.parallel_access}
      %scan3A_142 = arith.constant 0 : i32
      %scan3A_143 = arith.constant 0 : i32
      %scan3A_144 = arith.constant 256 : i32
      %scan3A_145 = arith.addi %scan3A_143, %scan3A_144 : i32
      %scan3A_146 = arith.constant 4 : i32
      scf.for %scan3A_194 = %scan3A_143 to %scan3A_145 step %scan3A_146  : i32 {
        %mul3A_195 = arith.constant 16 : i32
        %mul3A_196 = arith.muli %scan3A_194, %mul3A_195 : i32
        %get3A = arith.index_cast %mul3A_196 : i32 to index
        %get3A_197 = tpu.vector_load %arg14[%get3A] {strides = array<i32>} : memref<4096xi32, #tpu.memory_space<vmem>>, vector<16xi32>,
        %gather3A = tpu.vector_load_idx %arg12[%get3A_197] : memref<4096xi32, #tpu.memory_space<vmem>>[vector<16xi32>], vector<16xi32>,
        %mul3A_198 = arith.constant 16 : i32
        %mul3A_199 = arith.muli %scan3A_194, %mul3A_198 : i32
        %swap3A = arith.index_cast %mul3A_199 : i32 to index
        %swap3A_200 = tpu.vector_load %arg15[%swap3A] {strides = array<i32>} : memref<4096xi32, #tpu.memory_space<vmem>>, vector<16xi32>,
        tpu.vector_store %arg15[%swap3A], %gather3A {strides = array<i32>} : memref<4096xi32, #tpu.memory_space<vmem>>, vector<16xi32>,
        tpu.vector_store_idx %arg12[%get3A_197], %broadcast_in_dim3A_86 {add = true} : memref<4096xi32, #tpu.memory_space<vmem>>[vector<16xi32>], vector<16xi32>,
        %scan3A_201 = arith.constant 1 : i32
        %scan3A_202 = arith.addi %scan3A_194, %scan3A_201 : i32
        %mul3A_203 = arith.constant 16 : i32
        %mul3A_204 = arith.muli %scan3A_202, %mul3A_203 : i32
        %get3A_205 = arith.index_cast %mul3A_204 : i32 to index
        %get3A_206 = tpu.vector_load %arg14[%get3A_205] {strides = array<i32>} : memref<4096xi32, #tpu.memory_space<vmem>>, vector<16xi32>,
        %gather3A_207 = tpu.vector_load_idx %arg12[%get3A_206] : memref<4096xi32, #tpu.memory_space<vmem>>[vector<16xi32>], vector<16xi32>,
        %mul3A_208 = arith.constant 16 : i32
        %mul3A_209 = arith.muli %scan3A_202, %mul3A_208 : i32
        %swap3A_210 = arith.index_cast %mul3A_209 : i32 to index
        %swap3A_211 = tpu.vector_load %arg15[%swap3A_210] {strides = array<i32>} : memref<4096xi32, #tpu.memory_space<vmem>>, vector<16xi32>,
        tpu.vector_store %arg15[%swap3A_210], %gather3A_207 {strides = array<i32>} : memref<4096xi32, #tpu.memory_space<vmem>>, vector<16xi32>,
        tpu.vector_store_idx %arg12[%get3A_206], %broadcast_in_dim3A_86 {add = true} : memref<4096xi32, #tpu.memory_space<vmem>>[vector<16xi32>], vector<16xi32>,
        %scan3A_212 = arith.constant 2 : i32
        %scan3A_213 = arith.addi %scan3A_194, %scan3A_212 : i32
        %mul3A_214 = arith.constant 16 : i32
        %mul3A_215 = arith.muli %scan3A_213, %mul3A_214 : i32
        %get3A_216 = arith.index_cast %mul3A_215 : i32 to index
        %get3A_217 = tpu.vector_load %arg14[%get3A_216] {strides = array<i32>} : memref<4096xi32, #tpu.memory_space<vmem>>, vector<16xi32>,
        %gather3A_218 = tpu.vector_load_idx %arg12[%get3A_217] : memref<4096xi32, #tpu.memory_space<vmem>>[vector<16xi32>], vector<16xi32>,
        %mul3A_219 = arith.constant 16 : i32
        %mul3A_220 = arith.muli %scan3A_213, %mul3A_219 : i32
        %swap3A_221 = arith.index_cast %mul3A_220 : i32 to index
        %swap3A_222 = tpu.vector_load %arg15[%swap3A_221] {strides = array<i32>} : memref<4096xi32, #tpu.memory_space<vmem>>, vector<16xi32>,
        tpu.vector_store %arg15[%swap3A_221], %gather3A_218 {strides = array<i32>} : memref<4096xi32, #tpu.memory_space<vmem>>, vector<16xi32>,
        tpu.vector_store_idx %arg12[%get3A_217], %broadcast_in_dim3A_86 {add = true} : memref<4096xi32, #tpu.memory_space<vmem>>[vector<16xi32>], vector<16xi32>,
        %scan3A_223 = arith.constant 3 : i32
        %scan3A_224 = arith.addi %scan3A_194, %scan3A_223 : i32
        %mul3A_225 = arith.constant 16 : i32
        %mul3A_226 = arith.muli %scan3A_224, %mul3A_225 : i32
        %get3A_227 = arith.index_cast %mul3A_226 : i32 to index
        %get3A_228 = tpu.vector_load %arg14[%get3A_227] {strides = array<i32>} : memref<4096xi32, #tpu.memory_space<vmem>>, vector<16xi32>,
        %gather3A_229 = tpu.vector_load_idx %arg12[%get3A_228] : memref<4096xi32, #tpu.memory_space<vmem>>[vector<16xi32>], vector<16xi32>,
        %mul3A_230 = arith.constant 16 : i32
        %mul3A_231 = arith.muli %scan3A_224, %mul3A_230 : i32
        %swap3A_232 = arith.index_cast %mul3A_231 : i32 to index
        %swap3A_233 = tpu.vector_load %arg15[%swap3A_232] {strides = array<i32>} : memref<4096xi32, #tpu.memory_space<vmem>>, vector<16xi32>,
        tpu.vector_store %arg15[%swap3A_232], %gather3A_229 {strides = array<i32>} : memref<4096xi32, #tpu.memory_space<vmem>>, vector<16xi32>,
        tpu.vector_store_idx %arg12[%get3A_228], %broadcast_in_dim3A_86 {add = true} : memref<4096xi32, #tpu.memory_space<vmem>>[vector<16xi32>], vector<16xi32>,
      }
      %scan3A_147 = arith.constant 256 : i32
      %parallel_loop3A_148 = arith.constant 0 : i32
      %parallel_loop3A_149 = arith.constant 256 : i32
      %parallel_loop3A_150 = arith.constant 1 : i32
      scf.for %parallel_loop3A_194 = %parallel_loop3A_148 to %parallel_loop3A_149 step %parallel_loop3A_150  : i32 {
        %parallel_loop3A_195 = arith.constant 16 : i32
        %parallel_loop3A_196 = arith.muli %parallel_loop3A_194, %parallel_loop3A_195 : i32
        %parallel_loop3A_197 = arith.index_cast %parallel_loop3A_196 : i32 to index
        %parallel_loop3A_198 = tpu.vector_load %arg12[%parallel_loop3A_197] {strides = array<i32>} : memref<4096xi32, #tpu.memory_space<vmem>>, vector<16xi32>,
        %parallel_loop3A_199 = arith.constant true
        %parallel_loop3A_200 = vector.broadcast %parallel_loop3A_199 : i1 to vector<16xi1>
        %parallel_loop3A_201 = tpu.scan <sum>, %parallel_loop3A_198 masked %parallel_loop3A_200 : vector<16xi32>, vector<16xi1> -> vector<16xi32>
        %parallel_loop3A_202 = arith.subi %parallel_loop3A_201, %parallel_loop3A_198 : vector<16xi32>
        %parallel_loop3A_203 = arith.constant 16 : i32
        %parallel_loop3A_204 = arith.muli %parallel_loop3A_194, %parallel_loop3A_203 : i32
        %parallel_loop3A_205 = arith.index_cast %parallel_loop3A_204 : i32 to index
        %parallel_loop3A_206 = tpu.vector_load %arg13[%parallel_loop3A_205] {strides = array<i32>} : memref<4096xi32, #tpu.memory_space<vmem>>, vector<16xi32>,
        tpu.vector_store %arg13[%parallel_loop3A_205], %parallel_loop3A_202 {strides = array<i32>} : memref<4096xi32, #tpu.memory_space<vmem>>, vector<16xi32>,
        %parallel_loop3A_207 = arith.constant true
        %parallel_loop3A_208 = vector.broadcast %parallel_loop3A_207 : i1 to vector<16xi1>
        %parallel_loop3A_209 = tpu.scan <sum>, %parallel_loop3A_198 masked %parallel_loop3A_208 : vector<16xi32>, vector<16xi1> -> vector<16xi32>
        %parallel_loop3A_210 = vector.extract %parallel_loop3A_209[15] : i32 from vector<16xi32>
        %parallel_loop3A_211 = arith.index_cast %parallel_loop3A_194 : i32 to index
        %parallel_loop3A_212 = memref.load %arg16[%parallel_loop3A_211] : memref<256xi32, #tpu.memory_space<smem>>
        memref.store %parallel_loop3A_210, %arg16[%parallel_loop3A_211] : memref<256xi32, #tpu.memory_space<smem>>
        %parallel_loop3A_213 = arith.constant 16 : i32
        %parallel_loop3A_214 = arith.muli %parallel_loop3A_194, %parallel_loop3A_213 : i32
        %parallel_loop3A_215 = arith.index_cast %parallel_loop3A_214 : i32 to index
        %parallel_loop3A_216 = tpu.vector_load %arg12[%parallel_loop3A_215] {strides = array<i32>} : memref<4096xi32, #tpu.memory_space<vmem>>, vector<16xi32>,
        tpu.vector_store %arg12[%parallel_loop3A_215], %broadcast_in_dim3A_84 {strides = array<i32>} : memref<4096xi32, #tpu.memory_space<vmem>>, vector<16xi32>,
      } {sc.loop_unroll_factor = 4 : i64, sc.parallel_access}
      %scan3A_151 = arith.constant 0 : i32
      %scan3A_152 = arith.constant 0 : i32
      %scan3A_153 = arith.constant 256 : i32
      %scan3A_154 = arith.addi %scan3A_152, %scan3A_153 : i32
      %scan3A_155 = arith.constant 4 : i32
      %scan3A_156 = scf.for %scan3A_194 = %scan3A_152 to %scan3A_154 step %scan3A_155 iter_args(%scan3A_195 = %scan3A_151) -> (i32)  : i32 {
        %get3A = arith.index_cast %scan3A_194 : i32 to index
        %get3A_196 = memref.load %arg16[%get3A] : memref<256xi32, #tpu.memory_space<smem>>
        %swap3A = arith.index_cast %scan3A_194 : i32 to index
        %swap3A_197 = memref.load %arg16[%swap3A] : memref<256xi32, #tpu.memory_space<smem>>
        memref.store %scan3A_195, %arg16[%swap3A] : memref<256xi32, #tpu.memory_space<smem>>
        %add3A_198 = arith.addi %scan3A_195, %get3A_196 : i32
        %scan3A_199 = arith.constant 1 : i32
        %scan3A_200 = arith.addi %scan3A_194, %scan3A_199 : i32
        %get3A_201 = arith.index_cast %scan3A_200 : i32 to index
        %get3A_202 = memref.load %arg16[%get3A_201] : memref<256xi32, #tpu.memory_space<smem>>
        %swap3A_203 = arith.index_cast %scan3A_200 : i32 to index
        %swap3A_204 = memref.load %arg16[%swap3A_203] : memref<256xi32, #tpu.memory_space<smem>>
        memref.store %add3A_198, %arg16[%swap3A_203] : memref<256xi32, #tpu.memory_space<smem>>
        %add3A_205 = arith.addi %add3A_198, %get3A_202 : i32
        %scan3A_206 = arith.constant 2 : i32
        %scan3A_207 = arith.addi %scan3A_194, %scan3A_206 : i32
        %get3A_208 = arith.index_cast %scan3A_207 : i32 to index
        %get3A_209 = memref.load %arg16[%get3A_208] : memref<256xi32, #tpu.memory_space<smem>>
        %swap3A_210 = arith.index_cast %scan3A_207 : i32 to index
        %swap3A_211 = memref.load %arg16[%swap3A_210] : memref<256xi32, #tpu.memory_space<smem>>
        memref.store %add3A_205, %arg16[%swap3A_210] : memref<256xi32, #tpu.memory_space<smem>>
        %add3A_212 = arith.addi %add3A_205, %get3A_209 : i32
        %scan3A_213 = arith.constant 3 : i32
        %scan3A_214 = arith.addi %scan3A_194, %scan3A_213 : i32
        %get3A_215 = arith.index_cast %scan3A_214 : i32 to index
        %get3A_216 = memref.load %arg16[%get3A_215] : memref<256xi32, #tpu.memory_space<smem>>
        %swap3A_217 = arith.index_cast %scan3A_214 : i32 to index
        %swap3A_218 = memref.load %arg16[%swap3A_217] : memref<256xi32, #tpu.memory_space<smem>>
        memref.store %add3A_212, %arg16[%swap3A_217] : memref<256xi32, #tpu.memory_space<smem>>
        %add3A_219 = arith.addi %add3A_212, %get3A_216 : i32
        scf.yield %add3A_219 : i32
      }
      %scan3A_157 = arith.constant 256 : i32
      %parallel_loop3A_158 = arith.constant 0 : i32
      %parallel_loop3A_159 = arith.constant 256 : i32
      %parallel_loop3A_160 = arith.constant 1 : i32
      scf.for %parallel_loop3A_194 = %parallel_loop3A_158 to %parallel_loop3A_159 step %parallel_loop3A_160  : i32 {
        %parallel_loop3A_195 = arith.constant 16 : i32
        %parallel_loop3A_196 = arith.muli %parallel_loop3A_194, %parallel_loop3A_195 : i32
        %parallel_loop3A_197 = arith.index_cast %parallel_loop3A_196 : i32 to index
        %parallel_loop3A_198 = tpu.vector_load %arg13[%parallel_loop3A_197] {strides = array<i32>} : memref<4096xi32, #tpu.memory_space<vmem>>, vector<16xi32>,
        %parallel_loop3A_199 = arith.index_cast %parallel_loop3A_194 : i32 to index
        %parallel_loop3A_200 = memref.load %arg16[%parallel_loop3A_199] : memref<256xi32, #tpu.memory_space<smem>>
        %parallel_loop3A_201 = vector.broadcast %parallel_loop3A_200 : i32 to vector<16xi32>
        %parallel_loop3A_202 = arith.addi %parallel_loop3A_198, %parallel_loop3A_201 : vector<16xi32>
        %parallel_loop3A_203 = arith.constant 16 : i32
        %parallel_loop3A_204 = arith.muli %parallel_loop3A_194, %parallel_loop3A_203 : i32
        %parallel_loop3A_205 = arith.index_cast %parallel_loop3A_204 : i32 to index
        %parallel_loop3A_206 = tpu.vector_load %arg13[%parallel_loop3A_205] {strides = array<i32>} : memref<4096xi32, #tpu.memory_space<vmem>>, vector<16xi32>,
        tpu.vector_store %arg13[%parallel_loop3A_205], %parallel_loop3A_202 {strides = array<i32>} : memref<4096xi32, #tpu.memory_space<vmem>>, vector<16xi32>,
      } {sc.loop_unroll_factor = 4 : i64, sc.parallel_access}
      %parallel_loop3A_161 = arith.constant 0 : i32
      %parallel_loop3A_162 = arith.constant 256 : i32
      %parallel_loop3A_163 = arith.constant 1 : i32
      scf.for %parallel_loop3A_194 = %parallel_loop3A_161 to %parallel_loop3A_162 step %parallel_loop3A_163  : i32 {
        %parallel_loop3A_195 = arith.constant 16 : i32
        %parallel_loop3A_196 = arith.muli %parallel_loop3A_194, %parallel_loop3A_195 : i32
        %parallel_loop3A_197 = arith.index_cast %parallel_loop3A_196 : i32 to index
        %parallel_loop3A_198 = tpu.vector_load %arg8[%parallel_loop3A_197] {strides = array<i32>} : memref<4096xi32, #tpu.memory_space<vmem>>, vector<16xi32>,
        %parallel_loop3A_199 = arith.constant 16 : i32
        %parallel_loop3A_200 = arith.muli %parallel_loop3A_194, %parallel_loop3A_199 : i32
        %parallel_loop3A_201 = arith.index_cast %parallel_loop3A_200 : i32 to index
        %parallel_loop3A_202 = tpu.vector_load %arg9[%parallel_loop3A_201] {strides = array<i32>} : memref<4096xi32, #tpu.memory_space<vmem>>, vector<16xi32>,
        %parallel_loop3A_203 = arith.constant 16 : i32
        %parallel_loop3A_204 = arith.muli %parallel_loop3A_194, %parallel_loop3A_203 : i32
        %parallel_loop3A_205 = arith.index_cast %parallel_loop3A_204 : i32 to index
        %parallel_loop3A_206 = tpu.vector_load %arg14[%parallel_loop3A_205] {strides = array<i32>} : memref<4096xi32, #tpu.memory_space<vmem>>, vector<16xi32>,
        %parallel_loop3A_207 = tpu.vector_load_idx %arg13[%parallel_loop3A_206] : memref<4096xi32, #tpu.memory_space<vmem>>[vector<16xi32>], vector<16xi32>,
        %parallel_loop3A_208 = arith.constant 16 : i32
        %parallel_loop3A_209 = arith.muli %parallel_loop3A_194, %parallel_loop3A_208 : i32
        %parallel_loop3A_210 = arith.index_cast %parallel_loop3A_209 : i32 to index
        %parallel_loop3A_211 = tpu.vector_load %arg15[%parallel_loop3A_210] {strides = array<i32>} : memref<4096xi32, #tpu.memory_space<vmem>>, vector<16xi32>,
        %parallel_loop3A_212 = arith.addi %parallel_loop3A_207, %parallel_loop3A_211 : vector<16xi32>
        %parallel_loop3A_213 = arith.constant 255 : i32
        %parallel_loop3A_214 = vector.broadcast %parallel_loop3A_213 : i32 to vector<16xi32>
        %parallel_loop3A_215 = arith.andi %parallel_loop3A_212, %parallel_loop3A_214 : vector<16xi32>
        %parallel_loop3A_216 = arith.constant 16 : i32
        %parallel_loop3A_217 = vector.broadcast %parallel_loop3A_216 : i32 to vector<16xi32>
        %parallel_loop3A_218 = arith.muli %parallel_loop3A_215, %parallel_loop3A_217 : vector<16xi32>
        %parallel_loop3A_219 = arith.constant 8 : i32
        %parallel_loop3A_220 = vector.broadcast %parallel_loop3A_219 : i32 to vector<16xi32>
        %parallel_loop3A_221 = arith.shrsi %parallel_loop3A_212, %parallel_loop3A_220 : vector<16xi32>
        %parallel_loop3A_222 = arith.addi %parallel_loop3A_221, %parallel_loop3A_215 : vector<16xi32>
        %parallel_loop3A_223 = arith.constant 15 : i32
        %parallel_loop3A_224 = vector.broadcast %parallel_loop3A_223 : i32 to vector<16xi32>
        %parallel_loop3A_225 = arith.andi %parallel_loop3A_222, %parallel_loop3A_224 : vector<16xi32>
        %parallel_loop3A_226 = arith.addi %parallel_loop3A_218, %parallel_loop3A_225 : vector<16xi32>
        tpu.vector_store_idx %arg10[%parallel_loop3A_226], %parallel_loop3A_198 : memref<4096xi32, #tpu.memory_space<vmem>>[vector<16xi32>], vector<16xi32>,
        tpu.vector_store_idx %arg11[%parallel_loop3A_226], %parallel_loop3A_202 : memref<4096xi32, #tpu.memory_space<vmem>>[vector<16xi32>], vector<16xi32>,
      } {sc.loop_unroll_factor = 4 : i64, sc.parallel_access}
      %parallel_loop3A_164 = arith.constant 0 : i32
      %parallel_loop3A_165 = arith.constant 256 : i32
      %parallel_loop3A_166 = arith.constant 1 : i32
      scf.for %parallel_loop3A_194 = %parallel_loop3A_164 to %parallel_loop3A_165 step %parallel_loop3A_166  : i32 {
        %parallel_loop3A_195 = arith.constant 16 : i32
        %parallel_loop3A_196 = arith.muli %parallel_loop3A_194, %parallel_loop3A_195 : i32
        %parallel_loop3A_197 = arith.index_cast %parallel_loop3A_196 : i32 to index
        %parallel_loop3A_198 = tpu.vector_load %arg10[%parallel_loop3A_197] {strides = array<i32>} : memref<4096xi32, #tpu.memory_space<vmem>>, vector<16xi32>,
        %parallel_loop3A_199 = vector.broadcast %parallel_loop3A_194 : i32 to vector<16xi32>
        %parallel_loop3A_200 = arith.subi %iota3A, %parallel_loop3A_199 : vector<16xi32>
        %parallel_loop3A_201 = arith.constant 15 : i32
        %parallel_loop3A_202 = vector.broadcast %parallel_loop3A_201 : i32 to vector<16xi32>
        %parallel_loop3A_203 = arith.andi %parallel_loop3A_200, %parallel_loop3A_202 : vector<16xi32>
        %parallel_loop3A_204 = arith.constant 24 : i32
        %parallel_loop3A_205 = vector.broadcast %parallel_loop3A_204 : i32 to vector<16xi32>
        %parallel_loop3A_206 = arith.shrsi %parallel_loop3A_198, %parallel_loop3A_205 : vector<16xi32>
        %parallel_loop3A_207 = arith.constant 255 : i32
        %parallel_loop3A_208 = vector.broadcast %parallel_loop3A_207 : i32 to vector<16xi32>
        %parallel_loop3A_209 = arith.andi %parallel_loop3A_206, %parallel_loop3A_208 : vector<16xi32>
        %parallel_loop3A_210 = arith.constant 16 : i32
        %parallel_loop3A_211 = vector.broadcast %parallel_loop3A_210 : i32 to vector<16xi32>
        %parallel_loop3A_212 = arith.muli %parallel_loop3A_209, %parallel_loop3A_211 : vector<16xi32>
        %parallel_loop3A_213 = arith.addi %parallel_loop3A_212, %parallel_loop3A_203 : vector<16xi32>
        %parallel_loop3A_214 = arith.constant 16 : i32
        %parallel_loop3A_215 = arith.muli %parallel_loop3A_194, %parallel_loop3A_214 : i32
        %parallel_loop3A_216 = arith.index_cast %parallel_loop3A_215 : i32 to index
        %parallel_loop3A_217 = tpu.vector_load %arg14[%parallel_loop3A_216] {strides = array<i32>} : memref<4096xi32, #tpu.memory_space<vmem>>, vector<16xi32>,
        tpu.vector_store %arg14[%parallel_loop3A_216], %parallel_loop3A_213 {strides = array<i32>} : memref<4096xi32, #tpu.memory_space<vmem>>, vector<16xi32>,
      } {sc.loop_unroll_factor = 4 : i64, sc.parallel_access}
      %scan3A_167 = arith.constant 0 : i32
      %scan3A_168 = arith.constant 0 : i32
      %scan3A_169 = arith.constant 256 : i32
      %scan3A_170 = arith.addi %scan3A_168, %scan3A_169 : i32
      %scan3A_171 = arith.constant 4 : i32
      scf.for %scan3A_194 = %scan3A_168 to %scan3A_170 step %scan3A_171  : i32 {
        %mul3A_195 = arith.constant 16 : i32
        %mul3A_196 = arith.muli %scan3A_194, %mul3A_195 : i32
        %get3A = arith.index_cast %mul3A_196 : i32 to index
        %get3A_197 = tpu.vector_load %arg14[%get3A] {strides = array<i32>} : memref<4096xi32, #tpu.memory_space<vmem>>, vector<16xi32>,
        %gather3A = tpu.vector_load_idx %arg12[%get3A_197] : memref<4096xi32, #tpu.memory_space<vmem>>[vector<16xi32>], vector<16xi32>,
        %mul3A_198 = arith.constant 16 : i32
        %mul3A_199 = arith.muli %scan3A_194, %mul3A_198 : i32
        %swap3A = arith.index_cast %mul3A_199 : i32 to index
        %swap3A_200 = tpu.vector_load %arg15[%swap3A] {strides = array<i32>} : memref<4096xi32, #tpu.memory_space<vmem>>, vector<16xi32>,
        tpu.vector_store %arg15[%swap3A], %gather3A {strides = array<i32>} : memref<4096xi32, #tpu.memory_space<vmem>>, vector<16xi32>,
        tpu.vector_store_idx %arg12[%get3A_197], %broadcast_in_dim3A_86 {add = true} : memref<4096xi32, #tpu.memory_space<vmem>>[vector<16xi32>], vector<16xi32>,
        %scan3A_201 = arith.constant 1 : i32
        %scan3A_202 = arith.addi %scan3A_194, %scan3A_201 : i32
        %mul3A_203 = arith.constant 16 : i32
        %mul3A_204 = arith.muli %scan3A_202, %mul3A_203 : i32
        %get3A_205 = arith.index_cast %mul3A_204 : i32 to index
        %get3A_206 = tpu.vector_load %arg14[%get3A_205] {strides = array<i32>} : memref<4096xi32, #tpu.memory_space<vmem>>, vector<16xi32>,
        %gather3A_207 = tpu.vector_load_idx %arg12[%get3A_206] : memref<4096xi32, #tpu.memory_space<vmem>>[vector<16xi32>], vector<16xi32>,
        %mul3A_208 = arith.constant 16 : i32
        %mul3A_209 = arith.muli %scan3A_202, %mul3A_208 : i32
        %swap3A_210 = arith.index_cast %mul3A_209 : i32 to index
        %swap3A_211 = tpu.vector_load %arg15[%swap3A_210] {strides = array<i32>} : memref<4096xi32, #tpu.memory_space<vmem>>, vector<16xi32>,
        tpu.vector_store %arg15[%swap3A_210], %gather3A_207 {strides = array<i32>} : memref<4096xi32, #tpu.memory_space<vmem>>, vector<16xi32>,
        tpu.vector_store_idx %arg12[%get3A_206], %broadcast_in_dim3A_86 {add = true} : memref<4096xi32, #tpu.memory_space<vmem>>[vector<16xi32>], vector<16xi32>,
        %scan3A_212 = arith.constant 2 : i32
        %scan3A_213 = arith.addi %scan3A_194, %scan3A_212 : i32
        %mul3A_214 = arith.constant 16 : i32
        %mul3A_215 = arith.muli %scan3A_213, %mul3A_214 : i32
        %get3A_216 = arith.index_cast %mul3A_215 : i32 to index
        %get3A_217 = tpu.vector_load %arg14[%get3A_216] {strides = array<i32>} : memref<4096xi32, #tpu.memory_space<vmem>>, vector<16xi32>,
        %gather3A_218 = tpu.vector_load_idx %arg12[%get3A_217] : memref<4096xi32, #tpu.memory_space<vmem>>[vector<16xi32>], vector<16xi32>,
        %mul3A_219 = arith.constant 16 : i32
        %mul3A_220 = arith.muli %scan3A_213, %mul3A_219 : i32
        %swap3A_221 = arith.index_cast %mul3A_220 : i32 to index
        %swap3A_222 = tpu.vector_load %arg15[%swap3A_221] {strides = array<i32>} : memref<4096xi32, #tpu.memory_space<vmem>>, vector<16xi32>,
        tpu.vector_store %arg15[%swap3A_221], %gather3A_218 {strides = array<i32>} : memref<4096xi32, #tpu.memory_space<vmem>>, vector<16xi32>,
        tpu.vector_store_idx %arg12[%get3A_217], %broadcast_in_dim3A_86 {add = true} : memref<4096xi32, #tpu.memory_space<vmem>>[vector<16xi32>], vector<16xi32>,
        %scan3A_223 = arith.constant 3 : i32
        %scan3A_224 = arith.addi %scan3A_194, %scan3A_223 : i32
        %mul3A_225 = arith.constant 16 : i32
        %mul3A_226 = arith.muli %scan3A_224, %mul3A_225 : i32
        %get3A_227 = arith.index_cast %mul3A_226 : i32 to index
        %get3A_228 = tpu.vector_load %arg14[%get3A_227] {strides = array<i32>} : memref<4096xi32, #tpu.memory_space<vmem>>, vector<16xi32>,
        %gather3A_229 = tpu.vector_load_idx %arg12[%get3A_228] : memref<4096xi32, #tpu.memory_space<vmem>>[vector<16xi32>], vector<16xi32>,
        %mul3A_230 = arith.constant 16 : i32
        %mul3A_231 = arith.muli %scan3A_224, %mul3A_230 : i32
        %swap3A_232 = arith.index_cast %mul3A_231 : i32 to index
        %swap3A_233 = tpu.vector_load %arg15[%swap3A_232] {strides = array<i32>} : memref<4096xi32, #tpu.memory_space<vmem>>, vector<16xi32>,
        tpu.vector_store %arg15[%swap3A_232], %gather3A_229 {strides = array<i32>} : memref<4096xi32, #tpu.memory_space<vmem>>, vector<16xi32>,
        tpu.vector_store_idx %arg12[%get3A_228], %broadcast_in_dim3A_86 {add = true} : memref<4096xi32, #tpu.memory_space<vmem>>[vector<16xi32>], vector<16xi32>,
      }
      %scan3A_172 = arith.constant 256 : i32
      %parallel_loop3A_173 = arith.constant 0 : i32
      %parallel_loop3A_174 = arith.constant 256 : i32
      %parallel_loop3A_175 = arith.constant 1 : i32
      scf.for %parallel_loop3A_194 = %parallel_loop3A_173 to %parallel_loop3A_174 step %parallel_loop3A_175  : i32 {
        %parallel_loop3A_195 = arith.constant 16 : i32
        %parallel_loop3A_196 = arith.muli %parallel_loop3A_194, %parallel_loop3A_195 : i32
        %parallel_loop3A_197 = arith.index_cast %parallel_loop3A_196 : i32 to index
        %parallel_loop3A_198 = tpu.vector_load %arg12[%parallel_loop3A_197] {strides = array<i32>} : memref<4096xi32, #tpu.memory_space<vmem>>, vector<16xi32>,
        %parallel_loop3A_199 = arith.constant true
        %parallel_loop3A_200 = vector.broadcast %parallel_loop3A_199 : i1 to vector<16xi1>
        %parallel_loop3A_201 = tpu.scan <sum>, %parallel_loop3A_198 masked %parallel_loop3A_200 : vector<16xi32>, vector<16xi1> -> vector<16xi32>
        %parallel_loop3A_202 = arith.subi %parallel_loop3A_201, %parallel_loop3A_198 : vector<16xi32>
        %parallel_loop3A_203 = arith.constant 16 : i32
        %parallel_loop3A_204 = arith.muli %parallel_loop3A_194, %parallel_loop3A_203 : i32
        %parallel_loop3A_205 = arith.index_cast %parallel_loop3A_204 : i32 to index
        %parallel_loop3A_206 = tpu.vector_load %arg13[%parallel_loop3A_205] {strides = array<i32>} : memref<4096xi32, #tpu.memory_space<vmem>>, vector<16xi32>,
        tpu.vector_store %arg13[%parallel_loop3A_205], %parallel_loop3A_202 {strides = array<i32>} : memref<4096xi32, #tpu.memory_space<vmem>>, vector<16xi32>,
        %parallel_loop3A_207 = arith.constant true
        %parallel_loop3A_208 = vector.broadcast %parallel_loop3A_207 : i1 to vector<16xi1>
        %parallel_loop3A_209 = tpu.scan <sum>, %parallel_loop3A_198 masked %parallel_loop3A_208 : vector<16xi32>, vector<16xi1> -> vector<16xi32>
        %parallel_loop3A_210 = vector.extract %parallel_loop3A_209[15] : i32 from vector<16xi32>
        %parallel_loop3A_211 = arith.index_cast %parallel_loop3A_194 : i32 to index
        %parallel_loop3A_212 = memref.load %arg16[%parallel_loop3A_211] : memref<256xi32, #tpu.memory_space<smem>>
        memref.store %parallel_loop3A_210, %arg16[%parallel_loop3A_211] : memref<256xi32, #tpu.memory_space<smem>>
        %parallel_loop3A_213 = arith.constant 16 : i32
        %parallel_loop3A_214 = arith.muli %parallel_loop3A_194, %parallel_loop3A_213 : i32
        %parallel_loop3A_215 = arith.index_cast %parallel_loop3A_214 : i32 to index
        %parallel_loop3A_216 = tpu.vector_load %arg12[%parallel_loop3A_215] {strides = array<i32>} : memref<4096xi32, #tpu.memory_space<vmem>>, vector<16xi32>,
        tpu.vector_store %arg12[%parallel_loop3A_215], %broadcast_in_dim3A_84 {strides = array<i32>} : memref<4096xi32, #tpu.memory_space<vmem>>, vector<16xi32>,
      } {sc.loop_unroll_factor = 4 : i64, sc.parallel_access}
      %scan3A_176 = arith.constant 0 : i32
      %scan3A_177 = arith.constant 0 : i32
      %scan3A_178 = arith.constant 256 : i32
      %scan3A_179 = arith.addi %scan3A_177, %scan3A_178 : i32
      %scan3A_180 = arith.constant 4 : i32
      %scan3A_181 = scf.for %scan3A_194 = %scan3A_177 to %scan3A_179 step %scan3A_180 iter_args(%scan3A_195 = %scan3A_176) -> (i32)  : i32 {
        %get3A = arith.index_cast %scan3A_194 : i32 to index
        %get3A_196 = memref.load %arg16[%get3A] : memref<256xi32, #tpu.memory_space<smem>>
        %swap3A = arith.index_cast %scan3A_194 : i32 to index
        %swap3A_197 = memref.load %arg16[%swap3A] : memref<256xi32, #tpu.memory_space<smem>>
        memref.store %scan3A_195, %arg16[%swap3A] : memref<256xi32, #tpu.memory_space<smem>>
        %add3A_198 = arith.addi %scan3A_195, %get3A_196 : i32
        %scan3A_199 = arith.constant 1 : i32
        %scan3A_200 = arith.addi %scan3A_194, %scan3A_199 : i32
        %get3A_201 = arith.index_cast %scan3A_200 : i32 to index
        %get3A_202 = memref.load %arg16[%get3A_201] : memref<256xi32, #tpu.memory_space<smem>>
        %swap3A_203 = arith.index_cast %scan3A_200 : i32 to index
        %swap3A_204 = memref.load %arg16[%swap3A_203] : memref<256xi32, #tpu.memory_space<smem>>
        memref.store %add3A_198, %arg16[%swap3A_203] : memref<256xi32, #tpu.memory_space<smem>>
        %add3A_205 = arith.addi %add3A_198, %get3A_202 : i32
        %scan3A_206 = arith.constant 2 : i32
        %scan3A_207 = arith.addi %scan3A_194, %scan3A_206 : i32
        %get3A_208 = arith.index_cast %scan3A_207 : i32 to index
        %get3A_209 = memref.load %arg16[%get3A_208] : memref<256xi32, #tpu.memory_space<smem>>
        %swap3A_210 = arith.index_cast %scan3A_207 : i32 to index
        %swap3A_211 = memref.load %arg16[%swap3A_210] : memref<256xi32, #tpu.memory_space<smem>>
        memref.store %add3A_205, %arg16[%swap3A_210] : memref<256xi32, #tpu.memory_space<smem>>
        %add3A_212 = arith.addi %add3A_205, %get3A_209 : i32
        %scan3A_213 = arith.constant 3 : i32
        %scan3A_214 = arith.addi %scan3A_194, %scan3A_213 : i32
        %get3A_215 = arith.index_cast %scan3A_214 : i32 to index
        %get3A_216 = memref.load %arg16[%get3A_215] : memref<256xi32, #tpu.memory_space<smem>>
        %swap3A_217 = arith.index_cast %scan3A_214 : i32 to index
        %swap3A_218 = memref.load %arg16[%swap3A_217] : memref<256xi32, #tpu.memory_space<smem>>
        memref.store %add3A_212, %arg16[%swap3A_217] : memref<256xi32, #tpu.memory_space<smem>>
        %add3A_219 = arith.addi %add3A_212, %get3A_216 : i32
        scf.yield %add3A_219 : i32
      }
      %scan3A_182 = arith.constant 256 : i32
      %parallel_loop3A_183 = arith.constant 0 : i32
      %parallel_loop3A_184 = arith.constant 256 : i32
      %parallel_loop3A_185 = arith.constant 1 : i32
      scf.for %parallel_loop3A_194 = %parallel_loop3A_183 to %parallel_loop3A_184 step %parallel_loop3A_185  : i32 {
        %parallel_loop3A_195 = arith.constant 16 : i32
        %parallel_loop3A_196 = arith.muli %parallel_loop3A_194, %parallel_loop3A_195 : i32
        %parallel_loop3A_197 = arith.index_cast %parallel_loop3A_196 : i32 to index
        %parallel_loop3A_198 = tpu.vector_load %arg13[%parallel_loop3A_197] {strides = array<i32>} : memref<4096xi32, #tpu.memory_space<vmem>>, vector<16xi32>,
        %parallel_loop3A_199 = arith.index_cast %parallel_loop3A_194 : i32 to index
        %parallel_loop3A_200 = memref.load %arg16[%parallel_loop3A_199] : memref<256xi32, #tpu.memory_space<smem>>
        %parallel_loop3A_201 = vector.broadcast %parallel_loop3A_200 : i32 to vector<16xi32>
        %parallel_loop3A_202 = arith.addi %parallel_loop3A_198, %parallel_loop3A_201 : vector<16xi32>
        %parallel_loop3A_203 = arith.constant 16 : i32
        %parallel_loop3A_204 = arith.muli %parallel_loop3A_194, %parallel_loop3A_203 : i32
        %parallel_loop3A_205 = arith.index_cast %parallel_loop3A_204 : i32 to index
        %parallel_loop3A_206 = tpu.vector_load %arg13[%parallel_loop3A_205] {strides = array<i32>} : memref<4096xi32, #tpu.memory_space<vmem>>, vector<16xi32>,
        tpu.vector_store %arg13[%parallel_loop3A_205], %parallel_loop3A_202 {strides = array<i32>} : memref<4096xi32, #tpu.memory_space<vmem>>, vector<16xi32>,
      } {sc.loop_unroll_factor = 4 : i64, sc.parallel_access}
      %parallel_loop3A_186 = arith.constant 0 : i32
      %parallel_loop3A_187 = arith.constant 256 : i32
      %parallel_loop3A_188 = arith.constant 1 : i32
      scf.for %parallel_loop3A_194 = %parallel_loop3A_186 to %parallel_loop3A_187 step %parallel_loop3A_188  : i32 {
        %parallel_loop3A_195 = arith.constant 16 : i32
        %parallel_loop3A_196 = arith.muli %parallel_loop3A_194, %parallel_loop3A_195 : i32
        %parallel_loop3A_197 = arith.index_cast %parallel_loop3A_196 : i32 to index
        %parallel_loop3A_198 = tpu.vector_load %arg10[%parallel_loop3A_197] {strides = array<i32>} : memref<4096xi32, #tpu.memory_space<vmem>>, vector<16xi32>,
        %parallel_loop3A_199 = arith.constant 16 : i32
        %parallel_loop3A_200 = arith.muli %parallel_loop3A_194, %parallel_loop3A_199 : i32
        %parallel_loop3A_201 = arith.index_cast %parallel_loop3A_200 : i32 to index
        %parallel_loop3A_202 = tpu.vector_load %arg11[%parallel_loop3A_201] {strides = array<i32>} : memref<4096xi32, #tpu.memory_space<vmem>>, vector<16xi32>,
        %parallel_loop3A_203 = arith.constant 16 : i32
        %parallel_loop3A_204 = arith.muli %parallel_loop3A_194, %parallel_loop3A_203 : i32
        %parallel_loop3A_205 = arith.index_cast %parallel_loop3A_204 : i32 to index
        %parallel_loop3A_206 = tpu.vector_load %arg14[%parallel_loop3A_205] {strides = array<i32>} : memref<4096xi32, #tpu.memory_space<vmem>>, vector<16xi32>,
        %parallel_loop3A_207 = tpu.vector_load_idx %arg13[%parallel_loop3A_206] : memref<4096xi32, #tpu.memory_space<vmem>>[vector<16xi32>], vector<16xi32>,
        %parallel_loop3A_208 = arith.constant 16 : i32
        %parallel_loop3A_209 = arith.muli %parallel_loop3A_194, %parallel_loop3A_208 : i32
        %parallel_loop3A_210 = arith.index_cast %parallel_loop3A_209 : i32 to index
        %parallel_loop3A_211 = tpu.vector_load %arg15[%parallel_loop3A_210] {strides = array<i32>} : memref<4096xi32, #tpu.memory_space<vmem>>, vector<16xi32>,
        %parallel_loop3A_212 = arith.addi %parallel_loop3A_207, %parallel_loop3A_211 : vector<16xi32>
        tpu.vector_store_idx %arg8[%parallel_loop3A_212], %parallel_loop3A_198 : memref<4096xi32, #tpu.memory_space<vmem>>[vector<16xi32>], vector<16xi32>,
        tpu.vector_store_idx %arg9[%parallel_loop3A_212], %parallel_loop3A_202 : memref<4096xi32, #tpu.memory_space<vmem>>[vector<16xi32>], vector<16xi32>,
      } {sc.loop_unroll_factor = 4 : i64, sc.parallel_access}
      %mul3A_189 = arith.constant 4096 : i32
      %mul3A_190 = arith.muli %add3A_83, %mul3A_189 : i32
      %parallel_loop3A_191 = arith.constant 0 : i32
      %parallel_loop3A_192 = arith.constant 256 : i32
      %parallel_loop3A_193 = arith.constant 1 : i32
      scf.for %parallel_loop3A_194 = %parallel_loop3A_191 to %parallel_loop3A_192 step %parallel_loop3A_193  : i32 {
        %parallel_loop3A_195 = arith.constant 16 : i32
        %parallel_loop3A_196 = arith.muli %parallel_loop3A_194, %parallel_loop3A_195 : i32
        %parallel_loop3A_197 = arith.index_cast %parallel_loop3A_196 : i32 to index
        %parallel_loop3A_198 = tpu.vector_load %arg9[%parallel_loop3A_197] {strides = array<i32>} : memref<4096xi32, #tpu.memory_space<vmem>>, vector<16xi32>,
        %parallel_loop3A_199 = vector.broadcast %mul3A_190 : i32 to vector<16xi32>
        %parallel_loop3A_200 = arith.addi %parallel_loop3A_198, %parallel_loop3A_199 : vector<16xi32>
        %parallel_loop3A_201 = arith.constant 16 : i32
        %parallel_loop3A_202 = arith.muli %parallel_loop3A_194, %parallel_loop3A_201 : i32
        %parallel_loop3A_203 = arith.index_cast %parallel_loop3A_202 : i32 to index
        %parallel_loop3A_204 = tpu.vector_load %arg9[%parallel_loop3A_203] {strides = array<i32>} : memref<4096xi32, #tpu.memory_space<vmem>>, vector<16xi32>,
        tpu.vector_store %arg9[%parallel_loop3A_203], %parallel_loop3A_200 {strides = array<i32>} : memref<4096xi32, #tpu.memory_space<vmem>>, vector<16xi32>,
      } {sc.loop_unroll_factor = 4 : i64, sc.parallel_access}
      "tpu.region"() ({
        %run_scoped3A = tpu.sem_alloc : memref<!tpu.dma_semaphore, #tpu.memory_space<semaphore_mem>>
        %dma_start3A_194 = arith.constant 0 : i32
        %dma_start3A_195 = tpu.memref_slice %arg22[%arg1, %dma_start3A_194] : memref<8x4096xi32, #tpu.memory_space<vmem_shared>> -> memref<1x4096xi32, #tpu.memory_space<vmem_shared>>
        %dma_start3A_196 = tpu.memref_squeeze %dma_start3A_195 : memref<1x4096xi32, #tpu.memory_space<vmem_shared>> -> memref<4096xi32, #tpu.memory_space<vmem_shared>>
        %dma_start3A_197 = arith.constant 0 : i32
        %dma_start3A_198 = tpu.memref_slice %arg22[%arg1, %dma_start3A_197] : memref<8x4096xi32, #tpu.memory_space<vmem_shared>> -> memref<1x4096xi32, #tpu.memory_space<vmem_shared>>
        %dma_start3A_199 = tpu.memref_squeeze %dma_start3A_198 : memref<1x4096xi32, #tpu.memory_space<vmem_shared>> -> memref<4096xi32, #tpu.memory_space<vmem_shared>>
        tpu.enqueue_dma source(%arg9 : memref<4096xi32, #tpu.memory_space<vmem>>) target(%dma_start3A_199 : memref<4096xi32, #tpu.memory_space<vmem_shared>>) target_semaphore(%run_scoped3A : memref<!tpu.dma_semaphore, #tpu.memory_space<semaphore_mem>>)
        %dma_wait3A = arith.constant 0 : i32
        %dma_wait3A_200 = tpu.memref_slice %arg22[%arg1, %dma_wait3A] : memref<8x4096xi32, #tpu.memory_space<vmem_shared>> -> memref<1x4096xi32, #tpu.memory_space<vmem_shared>>
        %dma_wait3A_201 = tpu.memref_squeeze %dma_wait3A_200 : memref<1x4096xi32, #tpu.memory_space<vmem_shared>> -> memref<4096xi32, #tpu.memory_space<vmem_shared>>
        %dma_wait3A_202 = arith.constant 0 : i32
        %dma_wait3A_203 = tpu.memref_slice %arg22[%arg1, %dma_wait3A_202] : memref<8x4096xi32, #tpu.memory_space<vmem_shared>> -> memref<1x4096xi32, #tpu.memory_space<vmem_shared>>
        %dma_wait3A_204 = tpu.memref_squeeze %dma_wait3A_203 : memref<1x4096xi32, #tpu.memory_space<vmem_shared>> -> memref<4096xi32, #tpu.memory_space<vmem_shared>>
        tpu.wait_dma2 semaphore(%run_scoped3A : memref<!tpu.dma_semaphore, #tpu.memory_space<semaphore_mem>>) src(%arg9 : memref<4096xi32, #tpu.memory_space<vmem>>) dst(%dma_wait3A_204 : memref<4096xi32, #tpu.memory_space<vmem_shared>>)
        tpu.yield
      }) : () -> ()
    } else {
    }
    %barrier3A = arith.constant 0 : index
    tpu.barrier barrier_id(%barrier3A)
    %jit3A = arith.constant 2 : i32
    %div3A = arith.divsi %arg1, %jit3A : i32
    %sign3A = arith.constant 0 : i32
    %sign3A_2 = arith.cmpi sgt, %arg1, %sign3A : i32
    %sign3A_3 = arith.extui %sign3A_2 : i1 to i32
    %sign3A_4 = arith.constant 0 : i32
    %sign3A_5 = arith.cmpi slt, %arg1, %sign3A_4 : i32
    %sign3A_6 = arith.extui %sign3A_5 : i1 to i32
    %sign3A_7 = arith.subi %sign3A_3, %sign3A_6 : i32
    %sign3A_8 = arith.constant 0 : i32
    %sign3A_9 = arith.cmpi sgt, %jit3A, %sign3A_8 : i32
    %sign3A_10 = arith.extui %sign3A_9 : i1 to i32
    %sign3A_11 = arith.constant 0 : i32
    %sign3A_12 = arith.cmpi slt, %jit3A, %sign3A_11 : i32
    %sign3A_13 = arith.extui %sign3A_12 : i1 to i32
    %sign3A_14 = arith.subi %sign3A_10, %sign3A_13 : i32
    %ne3A = arith.cmpi ne, %sign3A_7, %sign3A_14 : i32
    %rem3A = arith.remsi %arg1, %jit3A : i32
    %ne3A_15 = arith.constant 0 : i32
    %ne3A_16 = arith.cmpi ne, %rem3A, %ne3A_15 : i32
    %and3A = arith.andi %ne3A, %ne3A_16 : i1
    %sub3A = arith.constant 1 : i32
    %sub3A_17 = arith.subi %div3A, %sub3A : i32
    %select_n3A = arith.select %and3A, %sub3A_17, %div3A : i32
    %mul3A = arith.constant 8 : i32
    %mul3A_18 = arith.muli %arg0, %mul3A : i32
    %add3A = arith.addi %mul3A_18, %select_n3A : i32
    %mul3A_19 = arith.constant 4096 : i32
    %mul3A_20 = arith.muli %add3A, %mul3A_19 : i32
    %jit3A_21 = arith.constant 2 : i32
    %eq3A = arith.constant 0 : i32
    %eq3A_22 = arith.cmpi eq, %jit3A_21, %eq3A : i32
    %jit3A_23 = arith.constant 1 : i32
    %select_n3A_24 = arith.select %eq3A_22, %jit3A_23, %jit3A_21 : i32
    %rem3A_25 = arith.remsi %arg1, %select_n3A_24 : i32
    %ne3A_26 = arith.constant 0 : i32
    %ne3A_27 = arith.cmpi ne, %rem3A_25, %ne3A_26 : i32
    %lt3A_28 = arith.constant 0 : i32
    %lt3A_29 = arith.cmpi slt, %rem3A_25, %lt3A_28 : i32
    %lt3A_30 = arith.constant 0 : i32
    %lt3A_31 = arith.cmpi slt, %select_n3A_24, %lt3A_30 : i32
    %ne3A_32 = arith.xori %lt3A_29, %lt3A_31 : i1
    %and3A_33 = arith.andi %ne3A_32, %ne3A_27 : i1
    %add3A_34 = arith.addi %rem3A_25, %select_n3A_24 : i32
    %select_n3A_35 = arith.select %and3A_33, %add3A_34, %rem3A_25 : i32
    %mul3A_36 = arith.constant 2048 : i32
    %mul3A_37 = arith.muli %select_n3A_35, %mul3A_36 : i32
    %add3A_38 = arith.addi %mul3A_20, %mul3A_37 : i32
    %jit3A_39 = arith.constant 2 : i32
    %eq3A_40 = arith.constant 0 : i32
    %eq3A_41 = arith.cmpi eq, %jit3A_39, %eq3A_40 : i32
    %jit3A_42 = arith.constant 1 : i32
    %select_n3A_43 = arith.select %eq3A_41, %jit3A_42, %jit3A_39 : i32
    %rem3A_44 = arith.remsi %arg1, %select_n3A_43 : i32
    %ne3A_45 = arith.constant 0 : i32
    %ne3A_46 = arith.cmpi ne, %rem3A_44, %ne3A_45 : i32
    %lt3A_47 = arith.constant 0 : i32
    %lt3A_48 = arith.cmpi slt, %rem3A_44, %lt3A_47 : i32
    %lt3A_49 = arith.constant 0 : i32
    %lt3A_50 = arith.cmpi slt, %select_n3A_43, %lt3A_49 : i32
    %ne3A_51 = arith.xori %lt3A_48, %lt3A_50 : i1
    %and3A_52 = arith.andi %ne3A_51, %ne3A_46 : i1
    %add3A_53 = arith.addi %rem3A_44, %select_n3A_43 : i32
    %select_n3A_54 = arith.select %and3A_52, %add3A_53, %rem3A_44 : i32
    %mul3A_55 = arith.constant 2048 : i32
    %mul3A_56 = arith.muli %select_n3A_54, %mul3A_55 : i32
    "tpu.region"() ({
      %run_scoped3A = tpu.sem_alloc : memref<!tpu.dma_semaphore, #tpu.memory_space<semaphore_mem>>
      %dma_start3A_81 = tpu.memref_slice %arg22[%select_n3A, %mul3A_56] : memref<8x4096xi32, #tpu.memory_space<vmem_shared>> -> memref<1x2048xi32, #tpu.memory_space<vmem_shared>>
      %dma_start3A_82 = tpu.memref_squeeze %dma_start3A_81 : memref<1x2048xi32, #tpu.memory_space<vmem_shared>> -> memref<2048xi32, #tpu.memory_space<vmem_shared>>
      %dma_start3A_83 = tpu.memref_slice %arg22[%select_n3A, %mul3A_56] : memref<8x4096xi32, #tpu.memory_space<vmem_shared>> -> memref<1x2048xi32, #tpu.memory_space<vmem_shared>>
      %dma_start3A_84 = tpu.memref_squeeze %dma_start3A_83 : memref<1x2048xi32, #tpu.memory_space<vmem_shared>> -> memref<2048xi32, #tpu.memory_space<vmem_shared>>
      tpu.enqueue_dma source(%dma_start3A_84 : memref<2048xi32, #tpu.memory_space<vmem_shared>>) target(%arg17 : memref<2048xi32, #tpu.memory_space<vmem>>) target_semaphore(%run_scoped3A : memref<!tpu.dma_semaphore, #tpu.memory_space<semaphore_mem>>)
      %dma_wait3A = tpu.memref_slice %arg22[%select_n3A, %mul3A_56] : memref<8x4096xi32, #tpu.memory_space<vmem_shared>> -> memref<1x2048xi32, #tpu.memory_space<vmem_shared>>
      %dma_wait3A_85 = tpu.memref_squeeze %dma_wait3A : memref<1x2048xi32, #tpu.memory_space<vmem_shared>> -> memref<2048xi32, #tpu.memory_space<vmem_shared>>
      %dma_wait3A_86 = tpu.memref_slice %arg22[%select_n3A, %mul3A_56] : memref<8x4096xi32, #tpu.memory_space<vmem_shared>> -> memref<1x2048xi32, #tpu.memory_space<vmem_shared>>
      %dma_wait3A_87 = tpu.memref_squeeze %dma_wait3A_86 : memref<1x2048xi32, #tpu.memory_space<vmem_shared>> -> memref<2048xi32, #tpu.memory_space<vmem_shared>>
      tpu.wait_dma2 semaphore(%run_scoped3A : memref<!tpu.dma_semaphore, #tpu.memory_space<semaphore_mem>>) src(%dma_wait3A_87 : memref<2048xi32, #tpu.memory_space<vmem_shared>>) dst(%arg17 : memref<2048xi32, #tpu.memory_space<vmem>>)
      tpu.yield
    }) : () -> ()
    %dma_start3A = arith.constant 0 : i32
    %dma_start3A_57 = tpu.memref_slice %arg17[%dma_start3A] : memref<2048xi32, #tpu.memory_space<vmem>> -> memref<64xi32, #tpu.memory_space<vmem>>
    %dma_start3A_58 = arith.constant 0 : i32
    %dma_start3A_59 = arith.constant 0 : i32
    %dma_start3A_60 = tpu.memref_slice %arg2[%dma_start3A_58, %dma_start3A_59] : memref<65536x256xf32, #tpu.memory_space<hbm>> -> memref<65536x256xf32, #tpu.memory_space<hbm>>
    tpu.enqueue_indirect_dma source(%dma_start3A_60 : memref<65536x256xf32, #tpu.memory_space<hbm>>) target(%arg18 : memref<64x256xf32, #tpu.memory_space<vmem>>) offsets(%dma_start3A_57 : memref<64xi32, #tpu.memory_space<vmem>>) semaphore(%arg23 : memref<!tpu.dma_semaphore, #tpu.memory_space<semaphore_mem>>)
    %dma_start3A_61 = arith.constant 64 : i32
    %dma_start3A_62 = tpu.memref_slice %arg17[%dma_start3A_61] : memref<2048xi32, #tpu.memory_space<vmem>> -> memref<64xi32, #tpu.memory_space<vmem>>
    %dma_start3A_63 = arith.constant 0 : i32
    %dma_start3A_64 = arith.constant 0 : i32
    %dma_start3A_65 = tpu.memref_slice %arg2[%dma_start3A_63, %dma_start3A_64] : memref<65536x256xf32, #tpu.memory_space<hbm>> -> memref<65536x256xf32, #tpu.memory_space<hbm>>
    tpu.enqueue_indirect_dma source(%dma_start3A_65 : memref<65536x256xf32, #tpu.memory_space<hbm>>) target(%arg19 : memref<64x256xf32, #tpu.memory_space<vmem>>) offsets(%dma_start3A_62 : memref<64xi32, #tpu.memory_space<vmem>>) semaphore(%arg24 : memref<!tpu.dma_semaphore, #tpu.memory_space<semaphore_mem>>)
    %dma_start3A_66 = arith.constant 128 : i32
    %dma_start3A_67 = tpu.memref_slice %arg17[%dma_start3A_66] : memref<2048xi32, #tpu.memory_space<vmem>> -> memref<64xi32, #tpu.memory_space<vmem>>
    %dma_start3A_68 = arith.constant 0 : i32
    %dma_start3A_69 = arith.constant 0 : i32
    %dma_start3A_70 = tpu.memref_slice %arg2[%dma_start3A_68, %dma_start3A_69] : memref<65536x256xf32, #tpu.memory_space<hbm>> -> memref<65536x256xf32, #tpu.memory_space<hbm>>
    tpu.enqueue_indirect_dma source(%dma_start3A_70 : memref<65536x256xf32, #tpu.memory_space<hbm>>) target(%arg20 : memref<64x256xf32, #tpu.memory_space<vmem>>) offsets(%dma_start3A_67 : memref<64xi32, #tpu.memory_space<vmem>>) semaphore(%arg25 : memref<!tpu.dma_semaphore, #tpu.memory_space<semaphore_mem>>)
    %dma_start3A_71 = arith.constant 192 : i32
    %dma_start3A_72 = tpu.memref_slice %arg17[%dma_start3A_71] : memref<2048xi32, #tpu.memory_space<vmem>> -> memref<64xi32, #tpu.memory_space<vmem>>
    %dma_start3A_73 = arith.constant 0 : i32
    %dma_start3A_74 = arith.constant 0 : i32
    %dma_start3A_75 = tpu.memref_slice %arg2[%dma_start3A_73, %dma_start3A_74] : memref<65536x256xf32, #tpu.memory_space<hbm>> -> memref<65536x256xf32, #tpu.memory_space<hbm>>
    tpu.enqueue_indirect_dma source(%dma_start3A_75 : memref<65536x256xf32, #tpu.memory_space<hbm>>) target(%arg21 : memref<64x256xf32, #tpu.memory_space<vmem>>) offsets(%dma_start3A_72 : memref<64xi32, #tpu.memory_space<vmem>>) semaphore(%arg26 : memref<!tpu.dma_semaphore, #tpu.memory_space<semaphore_mem>>)
    %scan3A = arith.constant 0 : i32
    %scan3A_76 = arith.constant 0 : i32
    %scan3A_77 = arith.constant 8 : i32
    %scan3A_78 = arith.addi %scan3A_76, %scan3A_77 : i32
    %scan3A_79 = arith.constant 1 : i32
    scf.for %scan3A_81 = %scan3A_76 to %scan3A_78 step %scan3A_79  : i32 {
      %mul3A_82 = arith.constant 4 : i32
      %mul3A_83 = arith.muli %scan3A_81, %mul3A_82 : i32
      %add3A_84 = arith.constant 0 : i32
      %add3A_85 = arith.addi %mul3A_83, %add3A_84 : i32
      %mul3A_86 = arith.constant 64 : i32
      %mul3A_87 = arith.muli %add3A_85, %mul3A_86 : i32
      %dma_wait3A = tpu.memref_slice %arg17[%mul3A_87] : memref<2048xi32, #tpu.memory_space<vmem>> -> memref<64xi32, #tpu.memory_space<vmem>>
      %dma_wait3A_88 = arith.constant 0 : i32
      %dma_wait3A_89 = arith.constant 0 : i32
      %dma_wait3A_90 = tpu.memref_slice %arg2[%dma_wait3A_88, %dma_wait3A_89] : memref<65536x256xf32, #tpu.memory_space<hbm>> -> memref<65536x256xf32, #tpu.memory_space<hbm>>
      tpu.wait_indirect_dma semaphore(%arg23 : memref<!tpu.dma_semaphore, #tpu.memory_space<semaphore_mem>>) src(%dma_wait3A_90 : memref<65536x256xf32, #tpu.memory_space<hbm>>) dst(%arg18 : memref<64x256xf32, #tpu.memory_space<vmem>>)
      %mul3A_91 = arith.constant 64 : i32
      %mul3A_92 = arith.muli %add3A_85, %mul3A_91 : i32
      %add3A_93 = arith.addi %add3A_38, %mul3A_92 : i32
      "tpu.region"() ({
        %run_scoped3A = tpu.sem_alloc : memref<!tpu.dma_semaphore, #tpu.memory_space<semaphore_mem>>
        %dma_start3A_153 = arith.constant 0 : i32
        %dma_start3A_154 = tpu.memref_slice %arg5[%add3A_93, %dma_start3A_153] : memref<65536x256xf32, #tpu.memory_space<hbm>> -> memref<64x256xf32, #tpu.memory_space<hbm>>
        %dma_start3A_155 = arith.constant 0 : i32
        %dma_start3A_156 = tpu.memref_slice %arg5[%add3A_93, %dma_start3A_155] : memref<65536x256xf32, #tpu.memory_space<hbm>> -> memref<64x256xf32, #tpu.memory_space<hbm>>
        tpu.enqueue_dma source(%arg18 : memref<64x256xf32, #tpu.memory_space<vmem>>) target(%dma_start3A_156 : memref<64x256xf32, #tpu.memory_space<hbm>>) target_semaphore(%run_scoped3A : memref<!tpu.dma_semaphore, #tpu.memory_space<semaphore_mem>>)
        %dma_wait3A_157 = arith.constant 0 : i32
        %dma_wait3A_158 = tpu.memref_slice %arg5[%add3A_93, %dma_wait3A_157] : memref<65536x256xf32, #tpu.memory_space<hbm>> -> memref<64x256xf32, #tpu.memory_space<hbm>>
        %dma_wait3A_159 = arith.constant 0 : i32
        %dma_wait3A_160 = tpu.memref_slice %arg5[%add3A_93, %dma_wait3A_159] : memref<65536x256xf32, #tpu.memory_space<hbm>> -> memref<64x256xf32, #tpu.memory_space<hbm>>
        tpu.wait_dma2 semaphore(%run_scoped3A : memref<!tpu.dma_semaphore, #tpu.memory_space<semaphore_mem>>) src(%arg18 : memref<64x256xf32, #tpu.memory_space<vmem>>) dst(%dma_wait3A_160 : memref<64x256xf32, #tpu.memory_space<hbm>>)
        tpu.yield
      }) : () -> ()
      %lt3A_94 = arith.constant 7 : i32
      %lt3A_95 = arith.cmpi slt, %scan3A_81, %lt3A_94 : i32
      %convert_element_type3A_96 = arith.extui %lt3A_95 : i1 to i32
      %cond3A_97 = arith.constant 0 : i32
      %cond3A_98 = arith.cmpi ne, %convert_element_type3A_96, %cond3A_97 : i32
      scf.if %cond3A_98 {
        %add3A_153 = arith.constant 4 : i32
        %add3A_154 = arith.addi %add3A_85, %add3A_153 : i32
        %mul3A_155 = arith.constant 64 : i32
        %mul3A_156 = arith.muli %add3A_154, %mul3A_155 : i32
        %dma_start3A_157 = tpu.memref_slice %arg17[%mul3A_156] : memref<2048xi32, #tpu.memory_space<vmem>> -> memref<64xi32, #tpu.memory_space<vmem>>
        %dma_start3A_158 = arith.constant 0 : i32
        %dma_start3A_159 = arith.constant 0 : i32
        %dma_start3A_160 = tpu.memref_slice %arg2[%dma_start3A_158, %dma_start3A_159] : memref<65536x256xf32, #tpu.memory_space<hbm>> -> memref<65536x256xf32, #tpu.memory_space<hbm>>
        tpu.enqueue_indirect_dma source(%dma_start3A_160 : memref<65536x256xf32, #tpu.memory_space<hbm>>) target(%arg18 : memref<64x256xf32, #tpu.memory_space<vmem>>) offsets(%dma_start3A_157 : memref<64xi32, #tpu.memory_space<vmem>>) semaphore(%arg23 : memref<!tpu.dma_semaphore, #tpu.memory_space<semaphore_mem>>)
      } else {
      }
      %mul3A_99 = arith.constant 4 : i32
      %mul3A_100 = arith.muli %scan3A_81, %mul3A_99 : i32
      %add3A_101 = arith.constant 1 : i32
      %add3A_102 = arith.addi %mul3A_100, %add3A_101 : i32
      %mul3A_103 = arith.constant 64 : i32
      %mul3A_104 = arith.muli %add3A_102, %mul3A_103 : i32
      %dma_wait3A_105 = tpu.memref_slice %arg17[%mul3A_104] : memref<2048xi32, #tpu.memory_space<vmem>> -> memref<64xi32, #tpu.memory_space<vmem>>
      %dma_wait3A_106 = arith.constant 0 : i32
      %dma_wait3A_107 = arith.constant 0 : i32
      %dma_wait3A_108 = tpu.memref_slice %arg2[%dma_wait3A_106, %dma_wait3A_107] : memref<65536x256xf32, #tpu.memory_space<hbm>> -> memref<65536x256xf32, #tpu.memory_space<hbm>>
      tpu.wait_indirect_dma semaphore(%arg24 : memref<!tpu.dma_semaphore, #tpu.memory_space<semaphore_mem>>) src(%dma_wait3A_108 : memref<65536x256xf32, #tpu.memory_space<hbm>>) dst(%arg19 : memref<64x256xf32, #tpu.memory_space<vmem>>)
      %mul3A_109 = arith.constant 64 : i32
      %mul3A_110 = arith.muli %add3A_102, %mul3A_109 : i32
      %add3A_111 = arith.addi %add3A_38, %mul3A_110 : i32
      "tpu.region"() ({
        %run_scoped3A = tpu.sem_alloc : memref<!tpu.dma_semaphore, #tpu.memory_space<semaphore_mem>>
        %dma_start3A_153 = arith.constant 0 : i32
        %dma_start3A_154 = tpu.memref_slice %arg5[%add3A_111, %dma_start3A_153] : memref<65536x256xf32, #tpu.memory_space<hbm>> -> memref<64x256xf32, #tpu.memory_space<hbm>>
        %dma_start3A_155 = arith.constant 0 : i32
        %dma_start3A_156 = tpu.memref_slice %arg5[%add3A_111, %dma_start3A_155] : memref<65536x256xf32, #tpu.memory_space<hbm>> -> memref<64x256xf32, #tpu.memory_space<hbm>>
        tpu.enqueue_dma source(%arg19 : memref<64x256xf32, #tpu.memory_space<vmem>>) target(%dma_start3A_156 : memref<64x256xf32, #tpu.memory_space<hbm>>) target_semaphore(%run_scoped3A : memref<!tpu.dma_semaphore, #tpu.memory_space<semaphore_mem>>)
        %dma_wait3A_157 = arith.constant 0 : i32
        %dma_wait3A_158 = tpu.memref_slice %arg5[%add3A_111, %dma_wait3A_157] : memref<65536x256xf32, #tpu.memory_space<hbm>> -> memref<64x256xf32, #tpu.memory_space<hbm>>
        %dma_wait3A_159 = arith.constant 0 : i32
        %dma_wait3A_160 = tpu.memref_slice %arg5[%add3A_111, %dma_wait3A_159] : memref<65536x256xf32, #tpu.memory_space<hbm>> -> memref<64x256xf32, #tpu.memory_space<hbm>>
        tpu.wait_dma2 semaphore(%run_scoped3A : memref<!tpu.dma_semaphore, #tpu.memory_space<semaphore_mem>>) src(%arg19 : memref<64x256xf32, #tpu.memory_space<vmem>>) dst(%dma_wait3A_160 : memref<64x256xf32, #tpu.memory_space<hbm>>)
        tpu.yield
      }) : () -> ()
      %lt3A_112 = arith.constant 7 : i32
      %lt3A_113 = arith.cmpi slt, %scan3A_81, %lt3A_112 : i32
      %convert_element_type3A_114 = arith.extui %lt3A_113 : i1 to i32
      %cond3A_115 = arith.constant 0 : i32
      %cond3A_116 = arith.cmpi ne, %convert_element_type3A_114, %cond3A_115 : i32
      scf.if %cond3A_116 {
        %add3A_153 = arith.constant 4 : i32
        %add3A_154 = arith.addi %add3A_102, %add3A_153 : i32
        %mul3A_155 = arith.constant 64 : i32
        %mul3A_156 = arith.muli %add3A_154, %mul3A_155 : i32
        %dma_start3A_157 = tpu.memref_slice %arg17[%mul3A_156] : memref<2048xi32, #tpu.memory_space<vmem>> -> memref<64xi32, #tpu.memory_space<vmem>>
        %dma_start3A_158 = arith.constant 0 : i32
        %dma_start3A_159 = arith.constant 0 : i32
        %dma_start3A_160 = tpu.memref_slice %arg2[%dma_start3A_158, %dma_start3A_159] : memref<65536x256xf32, #tpu.memory_space<hbm>> -> memref<65536x256xf32, #tpu.memory_space<hbm>>
        tpu.enqueue_indirect_dma source(%dma_start3A_160 : memref<65536x256xf32, #tpu.memory_space<hbm>>) target(%arg19 : memref<64x256xf32, #tpu.memory_space<vmem>>) offsets(%dma_start3A_157 : memref<64xi32, #tpu.memory_space<vmem>>) semaphore(%arg24 : memref<!tpu.dma_semaphore, #tpu.memory_space<semaphore_mem>>)
      } else {
      }
      %mul3A_117 = arith.constant 4 : i32
      %mul3A_118 = arith.muli %scan3A_81, %mul3A_117 : i32
      %add3A_119 = arith.constant 2 : i32
      %add3A_120 = arith.addi %mul3A_118, %add3A_119 : i32
      %mul3A_121 = arith.constant 64 : i32
      %mul3A_122 = arith.muli %add3A_120, %mul3A_121 : i32
      %dma_wait3A_123 = tpu.memref_slice %arg17[%mul3A_122] : memref<2048xi32, #tpu.memory_space<vmem>> -> memref<64xi32, #tpu.memory_space<vmem>>
      %dma_wait3A_124 = arith.constant 0 : i32
      %dma_wait3A_125 = arith.constant 0 : i32
      %dma_wait3A_126 = tpu.memref_slice %arg2[%dma_wait3A_124, %dma_wait3A_125] : memref<65536x256xf32, #tpu.memory_space<hbm>> -> memref<65536x256xf32, #tpu.memory_space<hbm>>
      tpu.wait_indirect_dma semaphore(%arg25 : memref<!tpu.dma_semaphore, #tpu.memory_space<semaphore_mem>>) src(%dma_wait3A_126 : memref<65536x256xf32, #tpu.memory_space<hbm>>) dst(%arg20 : memref<64x256xf32, #tpu.memory_space<vmem>>)
      %mul3A_127 = arith.constant 64 : i32
      %mul3A_128 = arith.muli %add3A_120, %mul3A_127 : i32
      %add3A_129 = arith.addi %add3A_38, %mul3A_128 : i32
      "tpu.region"() ({
        %run_scoped3A = tpu.sem_alloc : memref<!tpu.dma_semaphore, #tpu.memory_space<semaphore_mem>>
        %dma_start3A_153 = arith.constant 0 : i32
        %dma_start3A_154 = tpu.memref_slice %arg5[%add3A_129, %dma_start3A_153] : memref<65536x256xf32, #tpu.memory_space<hbm>> -> memref<64x256xf32, #tpu.memory_space<hbm>>
        %dma_start3A_155 = arith.constant 0 : i32
        %dma_start3A_156 = tpu.memref_slice %arg5[%add3A_129, %dma_start3A_155] : memref<65536x256xf32, #tpu.memory_space<hbm>> -> memref<64x256xf32, #tpu.memory_space<hbm>>
        tpu.enqueue_dma source(%arg20 : memref<64x256xf32, #tpu.memory_space<vmem>>) target(%dma_start3A_156 : memref<64x256xf32, #tpu.memory_space<hbm>>) target_semaphore(%run_scoped3A : memref<!tpu.dma_semaphore, #tpu.memory_space<semaphore_mem>>)
        %dma_wait3A_157 = arith.constant 0 : i32
        %dma_wait3A_158 = tpu.memref_slice %arg5[%add3A_129, %dma_wait3A_157] : memref<65536x256xf32, #tpu.memory_space<hbm>> -> memref<64x256xf32, #tpu.memory_space<hbm>>
        %dma_wait3A_159 = arith.constant 0 : i32
        %dma_wait3A_160 = tpu.memref_slice %arg5[%add3A_129, %dma_wait3A_159] : memref<65536x256xf32, #tpu.memory_space<hbm>> -> memref<64x256xf32, #tpu.memory_space<hbm>>
        tpu.wait_dma2 semaphore(%run_scoped3A : memref<!tpu.dma_semaphore, #tpu.memory_space<semaphore_mem>>) src(%arg20 : memref<64x256xf32, #tpu.memory_space<vmem>>) dst(%dma_wait3A_160 : memref<64x256xf32, #tpu.memory_space<hbm>>)
        tpu.yield
      }) : () -> ()
      %lt3A_130 = arith.constant 7 : i32
      %lt3A_131 = arith.cmpi slt, %scan3A_81, %lt3A_130 : i32
      %convert_element_type3A_132 = arith.extui %lt3A_131 : i1 to i32
      %cond3A_133 = arith.constant 0 : i32
      %cond3A_134 = arith.cmpi ne, %convert_element_type3A_132, %cond3A_133 : i32
      scf.if %cond3A_134 {
        %add3A_153 = arith.constant 4 : i32
        %add3A_154 = arith.addi %add3A_120, %add3A_153 : i32
        %mul3A_155 = arith.constant 64 : i32
        %mul3A_156 = arith.muli %add3A_154, %mul3A_155 : i32
        %dma_start3A_157 = tpu.memref_slice %arg17[%mul3A_156] : memref<2048xi32, #tpu.memory_space<vmem>> -> memref<64xi32, #tpu.memory_space<vmem>>
        %dma_start3A_158 = arith.constant 0 : i32
        %dma_start3A_159 = arith.constant 0 : i32
        %dma_start3A_160 = tpu.memref_slice %arg2[%dma_start3A_158, %dma_start3A_159] : memref<65536x256xf32, #tpu.memory_space<hbm>> -> memref<65536x256xf32, #tpu.memory_space<hbm>>
        tpu.enqueue_indirect_dma source(%dma_start3A_160 : memref<65536x256xf32, #tpu.memory_space<hbm>>) target(%arg20 : memref<64x256xf32, #tpu.memory_space<vmem>>) offsets(%dma_start3A_157 : memref<64xi32, #tpu.memory_space<vmem>>) semaphore(%arg25 : memref<!tpu.dma_semaphore, #tpu.memory_space<semaphore_mem>>)
      } else {
      }
      %mul3A_135 = arith.constant 4 : i32
      %mul3A_136 = arith.muli %scan3A_81, %mul3A_135 : i32
      %add3A_137 = arith.constant 3 : i32
      %add3A_138 = arith.addi %mul3A_136, %add3A_137 : i32
      %mul3A_139 = arith.constant 64 : i32
      %mul3A_140 = arith.muli %add3A_138, %mul3A_139 : i32
      %dma_wait3A_141 = tpu.memref_slice %arg17[%mul3A_140] : memref<2048xi32, #tpu.memory_space<vmem>> -> memref<64xi32, #tpu.memory_space<vmem>>
      %dma_wait3A_142 = arith.constant 0 : i32
      %dma_wait3A_143 = arith.constant 0 : i32
      %dma_wait3A_144 = tpu.memref_slice %arg2[%dma_wait3A_142, %dma_wait3A_143] : memref<65536x256xf32, #tpu.memory_space<hbm>> -> memref<65536x256xf32, #tpu.memory_space<hbm>>
      tpu.wait_indirect_dma semaphore(%arg26 : memref<!tpu.dma_semaphore, #tpu.memory_space<semaphore_mem>>) src(%dma_wait3A_144 : memref<65536x256xf32, #tpu.memory_space<hbm>>) dst(%arg21 : memref<64x256xf32, #tpu.memory_space<vmem>>)
      %mul3A_145 = arith.constant 64 : i32
      %mul3A_146 = arith.muli %add3A_138, %mul3A_145 : i32
      %add3A_147 = arith.addi %add3A_38, %mul3A_146 : i32
      "tpu.region"() ({
        %run_scoped3A = tpu.sem_alloc : memref<!tpu.dma_semaphore, #tpu.memory_space<semaphore_mem>>
        %dma_start3A_153 = arith.constant 0 : i32
        %dma_start3A_154 = tpu.memref_slice %arg5[%add3A_147, %dma_start3A_153] : memref<65536x256xf32, #tpu.memory_space<hbm>> -> memref<64x256xf32, #tpu.memory_space<hbm>>
        %dma_start3A_155 = arith.constant 0 : i32
        %dma_start3A_156 = tpu.memref_slice %arg5[%add3A_147, %dma_start3A_155] : memref<65536x256xf32, #tpu.memory_space<hbm>> -> memref<64x256xf32, #tpu.memory_space<hbm>>
        tpu.enqueue_dma source(%arg21 : memref<64x256xf32, #tpu.memory_space<vmem>>) target(%dma_start3A_156 : memref<64x256xf32, #tpu.memory_space<hbm>>) target_semaphore(%run_scoped3A : memref<!tpu.dma_semaphore, #tpu.memory_space<semaphore_mem>>)
        %dma_wait3A_157 = arith.constant 0 : i32
        %dma_wait3A_158 = tpu.memref_slice %arg5[%add3A_147, %dma_wait3A_157] : memref<65536x256xf32, #tpu.memory_space<hbm>> -> memref<64x256xf32, #tpu.memory_space<hbm>>
        %dma_wait3A_159 = arith.constant 0 : i32
        %dma_wait3A_160 = tpu.memref_slice %arg5[%add3A_147, %dma_wait3A_159] : memref<65536x256xf32, #tpu.memory_space<hbm>> -> memref<64x256xf32, #tpu.memory_space<hbm>>
        tpu.wait_dma2 semaphore(%run_scoped3A : memref<!tpu.dma_semaphore, #tpu.memory_space<semaphore_mem>>) src(%arg21 : memref<64x256xf32, #tpu.memory_space<vmem>>) dst(%dma_wait3A_160 : memref<64x256xf32, #tpu.memory_space<hbm>>)
        tpu.yield
      }) : () -> ()
      %lt3A_148 = arith.constant 7 : i32
      %lt3A_149 = arith.cmpi slt, %scan3A_81, %lt3A_148 : i32
      %convert_element_type3A_150 = arith.extui %lt3A_149 : i1 to i32
      %cond3A_151 = arith.constant 0 : i32
      %cond3A_152 = arith.cmpi ne, %convert_element_type3A_150, %cond3A_151 : i32
      scf.if %cond3A_152 {
        %add3A_153 = arith.constant 4 : i32
        %add3A_154 = arith.addi %add3A_138, %add3A_153 : i32
        %mul3A_155 = arith.constant 64 : i32
        %mul3A_156 = arith.muli %add3A_154, %mul3A_155 : i32
        %dma_start3A_157 = tpu.memref_slice %arg17[%mul3A_156] : memref<2048xi32, #tpu.memory_space<vmem>> -> memref<64xi32, #tpu.memory_space<vmem>>
        %dma_start3A_158 = arith.constant 0 : i32
        %dma_start3A_159 = arith.constant 0 : i32
        %dma_start3A_160 = tpu.memref_slice %arg2[%dma_start3A_158, %dma_start3A_159] : memref<65536x256xf32, #tpu.memory_space<hbm>> -> memref<65536x256xf32, #tpu.memory_space<hbm>>
        tpu.enqueue_indirect_dma source(%dma_start3A_160 : memref<65536x256xf32, #tpu.memory_space<hbm>>) target(%arg21 : memref<64x256xf32, #tpu.memory_space<vmem>>) offsets(%dma_start3A_157 : memref<64xi32, #tpu.memory_space<vmem>>) semaphore(%arg26 : memref<!tpu.dma_semaphore, #tpu.memory_space<semaphore_mem>>)
      } else {
      }
    }
    %scan3A_80 = arith.constant 8 : i32
    return
  }
}

</mosaic_0001>

<sc_bundles>
// kernel: kernel.3.cloned.1.call-start
scs
__scs_entry_jumppad:
0x0: {  	(pc) =	sbr.rel $0x88, $3  }
0x1: {  	(tag) =	ssettag $0x0;
	lr =	simm.s32 $0x1  }
0x2: {  	[smem:$0x3F9E] =	sst lr;
	_ =	strace $0xD0000000  }
0x3: {  	_ = 	snop  }
0x4: {  	_ = 	snop  }
0x5: {  	_ = 	snop  }
0x6: {  	_ = 	snop  }
0x7: {  	_ = 	snop  }
__scs_overlays_trampoline_lowered:
0x8: {  	[smem:$0x3FAD] =	sst s0  }
0x9: {  	[smem:$0x3FAE] =	sst s1  }
0xa: {  	[smem:$0x3FAF] =	sst s2  }
0xb: {  	[smem:$0x3FB0] =	sst s3  }
0xc: {  	[smem:$0x3FB1] =	sst s4  }
0xd: {  	[smem:$0x3FB2] =	sst s5  }
0xe: {  	[smem:$0x3FB3] =	sst s6  }
0xf: {  	[smem:$0x3FB4] =	sst s7  }
0x10: {  	[smem:$0x3FB5] =	sst s8  }
0x11: {  	[smem:$0x3FB6] =	sst s9;
	s0 =	simm.s32 @!p0 $0x0  }
0x12: {  	s1 =	sld [smem:$0x3F9C];
	s0 =	simm.s32 @p0 $0x1  }
0x13: {  	[smem:$0x3FB7] =	sst s0;
	s0 =	simm.s32 @!p1 $0x0  }
0x14: {  	s2 =	sld [smem:$0x3F9B];
	s0 =	simm.s32 @p1 $0x1  }
0x15: {  	[smem:$0x3FB8] =	sst s0;
	s0 =	simm.s32 @!p2 $0x0  }
0x16: {  	s3 =	sld [smem:$0x3FDB];
	s0 =	simm.s32 @p2 $0x1  }
0x17: {  	s4 =	simm.s32 $0x1BF5;
	[smem:$0x3FBA] =	sst s0  }
0x18: {  	s0 =	sld [smem:$0x3F9D];
	_ =	swait.ge [sflag:s4], $0x0  }
0x19: {  	s7 =	sld [smem:$0x3F9E]  }
0x1a: {  	s8 =	sadd.s32 $0xFFFFE003, lr  }
0x1b: {  	s9 =	sadd.s32 $0xFFFFFEF7, lr;
	s5 =	simm.s32 $0xFFFFFFFF;
	p2 =	slt.u32 s8, $0xFFFFF086  }
0x1c: {  	p1 =	slt.u32 s9, $0xF7A;
	s5 =	simm.s32 @!p2 $0x0  }
0x1d: {  	s5 =	simm.s32 @p1 $0x1;
	p0 =	seq.s32 s7, s2  }
0x1e: {  	s7 =	smul.u32 @!p0 $0xF7A, s2;
	p2 =	seq.s32 @!p0 s5, $0x0  }
0x1f: {  	s9 =	smul.u32 $0xF7A, s1;
	s8 =	simm.s32 @!p0 $0x1BF5;
	p2 =	por !p2, p0  }
0x20: {  	[sflag:s8] =	ssyncset.s32 @!p0 $0xFFFFF086;
	s6 =	sadd.s32 @!p0 s3, s7;
	s7 =	simm.s32 @!p0 $0x108  }
0x21: {  	s3 =	sadd.s32 s3, s9;
	s6 =	sadd.s32 @!p0 $0x88, s6;
	s7 =	simm.s32 @p2 $0x1082  }
0x22: {  	[simem:s7], [sflag:s8] =	dma.local @!p0 [hbm:s6], $0xF7A  }
0x23: {  	s9 =	sor.u32 $0xD0000000, s2;
	s6 =	simm.s32 $0x108;
	_ =	swait.ge @!p0 [sflag:s8], $0x0  }
0x24: {  	s3 =	sadd.s32 $0x88, s3;
	s6 =	simm.s32 @!p1 $0x1082;
	[sflag:s4] =	ssyncset.s32 $0xFFFFF086  }
0x25: {  	[simem:s6], [sflag:s4] =	dma.local [hbm:s3], $0xF7A  }
0x26: {  	[smem:$0x3F9E] =	sst s1;
	(tag) =	ssettag s2;
	_ =	strace s9  }
0x27: {  	s1 =	sld [smem:$0x3FAE]  }
0x28: {  	s2 =	sld [smem:$0x3FAF]  }
0x29: {  	s4 =	sld [smem:$0x3FB1]  }
0x2a: {  	p0 =	seq.s32 s5, $0x0;
	s5 =	sld [smem:$0x3FB2]  }
0x2b: {  	s6 =	sld [smem:$0x3FB3]  }
0x2c: {  	s7 =	sld [smem:$0x3FB4]  }
0x2d: {  	s3 =	simm.s32 $0x108;
	s8 =	sld [smem:$0x3FB5]  }
0x2e: {  	s3 =	simm.s32 @!p0 $0x1082;
	s9 =	sld [smem:$0x3FB6]  }
0x2f: {  	lr =	sadd.s32 s0, s3;
	s0 =	sld [smem:$0x3FAD]  }
0x30: {  	s3 =	sld [smem:$0x3FB0]  }
0x31: {  	[smem:$0x3FB9] =	sst s10  }
0x32: {  	s10 =	sld [smem:$0x3FB7];
	_ =	sdelay $0x3  }
0x33: {  	p0 =	seq.s32 s10, $0x1;
	s10 =	sld [smem:$0x3FB9];
	_ =	sdelay $0x3  }
0x34: {  	[smem:$0x3FB9] =	sst s10  }
0x35: {  	s10 =	sld [smem:$0x3FB8];
	_ =	sdelay $0x3  }
0x36: {  	p1 =	seq.s32 s10, $0x1;
	s10 =	sld [smem:$0x3FB9];
	_ =	sdelay $0x3  }
0x37: {  	[smem:$0x3FB9] =	sst s10  }
0x38: {  	s10 =	sld [smem:$0x3FBA]  }
0x39: {  	_ = 	snop;
	(pc) =	sbr.ind lr, $3  }
0x3a: {  	_ = 	snop  }
0x3b: {  	_ = 	snop  }
0x3c: {  	p2 =	seq.s32 s10, $0x1;
	s10 =	sld [smem:$0x3FB9]  }
0x3d: {  	_ =	shalt  }
0x3e: {  	_ =	shalt  }
0x3f: {  	_ =	shalt  }
0x40: {  	_ =	shalt  }
0x41: {  	_ =	shalt  }
0x42: {  	_ =	shalt  }
0x43: {  	_ =	shalt  }
0x44: {  	_ =	shalt  }
0x45: {  	_ =	shalt  }
0x46: {  	_ =	shalt  }
0x47: {  	_ =	shalt  }
0x48: {  	_ =	shalt  }
0x49: {  	_ =	shalt  }
0x4a: {  	_ =	shalt  }
0x4b: {  	_ =	shalt  }
0x4c: {  	_ =	shalt  }
0x4d: {  	_ =	shalt  }
0x4e: {  	_ =	shalt  }
0x4f: {  	_ =	shalt  }
0x50: {  	_ =	shalt  }
0x51: {  	_ =	shalt  }
0x52: {  	_ =	shalt  }
0x53: {  	_ =	shalt  }
0x54: {  	_ =	shalt  }
0x55: {  	_ =	shalt  }
0x56: {  	_ =	shalt  }
0x57: {  	_ =	shalt  }
0x58: {  	_ =	shalt  }
0x59: {  	_ =	shalt  }
0x5a: {  	_ =	shalt  }
0x5b: {  	_ =	shalt  }
0x5c: {  	_ =	shalt  }
0x5d: {  	_ =	shalt  }
0x5e: {  	_ =	shalt  }
0x5f: {  	_ =	shalt  }
0x60: {  	_ =	shalt  }
0x61: {  	_ =	shalt  }
0x62: {  	_ =	shalt  }
0x63: {  	_ =	shalt  }
0x64: {  	_ =	shalt  }
0x65: {  	_ =	shalt  }
0x66: {  	_ =	shalt  }
0x67: {  	_ =	shalt  }
0x68: {  	_ =	shalt  }
0x69: {  	_ =	shalt  }
0x6a: {  	_ =	shalt  }
0x6b: {  	_ =	shalt  }
0x6c: {  	_ =	shalt  }
0x6d: {  	_ =	shalt  }
0x6e: {  	_ =	shalt  }
0x6f: {  	_ =	shalt  }
0x70: {  	_ =	shalt  }
0x71: {  	_ =	shalt  }
0x72: {  	_ =	shalt  }
0x73: {  	_ =	shalt  }
0x74: {  	_ =	shalt  }
0x75: {  	_ =	shalt  }
0x76: {  	_ =	shalt  }
0x77: {  	_ =	shalt  }
0x78: {  	_ =	shalt  }
0x79: {  	_ =	shalt  }
0x7a: {  	_ =	shalt  }
0x7b: {  	_ =	shalt  }
0x7c: {  	_ =	shalt  }
0x7d: {  	_ =	shalt  }
0x7e: {  	_ =	shalt  }
0x7f: {  	_ =	shalt  }
0x80: {  	_ =	shalt  }
0x81: {  	_ =	shalt  }
0x82: {  	_ =	shalt  }
0x83: {  	_ =	shalt  }
0x84: {  	_ =	shalt  }
0x85: {  	_ =	shalt  }
0x86: {  	_ =	shalt  }
0x87: {  	_ =	shalt  }
.Lfunc_end0:
.L_simem_size_0:
called_computation_lowered:
.L_overlay_start_0:
0x88: {  	s2 =	sld [smem:$0x3FD9]  }
0x89: {  	s3 =	sld [smem:$0x3FFE];
	_ =	sdelay $0x1  }
0x8a: {  	s1 =	srdreg.scid  }
0x8b: {  	s0 =	sand.u32 $0x1, s1  }
0x8c: {  	s17 =	sshll.u32 s0, $0xA;
	s2 =	sadd.s32 s3, s2  }
0x8d: {  	s2 =	sadd.s32 s2, s17  }
0x8e: {  	[smem:$0x3FC5] =	sst s2  }
0x8f: {  	_ = 	snop  }
0x90: {  	s2 =	sld [smem:$0x3FC9]  }
0x91: {  	s18 =	sld [smem:$0x3FD0];
	(tm) =	ssettm $0x1  }
0x92: {  	s4 =	sld [smem:$0x3FFB];
	_ =	sdelay $0x3  }
0x93: {  	_ =	strace s4  }
0x94: {  	s4 =	sld [smem:$0x3FFC];
	_ =	sdelay $0x3  }
0x95: {  	_ =	strace s4  }
0x96: {  	s4 =	sld [smem:$0x3FFD];
	_ =	sdelay $0x3  }
0x97: {  	_ =	strace s4  }
0x98: {  	_ =	strace $0x8FFFFFFF  }
0x99: {  	s19 =	sld [smem:$0x3FDB];
	_ =	sdelay $0x1  }
0x9a: {  	s5 =	simm.s32 $_scs_section_size  }
0x9b: {  	s6 =	simm.s32 $_size__tile_overlayer_lowered;
	s7 =	simm.s32 $_tile_overlayer_lowered  }
0x9c: {  	s22 =	simm.s32 $0x1BFF;
	s21 =	sshll.u32 s7, $0x1;
	s4 =	sadd.s32 s5, s19  }
0x9d: {  	s8 =	simm.s32 $0x0;
	s20 =	sshll.u32 s6, $0x1;
	s6 =	sadd.s32 s21, s4  }
0x9e: {  	[timem:s8], [sflag:s22] =	dma.local [hbm:s6], s20  }
0x9f: {  	_ =	swait.ge [sflag:s22], s20  }
0xa0: {  	s5 =	ssub.s32 $0x0, s20;
	[sflag:s22] =	ssyncset.done $0x0  }
0xa1: {  	[sflag:s22] =	ssyncadd.s32 s5;
	_ =	sdelay $0x1  }
0xa2: {  	s23 =	simm.s32 $0x1B8B  }
0xa3: {  	_ =	swait.ge [sflag:s23], $0x1  }
0xa4: {  	[sflag:s23] =	ssyncset.done $0x0  }
0xa5: {  	s25 =	simm.s32 $0x1B8E;
	s24 =	sld [smem:$0x3FFE];
	[sflag:s23] =	ssyncadd.s32 $0xFFFFFFFF  }
0xa6: {  	s26 =	simm.s32 $execute0_lowered;
	[smem:$0x3FD2] =	sst s25  }
0xa7: {  	s6 =	sshll.u32 s26, $0x1;
	_ =	strace $0x80000046;
	[dreg:$0x1] =	wrdreg $0xFFFFFFFF  }
0xa8: {  	s28 =	simm.s32 $_size_execute0_lowered;
	s4 =	sadd.s32 s4, s6;
	[dreg:$0x0] =	wrdreg $0x0  }
0xa9: {  	s6 =	sshll.u32 s28, $0x1;
	[dreg:$0x2] =	wrdreg s4  }
0xaa: {  	[dreg:$0x3] =	wrdreg s6  }
0xab: {  	[dreg:$0x4] =	wrdreg $0xC0  }
0xac: {  	_ =	task [dreg:s8], $0x5FFFF  }
0xad: {  	[dreg:$0x1] =	wrdreg $0xFFFFFFFF  }
0xae: {  	[dreg:$0x0] =	wrdreg $0x60  }
0xaf: {  	[dreg:$0x2] =	wrdreg s2  }
0xb0: {  	[dreg:$0x3] =	wrdreg s24  }
0xb1: {  	[dreg:$0x4] =	wrdreg s18  }
0xb2: {  	[dreg:$0x5] =	wrdreg $0x1A8000  }
0xb3: {  	[dreg:$0x6] =	wrdreg $0x9  }
0xb4: {  	_ =	task.clear_ibuf [dreg:s8], $0x7FFFF;
	_ =	strace $0x90000046  }
0xb5: {  	s29 =	simm.s32 $0x9;
	_ =	strace $0x80000048  }
0xb6: {  	_ =	swait.ge [sflag:s29], $0x1  }
0xb7: {  	[sflag:s29] =	ssyncadd.s32 $0xFFFFFFFF  }
0xb8: {  	_ =	strace $0x90000048  }
0xb9: {  	_ =	sfence  }
0xba: {  	s30 =	sld [smem:$0x0];
	_ =	sdelay $0x2  }
0xbb: {  	s31 =	sshll.u32 s1, $0xD;
	s1 =	sshrl.u32 s1, $0x2  }
0xbc: {  	s3 =	sand.u32 $0x4000, s31;
	s1 =	sadd.s32 s1, s30  }
0xbd: {  	s0 =	sor.u32 s3, s0;
	s1 =	sshll.u32 s1, $0x11  }
0xbe: {  	s0 =	sor.u32 s1, s0  }
0xbf: {  	s0 =	sadd.s32 $0x8F2B, s0  }
0xc0: {  	[sflag:s0] =	ssyncadd.remote.s32 $0x1  }
0xc1: {  	_ =	sfence.sel $0xFFFF  }
0xc2: {  	[dreg:$0x0] =	wrdreg $0xFFFFFFFF;
	(pc) =	sbr.abs _section_cstart, $3  }
0xc3: {  	[dreg:$0x1] =	wrdreg $0xFFFFFFFF  }
0xc4: {  	_ =	task.clear_ibuf [dreg:s8], $0x2FFFF;
	_ =	strace $0x9FFFFFFF  }
0xc5: {  	(tm) =	ssettm $0x7FFFFFFF  }
tec
execute0_lowered:
.L_overlay_start_1:
0x0: {  	(tag) =	ssettag $0x1  }
0x1: {  	s1 =	rddreg [dreg:$0x0]  }
0x2: {  	s0 =	rddreg [dreg:$0x1]  }
0x3: {  	s2 =	rddreg [dreg:$0x2]  }
0x4: {  	s4 =	rddreg [dreg:$0x3];
	s5 =	srdreg.scid;
	s3 =	simm.s32 $0x0  }
0x5: {  	s12 =	stileid.u32;
	s28 =	simm.s32 $0x400;
	s14 =	simm.s32 $0x2000  }
0x6: {  	s15 =	simm.s32 $0x6000;
	s16 =	simm.s32 $0x7000;
	s17 =	simm.s32 $0x4000  }
0x7: {  	s29 =	simm.s32 $0xA000;
	s30 =	simm.s32 $0xE800;
	s13 =	simm.s32 $0x16800  }
0x8: {  	s31 =	simm.s32 $0x1;
	s5 =	sand.u32 $0x1, s5;
	[smem:$0x7FF] =	sst s3  }
0x9: {  	s7 =	sshll.u32 s12, $0x7;
	s11 =	sshll.u32 s12, $0xC;
	s20 =	sshll.u32 s12, $0xE  }
0xa: {  	s21 =	sshrl.u32 s12, $0x1;
	s24 =	sand.u32 $0x1, s12;
	p0 =	sgt.u32 s12, $0x7  }
0xb: {  	s12 =	simm.s32 $0x5;
	s6 =	sshll.u32 s5, $0xF;
	_ =	strace $0x80000047  }
0xc: {  	s9 =	ssub.s32 $0x2, s5;
	s22 =	sshll.u32 s21, $0x7;
	s5 =	sshll.u32 s5, $0x14  }
0xd: {  	s23 =	sshll.u32 s21, $0x11;
	s26 =	sshll.u32 s24, $0x10;
	s21 =	simm.s32 $0xA800  }
0xe: {  	s24 =	simm.s32 $0x12800;
	s8 =	sor.u32 s7, s6;
	s10 =	sshrl.u32 s9, $0x1  }
0xf: {  	s6 =	sadd.s32 s11, s6;
	s7 =	sadd.s32 s7, s4;
	s2 =	sadd.s32 s5, s2  }
0x10: {  	s5 =	simm.s32 $0x0;
	s8 =	sshrl.u32 s8, $0x3;
	s18 =	ssub.s32 s9, s10  }
0x11: {  	[dreg:$0x7] =	wrdreg s7;
	s25 =	sadd.s32 s23, s2;
	s23 =	simm.s32 $0x17800  }
0x12: {  	s2 =	simm.s32 $0x3;
	s0 =	sadd.s32 s8, s0;
	s9 =	sadd.s32 s26, s25  }
0x13: {  	s26 =	simm.s32 $0x80;
	s25 =	simm.s32 $0x18000;
	s19 =	sadd.s32 $0x400, s0  }
.Ltmp0:
0x14: {  	s0 =	sadd.s32 $0x2400, s0;
	[dreg:$0x5] =	wrdreg s19;
	(pc) =	sbr.rel .LBB2_1-.Ltmp0, $4  }
0x15: {  	[dreg:$0x6] =	wrdreg s0;
	s0 =	sand.u32 $0x4000, s20;
	s20 =	smax.u32 s18, $0x1  }
0x16: {  	v1 =	vlaneseq.u32;
	s18 =	simm.s32 $0x5000;
	s19 =	simm.s32 $0x3000;
	s0 =	sadd.s32 s0, s4  }
0x17: {  	v2 =	vmul.u32 $0x10, v1;
	s4 =	simm.s32 $0x4;
	[dreg:$0x9] =	wrdreg s20;
	s11 =	sadd.s32 s22, s0  }
0x18: {  	v3 =	vimm.s32 $0x0;
	v4 =	vimm.s32 $0x1;
	v0 =	vmov s6;
	s22 =	simm.s32 $0x17000;
	s0 =	simm.s32 $0x2;
	[dreg:$0x8] =	wrdreg s11  }
.LBB2_126:
0x19: {  	s5 =	rddreg [dreg:$0xa]  }
0x1a: {  	s5 =	sadd.s32 $0x1, s5  }
0x1b: {  	p1 =	sne.s32 s5, s20  }
.Ltmp1:
0x1c: {  	_ = 	snop;
	(pc) =	sbr.rel @!p1 .LBB2_127-.Ltmp1, $1  }
0x1d: {  	_ =	sdelay $0x3  }
.LBB2_1:
.Ltmp2:
0x1e: {  	(pc) =	sbr.rel @p0 .LBB2_123-.Ltmp2, $2  }
0x1f: {  	_ =	sdelay $0x2  }
0x20: {  	[dreg:$0xa] =	wrdreg s5  }
0x21: {  	s5 =	simm.s32 $0x0;
	s6 =	rddreg [dreg:$0x5]  }
0x22: {  	[tilespmem:s5], [sflag:$0x5] =	stream.strided.gather [hbm4b:s6+s26], $0x1000, s28, s26, $0x38;
	[tilespmem:$0x1B000] =	vst v63  }
0x23: {  	_ =	swait.ge [sflag:s12], $0x1000  }
0x24: {  	[sflag:s12] =	ssyncset.done $0x0  }
0x25: {  	s7 =	simm.s32 $0x1000;
	s22 =	rddreg [dreg:$0x6];
	[sflag:s12] =	ssyncadd.s32 $0xFFFFF000  }
0x26: {  	[tilespmem:s7], [sflag:$0x5] =	stream.strided.gather [hbm4b:s22+s26], $0x1000, s28, s26, $0x38;
	[tilespmem:$0x1B000] =	vst v63  }
0x27: {  	s23 =	simm.s32 $0x1;
	s25 =	simm.s32 $0x10;
	_ =	swait.ge [sflag:s12], $0x1000  }
0x28: {  	s8 =	simm.s32 $0x20;
	s10 =	simm.s32 $0x30;
	v5 =	vmov s23;
	v6 =	vmov s5;
	v7 =	vmov s25;
	[sflag:s12] =	ssyncset.done $0x0  }
0x29: {  	v8 =	vmov s8;
	v9 =	vmov s10;
	v10 =	vshll.u32 v7, $0x4;
	s26 =	simm.s32 $0x20;
	[sflag:s12] =	ssyncadd.s32 $0xFFFFF000  }
0x2a: {  	v12 =	vshll.u32 v9, $0x4;
	v9 =	vshrl.u32 v9, $0x8;
	v7 =	vshrl.u32 v7, $0x8;
	s28 =	simm.s32 $0x1020;
	v11 =	vld [tilespmem:s26+$0x10]  }
0x2b: {  	v14 =	vshll.u32 v8, $0x4;
	v16 =	vshll.u32 v6, $0x4;
	v8 =	vshrl.u32 v8, $0x8;
	v13 =	vld [tilespmem:s28+$0x10]  }
0x2c: {  	v5 =	vsub.s32 v1, v5;
	v12 =	vor.u32 v2, v12;
	v9 =	vadd.s32 v1, v9;
	v15 =	vld [tilespmem:s28+$0xFFFFFFE0]  }
0x2d: {  	v10 =	vor.u32 v2, v10;
	v7 =	vadd.s32 v1, v7;
	v14 =	vor.u32 v2, v14;
	v17 =	vld [tilespmem:s26+$0xFFFFFFF0]  }
0x2e: {  	v8 =	vadd.s32 v1, v8;
	v16 =	vor.u32 v2, v16;
	v9 =	vand.u32 $0xF, v9;
	v18 =	vld [tilespmem:s28+$0xFFFFFFF0]  }
0x2f: {  	v12 =	vand.u32 $0xFF0, v12;
	v7 =	vand.u32 $0xF, v7;
	v10 =	vand.u32 $0xDF0, v10;
	v19 =	vld [tilespmem:s26+$0x0]  }
0x30: {  	v8 =	vand.u32 $0xF, v8;
	v12 =	vor.u32 v9, v12;
	v9 =	vshrl.u32 v6, $0x8;
	v20 =	vld [tilespmem:s26+$0xFFFFFFE0]  }
0x31: {  	s29 =	simm.s32 $0x3;
	v16 =	vand.u32 $0xCF0, v16;
	v14 =	vand.u32 $0xEF0, v14;
	v9 =	vadd.s32 v1, v9;
	v21 =	vld [tilespmem:s28+$0x0]  }
0x32: {  	s20 =	simm.s32 $0x50;
	v6 =	vmov s29;
	v14 =	vor.u32 v8, v14;
	v9 =	vand.u32 $0xF, v9  }
0x33: {  	v6 =	vsub.s32 v1, v6;
	v9 =	vor.u32 v9, v16;
	v16 =	vmov s20  }
0x34: {  	v11 =	vand.u32 $0x7FFFFFFF, v11;
	vm0 =	veq.s32 v13, $0x0;
	v13 =	vshll.u32 v6, $0x8  }
0x35: {  	vm15 =	veq.s32 v15, $0x0;
	v15 =	vand.u32 $0x7FFFFFFF, v17;
	vm1 =	veq.s32 v18, $0x0  }
0x36: {  	v17 =	vand.u32 $0x7FFFFFFF, v20;
	v18 =	vand.u32 $0x7FFFFFFF, v19;
	vm2 =	veq.s32 v21, $0x0  }
0x37: {  	v19 =	vor.u32 v7, v10;
	v7 =	vmov s5;
	v11 =	vsel vm0, $0x7F800000, v11  }
0x38: {  	s25 =	simm.s32 $0x70;
	v13 =	vand.u32 $0xF00, v13;
	v10 =	vsel vm15, $0x7F800000, v17;
	v17 =	vsel vm2, $0x7F800000, v18;
	[tilespmem:v12+s14+$0x0] =	vst.idx.msk $0xffff, v11  }
0x39: {  	s11 =	simm.s32 $0x2;
	s10 =	simm.s32 $0x3020;
	v8 =	vsel vm1, $0x7F800000, v15;
	v18 =	vmov s25;
	v13 =	vor.u32 s29, v13;
	[tilespmem:v14+s14+$0x0] =	vst.idx.msk $0xffff, v17  }
0x3a: {  	s8 =	simm.s32 $0x6020;
	v11 =	vshll.u32 v5, $0x8;
	v12 =	vmov s11;
	v5 =	vsub.s32 v1, v7;
	[tilespmem:s10+$0x10] =	vst v13  }
0x3b: {  	v14 =	vshll.u32 v16, $0x4;
	v11 =	vand.u32 $0xF00, v11;
	v7 =	vsub.s32 v1, v12;
	[tilespmem:s8+$0x10] =	vst v3  }
0x3c: {  	v12 =	vshll.u32 v5, $0x8;
	v11 =	vor.u32 s23, v11;
	v13 =	vshll.u32 v7, $0x8;
	[tilespmem:v19+s14+$0x0] =	vst.idx.msk $0xffff, v8  }
0x3d: {  	s6 =	simm.s32 $0x4;
	s22 =	simm.s32 $0x40;
	v17 =	vshll.u32 v18, $0x4;
	v15 =	vand.u32 $0xF00, v12;
	v13 =	vand.u32 $0xF00, v13;
	[tilespmem:s10+$0xFFFFFFF0] =	vst v11  }
0x3e: {  	s7 =	simm.s32 $0x5;
	v12 =	vmov s22;
	s23 =	simm.s32 $0x60;
	v11 =	vor.u32 s5, v15;
	v19 =	vor.u32 s11, v13;
	s5 =	simm.s32 $0x60;
	[tilespmem:s8+$0xFFFFFFF0] =	vst v3  }
0x3f: {  	s20 =	simm.s32 $0x1060;
	v18 =	vshrl.u32 v18, $0x8;
	v8 =	vmov s7;
	v15 =	vmov s23;
	s23 =	simm.s32 $0x8;
	s11 =	simm.s32 $0x4;
	v13 =	vld [tilespmem:s5+$0x10];
	[tilespmem:s10+$0x0] =	vst v19  }
.LBB2_3:
0x40: {  	p1 =	slt.u32 s23, $0xFC;
	v16 =	vshrl.u32 v16, $0x8;
	v19 =	vld [tilespmem:s20+$0x10];
	v17 =	vor.u32 v2, v17;
	v18 =	vadd.s32 v1, v18;
	[tilespmem:s8+$0x0] =	vst v3  }
0x41: {  	v21 =	vshll.u32 v15, $0x4;
	v20 =	vld [tilespmem:s20+$0xFFFFFFE0];
	v18 =	vand.u32 $0xF, v18;
	v17 =	vand.u32 $0xFF0, v17;
	[tilespmem:v9+s14+$0x0] =	vst.idx.msk $0xffff, v10  }
0x42: {  	v15 =	vshrl.u32 v15, $0x8;
	s25 =	sadd.s32 $0x3, s11;
	v9 =	vshll.u32 v12, $0x4;
	v10 =	vld [tilespmem:s5+$0xFFFFFFF0];
	v17 =	vor.u32 v18, v17;
	[tilespmem:s10+$0xFFFFFFE0] =	vst v11  }
0x43: {  	v14 =	vor.u32 v2, v14;
	v11 =	vshrl.u32 v12, $0x8;
	v18 =	vmov s25;
	v12 =	vld [tilespmem:s20+$0xFFFFFFF0];
	[tilespmem:s8+$0xFFFFFFE0] =	vst v3  }
0x44: {  	v16 =	vadd.s32 v1, v16;
	v21 =	vor.u32 v2, v21;
	v18 =	vsub.s32 v1, v18;
	v22 =	vld [tilespmem:s5+$0x0]  }
0x45: {  	v13 =	vand.u32 $0x7FFFFFFF, v13;
	v18 =	vshll.u32 v18, $0x8;
	v23 =	vld [tilespmem:s20+$0x0];
	vm0 =	veq.s32 v19, $0x0  }
0x46: {  	v15 =	vadd.s32 v1, v15;
	v18 =	vand.u32 $0xF00, v18;
	v19 =	vld [tilespmem:s5+$0xFFFFFFE0];
	v13 =	vsel vm0, $0x7F800000, v13  }
0x47: {  	v9 =	vor.u32 v2, v9;
	s10 =	sadd.s32 $0x40, s10;
	v11 =	vadd.s32 v1, v11;
	[tilespmem:v17+s14+$0x0] =	vst.idx.msk $0xffff, v13;
	v13 =	vor.u32 s25, v18  }
0x48: {  	v14 =	vand.u32 $0xDF0, v14;
	v16 =	vand.u32 $0xF, v16;
	v15 =	vand.u32 $0xF, v15;
	s8 =	sadd.s32 $0x40, s8;
	[tilespmem:s10+$0x10] =	vst v13  }
0x49: {  	v9 =	vand.u32 $0xCF0, v9;
	v11 =	vand.u32 $0xF, v11;
	v13 =	vand.u32 $0xEF0, v21;
	[tilespmem:s8+$0x10] =	vst v3  }
0x4a: {  	vm0 =	veq.s32 v20, $0x0;
	v17 =	vand.u32 $0x7FFFFFFF, v10;
	vm1 =	veq.s32 v12, $0x0  }
0x4b: {  	v12 =	vand.u32 $0x7FFFFFFF, v22;
	vm2 =	veq.s32 v23, $0x0;
	v10 =	vand.u32 $0x7FFFFFFF, v19  }
0x4c: {  	v9 =	vor.u32 v11, v9;
	v11 =	vor.u32 v16, v14;
	v13 =	vor.u32 v15, v13  }
0x4d: {  	v14 =	vsel vm1, $0x7F800000, v17;
	v17 =	vsel vm2, $0x7F800000, v12;
	v10 =	vsel vm0, $0x7F800000, v10  }
0x4e: {  	v8 =	vsub.s32 v1, v8;
	s25 =	sadd.s32 $0x2, s11  }
0x4f: {  	v8 =	vshll.u32 v8, $0x8;
	v15 =	vmov s25;
	v12 =	vmov s11  }
0x50: {  	v8 =	vand.u32 $0xF00, v8;
	v15 =	vsub.s32 v1, v15;
	v12 =	vsub.s32 v1, v12  }
.Ltmp3:
0x51: {  	v12 =	vshll.u32 v12, $0x8;
	[tilespmem:v11+s14+$0x0] =	vst.idx.msk $0xffff, v14;
	v11 =	vor.u32 s7, v8;
	s7 =	sadd.s32 $0x1, s23;
	v14 =	vshll.u32 v15, $0x8;
	(pc) =	sbr.rel @p1 .LBB2_3-.Ltmp3, $4  }
0x52: {  	s22 =	sadd.s32 $0x40, s22;
	v15 =	vand.u32 $0xF00, v12;
	v8 =	vmov s7;
	[tilespmem:s10+$0xFFFFFFF0] =	vst v11;
	v14 =	vand.u32 $0xF00, v14  }
0x53: {  	s26 =	sadd.s32 $0x10, s22;
	s28 =	sadd.s32 $0x20, s22;
	s29 =	sadd.s32 $0x30, s22;
	v12 =	vmov s22;
	v11 =	vor.u32 s11, v15;
	[tilespmem:s8+$0xFFFFFFF0] =	vst v3;
	v19 =	vor.u32 s25, v14  }
0x54: {  	v16 =	vmov s26;
	s5 =	sadd.s32 $0x40, s5;
	v18 =	vmov s29;
	v15 =	vmov s28;
	s11 =	smov.u32 s23;
	[tilespmem:v13+s14+$0x0] =	vst.idx.msk $0xffff, v17  }
0x55: {  	s20 =	sadd.s32 $0x40, s20;
	s23 =	sadd.s32 $0x4, s23;
	v14 =	vshll.u32 v16, $0x4;
	v17 =	vshll.u32 v18, $0x4;
	v18 =	vshrl.u32 v18, $0x8;
	v13 =	vld [tilespmem:s5+$0x10];
	[tilespmem:s10+$0x0] =	vst v19  }
0x56: {  	v16 =	vshrl.u32 v16, $0x8;
	v17 =	vor.u32 v2, v17;
	v18 =	vadd.s32 v1, v18  }
0x57: {  	v20 =	vshll.u32 v15, $0x4;
	v21 =	vshll.u32 v12, $0x4;
	v49 =	vshrl.u32 v15, $0x8  }
0x58: {  	s22 =	sadd.s32 $0x3, s11;
	v50 =	vshrl.u32 v12, $0x8;
	v14 =	vor.u32 v2, v14;
	v8 =	vsub.s32 v1, v8  }
0x59: {  	v19 =	vld [tilespmem:s20+$0x10];
	v18 =	vand.u32 $0xF, v18;
	v17 =	vand.u32 $0xFF0, v17;
	v51 =	vmov s22  }
0x5a: {  	v22 =	vld [tilespmem:s5+$0xFFFFFFF0];
	v16 =	vadd.s32 v1, v16;
	v20 =	vor.u32 v2, v20;
	v15 =	vadd.s32 v1, v49  }
0x5b: {  	v52 =	vld [tilespmem:s20+$0xFFFFFFF0];
	[tilespmem:v9+s14+$0x0] =	vst.idx.msk $0xffff, v10;
	v9 =	vor.u32 v2, v21;
	v14 =	vand.u32 $0xDF0, v14;
	v17 =	vor.u32 v18, v17  }
0x5c: {  	v12 =	vadd.s32 v1, v50;
	v8 =	vshll.u32 v8, $0x8;
	v10 =	vand.u32 $0xF, v16  }
0x5d: {  	[tilespmem:s8+$0x0] =	vst v3;
	v18 =	vsub.s32 v1, v51;
	v15 =	vand.u32 $0xF, v15;
	v10 =	vor.u32 v10, v14  }
0x5e: {  	v54 =	vld [tilespmem:s20+$0x0];
	[tilespmem:s10+$0xFFFFFFE0] =	vst v11;
	v18 =	vshll.u32 v18, $0x8;
	v13 =	vand.u32 $0x7FFFFFFF, v13;
	vm0 =	veq.s32 v19, $0x0  }
0x5f: {  	v11 =	vld [tilespmem:s5+$0x0];
	[tilespmem:s8+$0xFFFFFFE0] =	vst v3;
	v55 =	vand.u32 $0xEF0, v20;
	v18 =	vand.u32 $0xF00, v18;
	v13 =	vsel vm0, $0x7F800000, v13  }
0x60: {  	s23 =	sadd.s32 $0x40, s10;
	s26 =	sadd.s32 $0x2, s11;
	v53 =	vor.u32 s22, v18;
	v56 =	vand.u32 $0x7FFFFFFF, v22;
	vm13 =	veq.s32 v52, $0x0;
	[tilespmem:v17+s14+$0x0] =	vst.idx.msk $0xffff, v13  }
0x61: {  	v57 =	vld [tilespmem:s20+$0xFFFFFFE0];
	v60 =	vmov s26;
	v59 =	vsel vm13, $0x7F800000, v56;
	v13 =	vor.u32 v15, v55;
	[tilespmem:s23+$0x10] =	vst v53  }
0x62: {  	s25 =	sadd.s32 $0x40, s8;
	v58 =	vld [tilespmem:s5+$0xFFFFFFE0];
	v12 =	vand.u32 $0xF, v12;
	v9 =	vand.u32 $0xCF0, v9;
	v8 =	vand.u32 $0xF00, v8;
	[tilespmem:v10+s14+$0x0] =	vst.idx.msk $0xffff, v59  }
0x63: {  	v8 =	vor.u32 s7, v8;
	v9 =	vor.u32 v12, v9;
	v17 =	vsub.s32 v1, v60;
	[tilespmem:s25+$0x10] =	vst v3  }
0x64: {  	vm14 =	veq.s32 v54, $0x0;
	v11 =	vand.u32 $0x7FFFFFFF, v11;
	v10 =	vshll.u32 v17, $0x8;
	[tilespmem:s23+$0xFFFFFFF0] =	vst v8  }
0x65: {  	v8 =	vsel vm14, $0x7F800000, v11;
	v11 =	vmov s11;
	v10 =	vand.u32 $0xF00, v10;
	[tilespmem:s25+$0xFFFFFFF0] =	vst v3  }
0x66: {  	v11 =	vsub.s32 v1, v11;
	v10 =	vor.u32 s26, v10;
	[tilespmem:v13+s14+$0x0] =	vst.idx.msk $0xffff, v8  }
0x67: {  	vm15 =	veq.s32 v57, $0x0;
	v11 =	vshll.u32 v11, $0x8;
	v8 =	vand.u32 $0x7FFFFFFF, v58;
	[tilespmem:s23+$0x0] =	vst v10  }
0x68: {  	v8 =	vsel vm15, $0x7F800000, v8;
	v10 =	vand.u32 $0xF00, v11;
	[tilespmem:s25+$0x0] =	vst v3  }
0x69: {  	v10 =	vor.u32 s11, v10;
	[tilespmem:v9+s14+$0x0] =	vst.idx.msk $0xffff, v8  }
0x6a: {  	[tilespmem:s23+$0xFFFFFFE0] =	vst v10  }
0x6b: {  	s28 =	simm.s32 $0x2020;
	[tilespmem:s25+$0xFFFFFFE0] =	vst v3  }
0x6c: {  	v8 =	vld [tilespmem:s28+$0x10]  }
0x6d: {  	v9 =	vld [tilespmem:s28+$0xFFFFFFF0]  }
0x6e: {  	v10 =	vld [tilespmem:s28+$0x0]  }
0x6f: {  	s29 =	simm.s32 $0x1;
	v61 =	vld [tilespmem:s28+$0xFFFFFFE0]  }
0x70: {  	v7 =	vand.u32 $0xF, v7;
	v11 =	vmov s29  }
0x71: {  	v6 =	vand.u32 $0xF, v6;
	v11 =	vsub.s32 v1, v11;
	v8 =	vshll.u32 v8, $0x4  }
0x72: {  	v11 =	vand.u32 $0xF, v11;
	v9 =	vshll.u32 v9, $0x4;
	v8 =	vand.u32 $0xFF0, v8  }
0x73: {  	s5 =	simm.s32 $0x8020;
	s8 =	simm.s32 $0x2060;
	v10 =	vshll.u32 v10, $0x4;
	v62 =	vand.u32 $0xFF0, v9;
	v63 =	vor.u32 v6, v8  }
0x74: {  	s10 =	simm.s32 $0x8;
	s7 =	simm.s32 $0x8020;
	v9 =	vshll.u32 v61, $0x4;
	v10 =	vand.u32 $0xFF0, v10;
	v6 =	vld [tilespmem:s8+$0x10];
	v8 =	vor.u32 v11, v62;
	[tilespmem:s5+$0x10] =	vst v63  }
.LBB2_5:
0x75: {  	p1 =	slt.u32 s10, $0xFC;
	v11 =	vld [tilespmem:s8+$0xFFFFFFF0];
	s11 =	sadd.s32 $0x1, s6;
	v5 =	vand.u32 $0xF, v5;
	v9 =	vand.u32 $0xFF0, v9;
	[tilespmem:s7+$0xFFFFFFF0] =	vst v8;
	v7 =	vor.u32 v7, v10  }
0x76: {  	v8 =	vmov s6;
	v10 =	vmov s11;
	v12 =	vld [tilespmem:s8+$0x0];
	s11 =	sadd.s32 $0x2, s6;
	v9 =	vor.u32 v5, v9;
	[tilespmem:s7+$0x0] =	vst v7  }
0x77: {  	v5 =	vsub.s32 v1, v8;
	v13 =	vld [tilespmem:s8+$0xFFFFFFE0];
	v7 =	vsub.s32 v1, v10;
	v8 =	vmov s11;
	s11 =	sadd.s32 $0x3, s6;
	[tilespmem:s7+$0xFFFFFFE0] =	vst v9;
	s6 =	smov.u32 s10  }
.Ltmp4:
0x78: {  	v10 =	vand.u32 $0xF, v7;
	v7 =	vsub.s32 v1, v8;
	v8 =	vmov s11;
	(pc) =	sbr.rel @p1 .LBB2_5-.Ltmp4, $4  }
0x79: {  	v7 =	vand.u32 $0xF, v7;
	v8 =	vsub.s32 v1, v8;
	v6 =	vshll.u32 v6, $0x4  }
0x7a: {  	v9 =	vshll.u32 v11, $0x4;
	v8 =	vand.u32 $0xF, v8;
	v6 =	vand.u32 $0xFF0, v6  }
0x7b: {  	s8 =	sadd.s32 $0x40, s8;
	s7 =	sadd.s32 $0x40, s7;
	v11 =	vand.u32 $0xFF0, v9;
	v12 =	vshll.u32 v12, $0x4;
	v14 =	vor.u32 v8, v6  }
0x7c: {  	s10 =	sadd.s32 $0x4, s10;
	v6 =	vld [tilespmem:s8+$0x10];
	v9 =	vshll.u32 v13, $0x4;
	v8 =	vor.u32 v10, v11;
	v10 =	vand.u32 $0xFF0, v12;
	[tilespmem:s7+$0x10] =	vst v14  }
0x7d: {  	v11 =	vld [tilespmem:s8+$0xFFFFFFF0];
	s10 =	sadd.s32 $0x1, s6;
	v5 =	vand.u32 $0xF, v5;
	v9 =	vand.u32 $0xFF0, v9;
	v7 =	vor.u32 v7, v10  }
0x7e: {  	v59 =	vmov s6;
	v13 =	vld [tilespmem:s8+$0x0];
	s26 =	sadd.s32 $0x2, s6;
	s28 =	sadd.s32 $0x3, s6;
	v12 =	vmov s10;
	v5 =	vor.u32 v5, v9  }
0x7f: {  	v60 =	vld [tilespmem:s8+$0xFFFFFFE0];
	v10 =	vsub.s32 v1, v59;
	v14 =	vmov s26;
	v15 =	vmov s28  }
0x80: {  	v12 =	vsub.s32 v1, v12;
	v14 =	vsub.s32 v1, v14;
	v62 =	vsub.s32 v1, v15  }
0x81: {  	[tilespmem:s7+$0xFFFFFFF0] =	vst v8;
	v12 =	vand.u32 $0xF, v12;
	v61 =	vand.u32 $0xF, v14;
	v6 =	vshll.u32 v6, $0x4  }
0x82: {  	[tilespmem:s7+$0x0] =	vst v7;
	v63 =	vand.u32 $0xF, v62;
	v7 =	vshll.u32 v11, $0x4;
	v6 =	vand.u32 $0xFF0, v6  }
0x83: {  	s29 =	sadd.s32 $0x40, s7;
	[tilespmem:s7+$0xFFFFFFE0] =	vst v5;
	v5 =	vand.u32 $0xFF0, v7;
	v7 =	vshll.u32 v13, $0x4;
	v6 =	vor.u32 v63, v6  }
0x84: {  	v9 =	vshll.u32 v60, $0x4;
	v5 =	vor.u32 v12, v5;
	v7 =	vand.u32 $0xFF0, v7;
	[tilespmem:s29+$0x10] =	vst v6  }
0x85: {  	v9 =	vand.u32 $0xFF0, v9;
	v6 =	vand.u32 $0xF, v10;
	[tilespmem:s29+$0xFFFFFFF0] =	vst v5;
	v5 =	vor.u32 v61, v7  }
0x86: {  	s11 =	simm.s32 $0x9020;
	v6 =	vor.u32 v6, v9;
	[tilespmem:s29+$0x0] =	vst v5  }
0x87: {  	s23 =	simm.s32 $0x17800;
	s25 =	simm.s32 $0x18000;
	s10 =	simm.s32 $0xFFFFFFFC;
	[tilespmem:s29+$0xFFFFFFE0] =	vst v6  }
.LBB2_7:
0x88: {  	v5 =	vld [tilespmem:s5+$0xFFFFFFE0];
	_ =	sdelay $0x7  }
0x89: {  	v6 =	vld.idx.msk [tilespmem:v5+s15+$0x0], $0xffff;
	_ =	sdelay $0x4  }
0x8a: {  	[tilespmem:s11+$0xFFFFFFE0] =	vst v6  }
0x8b: {  	[tilespmem:v5+s15+$0x0] =	vst.idx.add.s32.msk $0xffff, v4  }
0x8c: {  	v5 =	vld [tilespmem:s5+$0xFFFFFFF0];
	_ =	sdelay $0x7  }
0x8d: {  	v6 =	vld.idx.msk [tilespmem:v5+s15+$0x0], $0xffff;
	_ =	sdelay $0x4  }
0x8e: {  	[tilespmem:s11+$0xFFFFFFF0] =	vst v6  }
0x8f: {  	[tilespmem:v5+s15+$0x0] =	vst.idx.add.s32.msk $0xffff, v4  }
0x90: {  	v5 =	vld [tilespmem:s5+$0x0];
	_ =	sdelay $0x7  }
0x91: {  	v6 =	vld.idx.msk [tilespmem:v5+s15+$0x0], $0xffff;
	_ =	sdelay $0x4  }
0x92: {  	[tilespmem:s11+$0x0] =	vst v6  }
0x93: {  	[tilespmem:v5+s15+$0x0] =	vst.idx.add.s32.msk $0xffff, v4  }
0x94: {  	v5 =	vld [tilespmem:s5+$0x10];
	_ =	sdelay $0x7  }
0x95: {  	s10 =	sadd.s32 $0x4, s10;
	v6 =	vld.idx.msk [tilespmem:v5+s15+$0x0], $0xffff  }
0x96: {  	p1 =	slt.u32 s10, $0xFC  }
.Ltmp5:
0x97: {  	_ = 	snop;
	(pc) =	sbr.rel @p1 .LBB2_7-.Ltmp5, $3  }
0x98: {  	_ =	sdelay $0x1  }
0x99: {  	s6 =	simm.s32 $0x2;
	s8 =	simm.s32 $0x6020;
	[tilespmem:s11+$0x10] =	vst v6  }
0x9a: {  	s7 =	simm.s32 $0x7020;
	s5 =	sadd.s32 $0x40, s5;
	s11 =	sadd.s32 $0x40, s11;
	[tilespmem:v5+s15+$0x0] =	vst.idx.add.s32.msk $0xffff, v4  }
0x9b: {  	v10 =	vld [tilespmem:s8+$0xFFFFFFE0]  }
0x9c: {  	v7 =	vld [tilespmem:s8+$0xFFFFFFF0]  }
0x9d: {  	v5 =	vld [tilespmem:s8+$0x0];
	p4 =	por $0x1, $0x1  }
.Ltmp6:
0x9e: {  	_ = 	snop;
	(pc) =	sbr.rel @!p4 .LBB2_9-.Ltmp6, $4  }
0x9f: {  	_ = 	snop  }
0xa0: {  	s5 =	simm.s32 $0x6060;
	(xrf0) =	vadd.scan.msk.s32 $0xffff, v10  }
0xa1: {  	p2 =	por $0x0, $0x0;
	p3 =	por $0x0, $0x0;
	p1 =	por $0x0, $0x0;
	(xrf0) =	vadd.scan.msk.s32 $0xffff, v7  }
0xa2: {  	v6 =	vld [tilespmem:s8+$0x10];
	s26 =	simm.s32 $0x80;
	s28 =	simm.s32 $0x400;
	s29 =	simm.s32 $0xA000;
	(xrf0) =	vadd.scan.msk.s32 $0xffff, v5  }
0xa3: {  	_ =	sdelay $0x3  }
0xa4: {  	v12 =	vld [tilespmem:s5+$0xFFFFFFE0];
	(xrf0) =	vadd.scan.msk.s32 $0xffff, v6  }
0xa5: {  	v13 =	vld [tilespmem:s5+$0xFFFFFFF0];
	v8, _, _ =	vpop (xrf0)  }
0xa6: {  	v11 =	vld [tilespmem:s5+$0x0];
	p4 =	por $0x1, $0x1;
	v9 =	vsub.s32 v8, v10  }
.Ltmp7:
0xa7: {  	_ = 	snop;
	(pc) =	sbr.rel @!p4 .LBB2_11-.Ltmp7, $4  }
0xa8: {  	(v2sf) =	vpush v8, $0xF;
	v8, _, _ =	vpop (xrf0)  }
0xa9: {  	(xrf0) =	vadd.scan.msk.s32 $0xffff, v12;
	[tilespmem:s7+$0xFFFFFFE0] =	vst v9;
	v7 =	vsub.s32 v8, v7;
	(v2sf) =	vpush v8, $0xF;
	v9, _, _ =	vpop (xrf0)  }
0xaa: {  	(xrf0) =	vadd.scan.msk.s32 $0xffff, v13;
	[tilespmem:s8+$0xFFFFFFE0] =	vst v3;
	v8 =	vsub.s32 v9, v5;
	(v2sf) =	vpush v9, $0xF;
	v5, _, _ =	vpop (xrf0)  }
0xab: {  	v14 =	vld [tilespmem:s5+$0x10];
	s10 =	simm.s32 $0x60A0;
	p2 =	por $0x1, $0x1;
	[tilespmem:s7+$0xFFFFFFF0] =	vst v7;
	(xrf0) =	vadd.scan.msk.s32 $0xffff, v11;
	v9 =	vsub.s32 v5, v6;
	(v2sf) =	vpush v5, $0xF  }
0xac: {  	_ =	sdelay $0x3  }
0xad: {  	(xrf0) =	vadd.scan.msk.s32 $0xffff, v14;
	_ =	sdelay $0x2  }
0xae: {  	v6, _, _ =	vpop (xrf0)  }
0xaf: {  	[tilespmem:s7+$0x0] =	vst v8;
	v8 =	vsub.s32 v6, v12;
	(v2sf) =	vpush v6, $0xF;
	v6, _, _ =	vpop (xrf0)  }
0xb0: {  	[tilespmem:s7+$0x10] =	vst v9;
	s22 =	simm.s32 $0x7060;
	v9 =	vsub.s32 v6, v13;
	(v2sf) =	vpush v6, $0xF;
	v6, _, _ =	vpop (xrf0)  }
0xb1: {  	[tilespmem:s22+$0xFFFFFFE0] =	vst v8;
	v8 =	vsub.s32 v6, v11;
	(v2sf) =	vpush v6, $0xF;
	v11, _, _ =	vpop (xrf0)  }
0xb2: {  	(v2sf) =	vpush v11, $0xF  }
0xb3: {  	v10 =	vld [tilespmem:s10+$0xFFFFFFE0]  }
0xb4: {  	v7 =	vld [tilespmem:s10+$0xFFFFFFF0]  }
0xb5: {  	v5 =	vld [tilespmem:s10+$0x0];
	p4 =	por $0x1, $0x1  }
.Ltmp8:
0xb6: {  	[tilespmem:s8+$0xFFFFFFF0] =	vst v3;
	(pc) =	sbr.rel @!p4 .LBB2_13-.Ltmp8, $4  }
0xb7: {  	[tilespmem:s8+$0x0] =	vst v3  }
0xb8: {  	[tilespmem:s8+$0x10] =	vst v3;
	(xrf0) =	vadd.scan.msk.s32 $0xffff, v10  }
0xb9: {  	(xrf0) =	vadd.scan.msk.s32 $0xffff, v7;
	[tilespmem:s5+$0xFFFFFFE0] =	vst v3  }
0xba: {  	p3 =	por $0x1, $0x1;
	s8 =	simm.s32 $0x60E0;
	v6 =	vld [tilespmem:s10+$0x10];
	[tilespmem:s22+$0xFFFFFFF0] =	vst v9;
	(xrf0) =	vadd.scan.msk.s32 $0xffff, v5;
	v9 =	vsub.s32 v11, v14  }
0xbb: {  	_ =	sdelay $0x2  }
0xbc: {  	[tilespmem:s5+$0xFFFFFFF0] =	vst v3  }
0xbd: {  	v13 =	vld [tilespmem:s8+$0xFFFFFFE0];
	[tilespmem:s22+$0x0] =	vst v8;
	(xrf0) =	vadd.scan.msk.s32 $0xffff, v6  }
0xbe: {  	v11 =	vld [tilespmem:s8+$0xFFFFFFF0];
	[tilespmem:s22+$0x10] =	vst v9;
	v8, _, _ =	vpop (xrf0)  }
0xbf: {  	v12 =	vld [tilespmem:s8+$0x0];
	s11 =	spop (v2sf);
	[tilespmem:s5+$0x0] =	vst v3;
	(v2sf) =	vpush v8, $0xF;
	v8 =	vsub.s32 v8, v10  }
0xc0: {  	v14 =	vld [tilespmem:s8+$0x10];
	[tilespmem:s5+$0x10] =	vst v3;
	v9, _, _ =	vpop (xrf0);
	[smem:$0x0] =	sst s11  }
0xc1: {  	s22 =	simm.s32 $0x70A0;
	s20 =	spop (v2sf)  }
0xc2: {  	(xrf0) =	vadd.scan.msk.s32 $0xffff, v13;
	[tilespmem:s22+$0xFFFFFFE0] =	vst v8;
	(v2sf) =	vpush v9, $0xF;
	v8, _, _ =	vpop (xrf0);
	[smem:$0x1] =	sst s20  }
0xc3: {  	v7 =	vsub.s32 v9, v7;
	(v2sf) =	vpush v8, $0xF;
	v9, _, _ =	vpop (xrf0)  }
0xc4: {  	(v2sf) =	vpush v9, $0xF;
	_ =	sdelay $0x1  }
0xc5: {  	p5 =	por $0x1, $0x1  }
.Ltmp9:
0xc6: {  	_ = 	snop;
	(pc) =	sbr.rel @!p5 .LBB2_15-.Ltmp9, $4  }
0xc7: {  	_ = 	snop  }
0xc8: {  	p4 =	por $0x1, $0x1;
	s5 =	simm.s32 $0xC;
	s23 =	spop (v2sf)  }
0xc9: {  	s11 =	simm.s32 $0x2;
	[tilespmem:s10+$0xFFFFFFE0] =	vst v3;
	(xrf0) =	vadd.scan.msk.s32 $0xffff, v11;
	[smem:s6] =	sst s23;
	s25 =	spop (v2sf)  }
0xca: {  	[tilespmem:s22+$0xFFFFFFF0] =	vst v7;
	s20 =	simm.s32 $0x70A0;
	v8 =	vsub.s32 v8, v5;
	(xrf0) =	vadd.scan.msk.s32 $0xffff, v12;
	s23 =	simm.s32 $0x6120;
	[smem:$0x3] =	sst s25;
	v9 =	vsub.s32 v9, v6  }
.LBB2_16:
0xcb: {  	v5 =	vld [tilespmem:s23+$0xFFFFFFE0];
	(xrf0) =	vadd.scan.msk.s32 $0xffff, v14;
	[tilespmem:s10+$0xFFFFFFF0] =	vst v3;
	v6 =	vmovc v11;
	v7 =	vmov v12;
	v10 =	vmov v14;
	s25 =	smov.u32 s10;
	s10 =	smov.u32 s8;
	s8 =	smov.u32 s23  }
0xcc: {  	s5 =	sadd.s32 $0x4, s5;
	v11 =	vld [tilespmem:s23+$0xFFFFFFF0];
	[tilespmem:s22+$0x0] =	vst v8  }
0xcd: {  	s22 =	sadd.s32 $0x40, s22;
	p5 =	slt.u32 s5, $0xFC;
	v12 =	vld [tilespmem:s23+$0x0];
	[tilespmem:s25+$0x0] =	vst v3  }
.Ltmp10:
0xce: {  	s11 =	sadd.s32 $0x4, s11;
	v14 =	vld [tilespmem:s23+$0x10];
	v8, _, _ =	vpop (xrf0);
	[tilespmem:s20+$0x10] =	vst v9;
	s20 =	spop (v2sf);
	(pc) =	sbr.rel @p5 .LBB2_16-.Ltmp10, $4  }
0xcf: {  	v13 =	vsub.s32 v8, v13;
	(v2sf) =	vpush v8, $0xF;
	v8, _, _ =	vpop (xrf0);
	[tilespmem:s25+$0x10] =	vst v3;
	[smem:s11+$0xFFFFFFFE] =	sst s20;
	s20 =	spop (v2sf)  }
0xd0: {  	(xrf0) =	vadd.scan.msk.s32 $0xffff, v5;
	[tilespmem:s22+$0xFFFFFFE0] =	vst v13;
	v6 =	vsub.s32 v8, v6;
	(v2sf) =	vpush v8, $0xF;
	v9, _, _ =	vpop (xrf0);
	[smem:s11+$0xFFFFFFFF] =	sst s20;
	s25 =	spop (v2sf);
	s20 =	smov.u32 s22  }
0xd1: {  	(xrf0) =	vadd.scan.msk.s32 $0xffff, v11;
	[tilespmem:s10+$0xFFFFFFE0] =	vst v3;
	v8 =	vsub.s32 v9, v7;
	(v2sf) =	vpush v9, $0xF;
	v7, _, _ =	vpop (xrf0);
	[smem:s11] =	sst s25;
	s25 =	spop (v2sf)  }
0xd2: {  	s23 =	sadd.s32 $0x40, s23;
	(xrf0) =	vadd.scan.msk.s32 $0xffff, v12;
	[tilespmem:s22+$0xFFFFFFF0] =	vst v6;
	v9 =	vsub.s32 v7, v10;
	(v2sf) =	vpush v7, $0xF;
	[smem:s11+$0x1] =	sst s25;
	v13 =	vmovc v5  }
0xd3: {  	v6 =	vmovc v14;
	s5 =	smov.u32 s10;
	v7 =	vmov v11;
	v5 =	vmov v12;
	v10 =	vmov v13;
	s23 =	simm.s32 $0x17800;
	s25 =	simm.s32 $0x18000  }
.LBB2_18:
0xd4: {  	(xrf0) =	vadd.scan.msk.s32 $0xffff, v6;
	_ =	sdelay $0x2  }
0xd5: {  	v11, _, _ =	vpop (xrf0)  }
0xd6: {  	(v2sf) =	vpush v11, $0xF;
	v12, _, _ =	vpop (xrf0)  }
0xd7: {  	(v2sf) =	vpush v12, $0xF;
	v13, _, _ =	vpop (xrf0)  }
0xd8: {  	(v2sf) =	vpush v13, $0xF;
	v14, _, _ =	vpop (xrf0)  }
0xd9: {  	[tilespmem:s22+$0x0] =	vst @p2 v8;
	(v2sf) =	vpush v14, $0xF  }
0xda: {  	s10 =	sadd.s32 @p2 $0x40, s22;
	[tilespmem:s20+$0x10] =	vst @p2 v9;
	s11 =	sadd.s32 @p4 $0x4, s11;
	s20 =	simm.s32 $0x2  }
0xdb: {  	[tilespmem:s5+$0xFFFFFFF0] =	vst @p2 v3;
	s7 =	smov.u32 @p2 s10;
	s10 =	spop @p3 (v2sf);
	s20 =	smov.u32 @p4 s11  }
0xdc: {  	[tilespmem:s5+$0x0] =	vst @p2 v3;
	s11 =	spop @p3 (v2sf);
	[smem:s20+$0xFFFFFFFE] =	sst @p3 s10  }
0xdd: {  	[tilespmem:s5+$0x10] =	vst @p2 v3;
	s5 =	sadd.s32 @p3 $0x4, s20;
	v63 =	vsub.s32 v11, v10;
	s10 =	spop @p3 (v2sf);
	[smem:s20+$0xFFFFFFFF] =	sst @p3 s11  }
0xde: {  	[tilespmem:s7+$0xFFFFFFE0] =	vst v63;
	s11 =	spop @p3 (v2sf);
	[smem:s20] =	sst @p3 s10;
	s10 =	simm.s32 $0x2  }
0xdf: {  	v7 =	vsub.s32 v12, v7;
	[tilespmem:s8+$0xFFFFFFE0] =	vst v3;
	[smem:s20+$0x1] =	sst @p3 s11;
	s10 =	smov.u32 @p3 s5;
	s11 =	spop @p2 (v2sf)  }
0xe0: {  	[tilespmem:s7+$0xFFFFFFF0] =	vst v7;
	[smem:s10+$0xFFFFFFFE] =	sst @p2 s11;
	s5 =	spop @p2 (v2sf)  }
0xe1: {  	v5 =	vsub.s32 v13, v5;
	[tilespmem:s8+$0xFFFFFFF0] =	vst v3;
	[smem:s10+$0xFFFFFFFF] =	sst @p2 s5;
	s5 =	spop @p2 (v2sf)  }
0xe2: {  	[tilespmem:s7+$0x0] =	vst v5;
	v5 =	vsub.s32 v14, v6;
	[smem:s10] =	sst @p2 s5;
	s5 =	spop @p2 (v2sf)  }
0xe3: {  	[tilespmem:s7+$0x10] =	vst v5;
	s7 =	simm.s32 $0x2;
	[smem:s10+$0x1] =	sst @p2 s5;
	s5 =	sadd.s32 @p2 $0x4, s10  }
0xe4: {  	[tilespmem:s8+$0x0] =	vst v3;
	s7 =	smov.u32 @p2 s5;
	p2 =	por $0x1, $0x1  }
.Ltmp11:
0xe5: {  	[tilespmem:s8+$0x10] =	vst v3;
	s10 =	spop (v2sf);
	(pc) =	sbr.rel @!p2 .LBB2_19-.Ltmp11, $4  }
0xe6: {  	[smem:s7+$0xFFFFFFFE] =	sst s10;
	s11 =	spop (v2sf)  }
0xe7: {  	[smem:s7+$0xFFFFFFFF] =	sst s11;
	s20 =	spop (v2sf)  }
0xe8: {  	[smem:s7] =	sst s20;
	s22 =	spop (v2sf)  }
0xe9: {  	s5 =	simm.s32 $0x0;
	[smem:s7+$0x1] =	sst s22  }
0xea: {  	s7 =	sld [smem:$0x0]  }
0xeb: {  	[smem:$0x0] =	sst s5  }
0xec: {  	s8 =	sld [smem:$0x1]  }
0xed: {  	s7 =	sadd.s32 $0x0, s7  }
0xee: {  	p3 =	por $0x1, $0x1;
	[smem:$0x1] =	sst s7  }
.Ltmp12:
0xef: {  	s11 =	sadd.s32 s7, s8;
	s10 =	sld [smem:$0x2];
	(pc) =	sbr.rel @!p3 .LBB2_22-.Ltmp12, $4  }
0xf0: {  	[smem:s6] =	sst s11  }
0xf1: {  	s8 =	sld [smem:$0x3]  }
0xf2: {  	p1 =	por $0x1, $0x1;
	s10 =	sadd.s32 s11, s10  }
0xf3: {  	s7 =	simm.s32 $0x4;
	s6 =	simm.s32 $0x6;
	[smem:$0x3] =	sst s10  }
.LBB2_21:
0xf4: {  	s7 =	sadd.s32 $0x4, s7;
	s11 =	sld [smem:s6+$0xFFFFFFFE];
	s8 =	sadd.s32 s10, s8  }
0xf5: {  	p3 =	slt.u32 s7, $0xFC;
	[smem:s6+$0xFFFFFFFE] =	sst s8  }
0xf6: {  	s10 =	sld [smem:s6+$0xFFFFFFFF]  }
0xf7: {  	s8 =	sadd.s32 s8, s11  }
0xf8: {  	[smem:s6+$0xFFFFFFFF] =	sst s8  }
.Ltmp13:
0xf9: {  	s10 =	sadd.s32 s8, s10;
	s11 =	sld [smem:s6+$0x0];
	(pc) =	sbr.rel @p3 .LBB2_21-.Ltmp13, $4  }
0xfa: {  	[smem:s6] =	sst s10  }
0xfb: {  	s8 =	sld [smem:s6+$0x1]  }
0xfc: {  	s10 =	sadd.s32 s10, s11  }
0xfd: {  	[smem:s6+$0x1] =	sst s10;
	s6 =	sadd.s32 $0x4, s6  }
.LBB2_22:
0xfe: {  	s7 =	sld [smem:s6+$0xFFFFFFFE];
	s8 =	sadd.s32 @p1 s10, s8  }
0xff: {  	s5 =	smov.u32 @p1 s8  }
0x100: {  	[smem:s6+$0xFFFFFFFE] =	sst s5  }
0x101: {  	s20 =	sld [smem:s6+$0xFFFFFFFF];
	s5 =	sadd.s32 s5, s7  }
0x102: {  	[smem:s6+$0xFFFFFFFF] =	sst s5  }
0x103: {  	s22 =	sld [smem:s6+$0x0];
	_ =	sdelay $0x1  }
0x104: {  	s5 =	sadd.s32 s5, s20  }
.Ltmp14:
0x105: {  	[smem:s6] =	sst s5;
	s5 =	sadd.s32 s5, s22;
	(pc) =	sbr.rel @!p2 .LBB2_23-.Ltmp14, $4  }
0x106: {  	[smem:s6+$0x1] =	sst s5;
	s6 =	simm.s32 $0x7020  }
0x107: {  	s11 =	sld [smem:$0x3];
	v7 =	vld [tilespmem:s6+$0xFFFFFFE0]  }
0x108: {  	s10 =	simm.s32 $0x6;
	v5 =	vld [tilespmem:s6+$0x10]  }
0x109: {  	p1 =	por $0x0, $0x0;
	s20 =	simm.s32 $0x2;
	s8 =	sld [smem:$0x0];
	v6 =	vld [tilespmem:s6+$0x0]  }
0x10a: {  	s7 =	sld [smem:$0x7];
	v8 =	vld [tilespmem:s6+$0xFFFFFFF0];
	p2 =	por $0x1, $0x1  }
.Ltmp15:
0x10b: {  	s20 =	sld [smem:$0x2];
	(pc) =	sbr.rel @!p2 .LBB2_25-.Ltmp15, $4  }
0x10c: {  	s5 =	simm.s32 $0x7060;
	v9 =	vadd.s32 s8, v7;
	s22 =	sld [smem:$0x1]  }
0x10d: {  	v7 =	vld [tilespmem:s5+$0xFFFFFFE0];
	[tilespmem:s6+$0xFFFFFFE0] =	vst v9;
	v9 =	vadd.s32 s11, v5  }
0x10e: {  	p1 =	por $0x1, $0x1;
	v5 =	vld [tilespmem:s5+$0x10];
	[tilespmem:s6+$0x10] =	vst v9;
	v9 =	vadd.s32 s20, v6  }
0x10f: {  	s11 =	simm.s32 $0x4;
	s20 =	simm.s32 $0xA;
	s8 =	sld [smem:$0x4];
	v6 =	vld [tilespmem:s5+$0x0];
	v8 =	vadd.s32 s22, v8;
	[tilespmem:s6+$0x0] =	vst v9  }
.LBB2_26:
0x110: {  	s11 =	sadd.s32 $0x4, s11  }
0x111: {  	s22 =	sld [smem:s20+$0x1];
	v9 =	vld [tilespmem:s5+$0xFFFFFFF0];
	[tilespmem:s6+$0xFFFFFFF0] =	vst v8;
	p2 =	slt.u32 s11, $0xFC  }
.Ltmp16:
0x112: {  	s23 =	sld [smem:s10+$0x0];
	(pc) =	sbr.rel @p2 .LBB2_26-.Ltmp16, $4  }
0x113: {  	s6 =	smov.u32 s5;
	s5 =	sadd.s32 $0x40, s5;
	v8 =	vadd.s32 s8, v7;
	s25 =	sld [smem:s10+$0xFFFFFFFF]  }
0x114: {  	s10 =	smov.u32 s20;
	v7 =	vld [tilespmem:s5+$0xFFFFFFE0];
	[tilespmem:s6+$0xFFFFFFE0] =	vst v8;
	v8 =	vadd.s32 s7, v5;
	s7 =	smov.u32 s22  }
0x115: {  	v5 =	vld [tilespmem:s5+$0x10];
	v10 =	vadd.s32 s23, v6;
	[tilespmem:s6+$0x10] =	vst v8  }
0x116: {  	s20 =	sadd.s32 $0x4, s20;
	s8 =	sld [smem:s10+$0xFFFFFFFE];
	v6 =	vld [tilespmem:s5+$0x0];
	v8 =	vadd.s32 s25, v9;
	[tilespmem:s6+$0x0] =	vst v10  }
0x117: {  	s20 =	smov.u32 s10  }
0x118: {  	s11 =	smov.u32 s7;
	s23 =	simm.s32 $0x17800;
	s25 =	simm.s32 $0x18000  }
.LBB2_28:
0x119: {  	v9 =	vld [tilespmem:s5+$0xFFFFFFF0]  }
0x11a: {  	s7 =	sld [smem:s20+$0x0]  }
0x11b: {  	[tilespmem:s6+$0xFFFFFFF0] =	vst @p1 v8;
	v7 =	vadd.s32 s8, v7;
	s8 =	sld [smem:s20+$0xFFFFFFFF]  }
0x11c: {  	[tilespmem:s5+$0xFFFFFFE0] =	vst v7;
	v5 =	vadd.s32 s11, v5  }
0x11d: {  	[tilespmem:s5+$0x10] =	vst v5;
	v6 =	vadd.s32 s7, v6  }
0x11e: {  	[tilespmem:s5+$0x0] =	vst v6;
	v5 =	vadd.s32 s8, v9  }
0x11f: {  	s6 =	simm.s32 $0x8020;
	[tilespmem:s5+$0xFFFFFFF0] =	vst v5  }
0x120: {  	v5 =	vld [tilespmem:s6+$0x10]  }
0x121: {  	v6 =	vld [tilespmem:s6+$0xFFFFFFE0]  }
0x122: {  	v7 =	vld [tilespmem:s6+$0xFFFFFFF0]  }
0x123: {  	s10 =	simm.s32 $0x9020;
	v8 =	vld [tilespmem:s6+$0x0]  }
0x124: {  	v10 =	vld [tilespmem:s10+$0x10]  }
0x125: {  	v11 =	vld [tilespmem:s10+$0xFFFFFFE0]  }
0x126: {  	v12 =	vld [tilespmem:s10+$0xFFFFFFF0]  }
0x127: {  	s11 =	simm.s32 $0x2020;
	v13 =	vld [tilespmem:s10+$0x0]  }
0x128: {  	s20 =	simm.s32 $0x3020;
	v14 =	vld [tilespmem:s11+$0x10]  }
0x129: {  	s22 =	simm.s32 $0x8060;
	v15 =	vld [tilespmem:s20+$0x10]  }
0x12a: {  	v16 =	vld [tilespmem:s22+$0x10]  }
0x12b: {  	v17 =	vld [tilespmem:s22+$0xFFFFFFE0]  }
0x12c: {  	v18 =	vld [tilespmem:s22+$0xFFFFFFF0]  }
0x12d: {  	v9 =	vld.idx.msk [tilespmem:v5+s16+$0x0], $0xffff  }
0x12e: {  	v19 =	vld [tilespmem:s22+$0x0]  }
0x12f: {  	v7 =	vld.idx.msk [tilespmem:v7+s16+$0x0], $0xffff  }
0x130: {  	s5 =	simm.s32 $0x9060;
	v21 =	vld [tilespmem:s20+$0xFFFFFFF0]  }
0x131: {  	v62 =	vld [tilespmem:s5+$0x10]  }
0x132: {  	v8 =	vld.idx.msk [tilespmem:v8+s16+$0x0], $0xffff;
	v9 =	vadd.s32 v9, v10  }
0x133: {  	v63 =	vld [tilespmem:s5+$0xFFFFFFF0];
	v20 =	vshrl.u32 v9, $0x8  }
0x134: {  	v6 =	vld.idx.msk [tilespmem:v6+s16+$0x0], $0xffff;
	v7 =	vadd.s32 v7, v12;
	v22 =	vshll.u32 v9, $0x4;
	v9 =	vadd.s32 v9, v20  }
0x135: {  	v5 =	vld [tilespmem:s20+$0xFFFFFFE0];
	v61 =	vshrl.u32 v7, $0x8;
	v20 =	vand.u32 $0xFF0, v22;
	v9 =	vand.u32 $0xF, v9  }
0x136: {  	v16 =	vld.idx.msk [tilespmem:v16+s16+$0x0], $0xffff;
	v9 =	vor.u32 v20, v9;
	v20 =	vshll.u32 v7, $0x4;
	v7 =	vadd.s32 v7, v61  }
0x137: {  	v17 =	vld.idx.msk [tilespmem:v17+s16+$0x0], $0xffff;
	v8 =	vadd.s32 v8, v13;
	v7 =	vand.u32 $0xF, v7;
	v13 =	vand.u32 $0xFF0, v20  }
0x138: {  	v18 =	vld.idx.msk [tilespmem:v18+s16+$0x0], $0xffff;
	v20 =	vor.u32 v13, v7;
	v7 =	vshrl.u32 v8, $0x8  }
0x139: {  	v10 =	vld [tilespmem:s11+$0xFFFFFFF0];
	v13 =	vshll.u32 v8, $0x4;
	v7 =	vadd.s32 v8, v7  }
0x13a: {  	v6 =	vadd.s32 v6, v11;
	v8 =	vld.idx.msk [tilespmem:v19+s16+$0x0], $0xffff;
	v11 =	vand.u32 $0xFF0, v13;
	v7 =	vand.u32 $0xF, v7  }
0x13b: {  	v19 =	vld [tilespmem:s5+$0xFFFFFFE0];
	v7 =	vor.u32 v11, v7;
	v11 =	vshrl.u32 v6, $0x8  }
0x13c: {  	v12 =	vld [tilespmem:s11+$0x0];
	v13 =	vadd.s32 v16, v62;
	[tilespmem:v9+s17+$0x0] =	vst.idx.msk $0xffff, v14;
	v11 =	vadd.s32 v6, v11  }
0x13d: {  	v14 =	vld [tilespmem:s5+$0x0];
	v6 =	vshll.u32 v6, $0x4;
	[tilespmem:v9+s18+$0x0] =	vst.idx.msk $0xffff, v15;
	v9 =	vshrl.u32 v13, $0x8;
	v15 =	vand.u32 $0xF, v11  }
0x13e: {  	[tilespmem:v20+s17+$0x0] =	vst.idx.msk $0xffff, v10;
	v10 =	vshll.u32 v13, $0x4;
	v9 =	vadd.s32 v13, v9;
	v13 =	vld [tilespmem:s20+$0x0];
	v6 =	vand.u32 $0xFF0, v6  }
0x13f: {  	s7 =	simm.s32 $0x2060;
	v11 =	vld [tilespmem:s11+$0xFFFFFFE0];
	[tilespmem:v20+s18+$0x0] =	vst.idx.msk $0xffff, v21;
	v9 =	vand.u32 $0xF, v9;
	v20 =	vand.u32 $0xFF0, v10;
	v6 =	vor.u32 v6, v15  }
0x140: {  	s8 =	simm.s32 $0x3060;
	v16 =	vadd.s32 v17, v19;
	v10 =	vld [tilespmem:s7+$0x10];
	v9 =	vor.u32 v20, v9  }
0x141: {  	s10 =	simm.s32 $0x4;
	v18 =	vadd.s32 v18, v63;
	s11 =	simm.s32 $0x80A0;
	v15 =	vshll.u32 v16, $0x4;
	v17 =	vshrl.u32 v16, $0x8;
	[tilespmem:v7+s17+$0x0] =	vst.idx.msk $0xffff, v12;
	v12 =	vld [tilespmem:s8+$0x10]  }
.LBB2_29:
0x142: {  	v19 =	vld [tilespmem:s11+$0x10];
	v16 =	vadd.s32 v16, v17;
	v17 =	vshrl.u32 v18, $0x8;
	v8 =	vadd.s32 v8, v14  }
0x143: {  	s10 =	sadd.s32 $0x4, s10;
	v20 =	vshll.u32 v18, $0x4;
	v14 =	vld [tilespmem:s11+$0xFFFFFFE0];
	v17 =	vadd.s32 v18, v17;
	v18 =	vshrl.u32 v8, $0x8;
	[tilespmem:v7+s18+$0x0] =	vst.idx.msk $0xffff, v13  }
0x144: {  	p1 =	slt.u32 s10, $0xFC;
	v7 =	vand.u32 $0xF, v16;
	v16 =	vshll.u32 v8, $0x4;
	v13 =	vld [tilespmem:s11+$0xFFFFFFF0];
	v8 =	vadd.s32 v8, v18;
	[tilespmem:v6+s17+$0x0] =	vst.idx.msk $0xffff, v11  }
0x145: {  	v15 =	vand.u32 $0xFF0, v15;
	v17 =	vand.u32 $0xF, v17;
	v11 =	vld [tilespmem:s11+$0x0];
	v8 =	vand.u32 $0xF, v8;
	[tilespmem:v9+s17+$0x0] =	vst.idx.msk $0xffff, v10  }
0x146: {  	v15 =	vor.u32 v15, v7;
	v7 =	vand.u32 $0xFF0, v20;
	v16 =	vand.u32 $0xFF0, v16;
	v10 =	vld [tilespmem:s8+$0xFFFFFFE0];
	[tilespmem:v9+s18+$0x0] =	vst.idx.msk $0xffff, v12  }
0x147: {  	v12 =	vor.u32 v7, v17;
	v7 =	vor.u32 v16, v8;
	v9 =	vld [tilespmem:s7+$0xFFFFFFF0];
	[tilespmem:v6+s18+$0x0] =	vst.idx.msk $0xffff, v5;
	v6 =	vmov v15  }
0x148: {  	v8 =	vld [tilespmem:s8+$0xFFFFFFF0]  }
0x149: {  	v15 =	vld [tilespmem:s7+$0x0]  }
0x14a: {  	s5 =	sadd.s32 $0x40, s5;
	v16 =	vld.idx.msk [tilespmem:v19+s16+$0x0], $0xffff  }
0x14b: {  	v17 =	vld [tilespmem:s5+$0x10];
	v5 =	vmov v10  }
0x14c: {  	v10 =	vld.idx.msk [tilespmem:v14+s16+$0x0], $0xffff;
	[tilespmem:v12+s17+$0x0] =	vst.idx.msk $0xffff, v9  }
0x14d: {  	v18 =	vld.idx.msk [tilespmem:v13+s16+$0x0], $0xffff;
	[tilespmem:v12+s18+$0x0] =	vst.idx.msk $0xffff, v8  }
0x14e: {  	v8 =	vld.idx.msk [tilespmem:v11+s16+$0x0], $0xffff  }
0x14f: {  	v9 =	vld [tilespmem:s5+$0xFFFFFFE0]  }
0x150: {  	v12 =	vld [tilespmem:s5+$0xFFFFFFF0];
	v11 =	vadd.s32 v16, v17  }
.Ltmp17:
0x151: {  	v14 =	vld [tilespmem:s5+$0x0];
	v13 =	vshrl.u32 v11, $0x8;
	(pc) =	sbr.rel @p1 .LBB2_29-.Ltmp17, $4  }
0x152: {  	v16 =	vshll.u32 v11, $0x4;
	v11 =	vadd.s32 v11, v13;
	v13 =	vld [tilespmem:s8+$0x0];
	[tilespmem:v7+s17+$0x0] =	vst.idx.msk $0xffff, v15  }
0x153: {  	v17 =	vand.u32 $0xFF0, v16;
	v15 =	vand.u32 $0xF, v11;
	v11 =	vld [tilespmem:s7+$0xFFFFFFE0];
	s7 =	sadd.s32 $0x40, s7  }
0x154: {  	s8 =	sadd.s32 $0x40, s8;
	v16 =	vadd.s32 v10, v9;
	v10 =	vld [tilespmem:s7+$0x10];
	v9 =	vor.u32 v17, v15  }
0x155: {  	s11 =	sadd.s32 $0x40, s11;
	v15 =	vshll.u32 v16, $0x4;
	v17 =	vshrl.u32 v16, $0x8;
	v18 =	vadd.s32 v18, v12;
	v12 =	vld [tilespmem:s8+$0x10]  }
0x156: {  	_ =	sdelay $0x2  }
0x157: {  	v19 =	vshrl.u32 v18, $0x8;
	v8 =	vadd.s32 v8, v14  }
0x158: {  	v56 =	vshll.u32 v18, $0x4;
	v16 =	vadd.s32 v16, v17;
	v57 =	vadd.s32 v18, v19;
	[tilespmem:v7+s18+$0x0] =	vst.idx.msk $0xffff, v13  }
0x159: {  	v15 =	vand.u32 $0xFF0, v15;
	v14 =	vand.u32 $0xFF0, v56;
	v18 =	vand.u32 $0xF, v57;
	[tilespmem:v6+s17+$0x0] =	vst.idx.msk $0xffff, v11  }
0x15a: {  	v59 =	vld [tilespmem:s7+$0xFFFFFFF0];
	v58 =	vshrl.u32 v8, $0x8;
	v62 =	vand.u32 $0xF, v16;
	v14 =	vor.u32 v14, v18;
	[tilespmem:v9+s17+$0x0] =	vst.idx.msk $0xffff, v10  }
0x15b: {  	v7 =	vshll.u32 v8, $0x4;
	v8 =	vadd.s32 v8, v58;
	v10 =	vor.u32 v15, v62;
	[tilespmem:v6+s18+$0x0] =	vst.idx.msk $0xffff, v5;
	v5 =	vld [tilespmem:s7+$0xFFFFFFE0]  }
0x15c: {  	v60 =	vld [tilespmem:s8+$0xFFFFFFF0];
	v7 =	vand.u32 $0xFF0, v7;
	v8 =	vand.u32 $0xF, v8  }
0x15d: {  	v61 =	vld [tilespmem:s7+$0x0];
	v7 =	vor.u32 v7, v8  }
0x15e: {  	v6 =	vld [tilespmem:s8+$0xFFFFFFE0];
	[tilespmem:v9+s18+$0x0] =	vst.idx.msk $0xffff, v12  }
0x15f: {  	v63 =	vld [tilespmem:s8+$0x0];
	[tilespmem:v14+s17+$0x0] =	vst.idx.msk $0xffff, v59  }
0x160: {  	p2 =	por $0x1, $0x1;
	[tilespmem:v10+s17+$0x0] =	vst.idx.msk $0xffff, v5  }
.Ltmp18:
0x161: {  	[tilespmem:v14+s18+$0x0] =	vst.idx.msk $0xffff, v60;
	(pc) =	sbr.rel @!p2 .LBB2_31-.Ltmp18, $4  }
0x162: {  	[tilespmem:v7+s17+$0x0] =	vst.idx.msk $0xffff, v61  }
0x163: {  	[tilespmem:v10+s18+$0x0] =	vst.idx.msk $0xffff, v6  }
0x164: {  	s5 =	simm.s32 $0x4020;
	[tilespmem:v7+s18+$0x0] =	vst.idx.msk $0xffff, v63  }
0x165: {  	s10 =	simm.s32 $0x0;
	p1 =	por $0x0, $0x0;
	s8 =	simm.s32 $0x4;
	v5 =	vld [tilespmem:s5+$0x10]  }
0x166: {  	v8 =	vld [tilespmem:s5+$0xFFFFFFF0];
	s7 =	simm.s32 $0x1  }
0x167: {  	v6 =	vmov s10;
	v9 =	vld [tilespmem:s5+$0x0];
	s20 =	simm.s32 $0x2;
	v7 =	vmov s7  }
0x168: {  	v10 =	vld [tilespmem:s5+$0xFFFFFFE0];
	s22 =	simm.s32 $0x3;
	p2 =	por $0x1, $0x1;
	v6 =	vsub.s32 v1, v6;
	v11 =	vmov s20;
	v7 =	vsub.s32 v1, v7  }
.Ltmp19:
0x169: {  	v12 =	vand.u32 $0xF, v7;
	v7 =	vsub.s32 v1, v11;
	v11 =	vmov s22;
	(pc) =	sbr.rel @!p2 .LBB2_33-.Ltmp19, $4  }
0x16a: {  	v7 =	vand.u32 $0xF, v7;
	v11 =	vsub.s32 v1, v11;
	v5 =	vshrl.u32 v5, $0x4  }
0x16b: {  	v8 =	vshrl.u32 v8, $0x4;
	v11 =	vand.u32 $0xF, v11;
	v5 =	vand.u32 $0xFF0, v5  }
0x16c: {  	s5 =	simm.s32 $0x4060;
	v13 =	vshrl.u32 v9, $0x4;
	v8 =	vand.u32 $0xFF0, v8;
	v11 =	vor.u32 v11, v5  }
0x16d: {  	s10 =	simm.s32 $0x8;
	p1 =	por $0x1, $0x1;
	s7 =	simm.s32 $0x8020;
	v9 =	vshrl.u32 v10, $0x4;
	v5 =	vld [tilespmem:s5+$0x10];
	v10 =	vand.u32 $0xFF0, v13;
	v8 =	vor.u32 v12, v8;
	[tilespmem:s6+$0x10] =	vst v11  }
.LBB2_34:
0x16e: {  	p2 =	slt.u32 s10, $0xFC;
	v11 =	vld [tilespmem:s5+$0xFFFFFFF0];
	s11 =	sadd.s32 $0x1, s8;
	v6 =	vand.u32 $0xF, v6;
	v9 =	vand.u32 $0xFF0, v9;
	[tilespmem:s7+$0xFFFFFFF0] =	vst v8;
	v7 =	vor.u32 v7, v10  }
0x16f: {  	v8 =	vmov s8;
	v10 =	vmov s11;
	v12 =	vld [tilespmem:s5+$0x0];
	s11 =	sadd.s32 $0x2, s8;
	v9 =	vor.u32 v6, v9;
	[tilespmem:s7+$0x0] =	vst v7  }
0x170: {  	v6 =	vsub.s32 v1, v8;
	v13 =	vld [tilespmem:s5+$0xFFFFFFE0];
	v7 =	vsub.s32 v1, v10;
	v8 =	vmov s11;
	s11 =	sadd.s32 $0x3, s8;
	[tilespmem:s7+$0xFFFFFFE0] =	vst v9;
	s8 =	smov.u32 s10  }
.Ltmp20:
0x171: {  	v10 =	vand.u32 $0xF, v7;
	v7 =	vsub.s32 v1, v8;
	v8 =	vmov s11;
	(pc) =	sbr.rel @p2 .LBB2_34-.Ltmp20, $4  }
0x172: {  	v7 =	vand.u32 $0xF, v7;
	v8 =	vsub.s32 v1, v8;
	v5 =	vshrl.u32 v5, $0x4  }
0x173: {  	v9 =	vshrl.u32 v11, $0x4;
	v8 =	vand.u32 $0xF, v8;
	v5 =	vand.u32 $0xFF0, v5  }
0x174: {  	s5 =	sadd.s32 $0x40, s5;
	s7 =	sadd.s32 $0x40, s7;
	v11 =	vand.u32 $0xFF0, v9;
	v12 =	vshrl.u32 v12, $0x4;
	v14 =	vor.u32 v8, v5  }
0x175: {  	s10 =	sadd.s32 $0x4, s10;
	v5 =	vld [tilespmem:s5+$0x10];
	v9 =	vshrl.u32 v13, $0x4;
	v8 =	vor.u32 v10, v11;
	v10 =	vand.u32 $0xFF0, v12;
	[tilespmem:s7+$0x10] =	vst v14  }
0x176: {  	s10 =	smov.u32 s8  }
.LBB2_36:
0x177: {  	v11 =	vld [tilespmem:s5+$0xFFFFFFF0]  }
0x178: {  	s8 =	sadd.s32 $0x1, s10;
	v6 =	vand.u32 @p1 $0xF, v6;
	v9 =	vand.u32 @p1 $0xFF0, v9;
	v7 =	vor.u32 @p1 v7, v10;
	v13 =	vld [tilespmem:s5+$0x0]  }
0x179: {  	v59 =	vmov s10;
	s20 =	sadd.s32 $0x2, s10;
	v60 =	vld [tilespmem:s5+$0xFFFFFFE0];
	s22 =	sadd.s32 $0x3, s10;
	v12 =	vmov s8;
	v6 =	vor.u32 @p1 v6, v9  }
0x17a: {  	v10 =	vsub.s32 v1, v59;
	v14 =	vmov s20;
	v15 =	vmov s22  }
0x17b: {  	v12 =	vsub.s32 v1, v12;
	v62 =	vsub.s32 v1, v15;
	v5 =	vshrl.u32 v5, $0x4  }
0x17c: {  	[tilespmem:s7+$0xFFFFFFF0] =	vst @p1 v8;
	v14 =	vsub.s32 v1, v14;
	v63 =	vand.u32 $0xF, v62;
	v5 =	vand.u32 $0xFF0, v5  }
0x17d: {  	s5 =	sadd.s32 @p1 $0x40, s7;
	[tilespmem:s7+$0x0] =	vst @p1 v7;
	v12 =	vand.u32 $0xF, v12;
	v7 =	vshrl.u32 v11, $0x4;
	v5 =	vor.u32 v63, v5  }
0x17e: {  	s6 =	smov.u32 @p1 s5;
	[tilespmem:s7+$0xFFFFFFE0] =	vst @p1 v6;
	v9 =	vshrl.u32 v60, $0x4;
	v6 =	vand.u32 $0xFF0, v7;
	v7 =	vshrl.u32 v13, $0x4  }
0x17f: {  	[tilespmem:s6+$0x10] =	vst v5;
	v5 =	vand.u32 $0xF, v10;
	v9 =	vand.u32 $0xFF0, v9;
	v6 =	vor.u32 v12, v6  }
0x180: {  	v61 =	vand.u32 $0xF, v14;
	v7 =	vand.u32 $0xFF0, v7;
	v5 =	vor.u32 v5, v9;
	[tilespmem:s6+$0xFFFFFFF0] =	vst v6  }
0x181: {  	v6 =	vor.u32 v61, v7;
	[tilespmem:s6+$0xFFFFFFE0] =	vst v5  }
0x182: {  	s10 =	simm.s32 $0xFFFFFFFC;
	s11 =	simm.s32 $0x9020;
	s5 =	simm.s32 $0x8020;
	[tilespmem:s6+$0x0] =	vst v6  }
.LBB2_37:
0x183: {  	v5 =	vld [tilespmem:s5+$0xFFFFFFE0];
	_ =	sdelay $0x7  }
0x184: {  	v6 =	vld.idx.msk [tilespmem:v5+s15+$0x0], $0xffff;
	_ =	sdelay $0x4  }
0x185: {  	[tilespmem:s11+$0xFFFFFFE0] =	vst v6  }
0x186: {  	[tilespmem:v5+s15+$0x0] =	vst.idx.add.s32.msk $0xffff, v4  }
0x187: {  	v5 =	vld [tilespmem:s5+$0xFFFFFFF0];
	_ =	sdelay $0x7  }
0x188: {  	v6 =	vld.idx.msk [tilespmem:v5+s15+$0x0], $0xffff;
	_ =	sdelay $0x4  }
0x189: {  	[tilespmem:s11+$0xFFFFFFF0] =	vst v6  }
0x18a: {  	[tilespmem:v5+s15+$0x0] =	vst.idx.add.s32.msk $0xffff, v4  }
0x18b: {  	v5 =	vld [tilespmem:s5+$0x0];
	_ =	sdelay $0x7  }
0x18c: {  	v6 =	vld.idx.msk [tilespmem:v5+s15+$0x0], $0xffff;
	_ =	sdelay $0x4  }
0x18d: {  	[tilespmem:s11+$0x0] =	vst v6  }
0x18e: {  	[tilespmem:v5+s15+$0x0] =	vst.idx.add.s32.msk $0xffff, v4  }
0x18f: {  	v5 =	vld [tilespmem:s5+$0x10];
	_ =	sdelay $0x7  }
0x190: {  	s10 =	sadd.s32 $0x4, s10;
	v6 =	vld.idx.msk [tilespmem:v5+s15+$0x0], $0xffff  }
0x191: {  	p1 =	slt.u32 s10, $0xFC  }
.Ltmp21:
0x192: {  	_ = 	snop;
	(pc) =	sbr.rel @p1 .LBB2_37-.Ltmp21, $3  }
0x193: {  	_ =	sdelay $0x1  }
0x194: {  	s6 =	simm.s32 $0x2;
	s8 =	simm.s32 $0x6020;
	[tilespmem:s11+$0x10] =	vst v6  }
0x195: {  	s7 =	simm.s32 $0x7020;
	s5 =	sadd.s32 $0x40, s5;
	s11 =	sadd.s32 $0x40, s11;
	[tilespmem:v5+s15+$0x0] =	vst.idx.add.s32.msk $0xffff, v4  }
0x196: {  	v10 =	vld [tilespmem:s8+$0xFFFFFFE0]  }
0x197: {  	v7 =	vld [tilespmem:s8+$0xFFFFFFF0]  }
0x198: {  	v5 =	vld [tilespmem:s8+$0x0];
	p4 =	por $0x1, $0x1  }
.Ltmp22:
0x199: {  	_ = 	snop;
	(pc) =	sbr.rel @!p4 .LBB2_39-.Ltmp22, $4  }
0x19a: {  	_ = 	snop  }
0x19b: {  	(xrf0) =	vadd.scan.msk.s32 $0xffff, v10  }
0x19c: {  	s5 =	simm.s32 $0x6060;
	(xrf0) =	vadd.scan.msk.s32 $0xffff, v7  }
0x19d: {  	v6 =	vld [tilespmem:s8+$0x10];
	p2 =	por $0x0, $0x0;
	p3 =	por $0x0, $0x0;
	p1 =	por $0x0, $0x0;
	(xrf0) =	vadd.scan.msk.s32 $0xffff, v5  }
0x19e: {  	_ =	sdelay $0x3  }
0x19f: {  	v12 =	vld [tilespmem:s5+$0xFFFFFFE0];
	(xrf0) =	vadd.scan.msk.s32 $0xffff, v6  }
0x1a0: {  	v13 =	vld [tilespmem:s5+$0xFFFFFFF0];
	v8, _, _ =	vpop (xrf0)  }
0x1a1: {  	v11 =	vld [tilespmem:s5+$0x0];
	p4 =	por $0x1, $0x1;
	v9 =	vsub.s32 v8, v10  }
.Ltmp23:
0x1a2: {  	_ = 	snop;
	(pc) =	sbr.rel @!p4 .LBB2_41-.Ltmp23, $4  }
0x1a3: {  	(v2sf) =	vpush v8, $0xF;
	v8, _, _ =	vpop (xrf0)  }
0x1a4: {  	(xrf0) =	vadd.scan.msk.s32 $0xffff, v12;
	[tilespmem:s7+$0xFFFFFFE0] =	vst v9;
	v7 =	vsub.s32 v8, v7;
	(v2sf) =	vpush v8, $0xF;
	v9, _, _ =	vpop (xrf0)  }
0x1a5: {  	(xrf0) =	vadd.scan.msk.s32 $0xffff, v13;
	[tilespmem:s8+$0xFFFFFFE0] =	vst v3;
	v8 =	vsub.s32 v9, v5;
	(v2sf) =	vpush v9, $0xF;
	v5, _, _ =	vpop (xrf0)  }
0x1a6: {  	v14 =	vld [tilespmem:s5+$0x10];
	s10 =	simm.s32 $0x60A0;
	p2 =	por $0x1, $0x1;
	[tilespmem:s7+$0xFFFFFFF0] =	vst v7;
	(xrf0) =	vadd.scan.msk.s32 $0xffff, v11;
	v9 =	vsub.s32 v5, v6;
	(v2sf) =	vpush v5, $0xF  }
0x1a7: {  	_ =	sdelay $0x3  }
0x1a8: {  	(xrf0) =	vadd.scan.msk.s32 $0xffff, v14;
	_ =	sdelay $0x2  }
0x1a9: {  	v6, _, _ =	vpop (xrf0)  }
0x1aa: {  	[tilespmem:s7+$0x0] =	vst v8;
	v8 =	vsub.s32 v6, v12;
	(v2sf) =	vpush v6, $0xF;
	v6, _, _ =	vpop (xrf0)  }
0x1ab: {  	[tilespmem:s7+$0x10] =	vst v9;
	s22 =	simm.s32 $0x7060;
	v9 =	vsub.s32 v6, v13;
	(v2sf) =	vpush v6, $0xF;
	v6, _, _ =	vpop (xrf0)  }
0x1ac: {  	[tilespmem:s22+$0xFFFFFFE0] =	vst v8;
	v8 =	vsub.s32 v6, v11;
	(v2sf) =	vpush v6, $0xF;
	v11, _, _ =	vpop (xrf0)  }
0x1ad: {  	(v2sf) =	vpush v11, $0xF  }
0x1ae: {  	v10 =	vld [tilespmem:s10+$0xFFFFFFE0]  }
0x1af: {  	v7 =	vld [tilespmem:s10+$0xFFFFFFF0]  }
0x1b0: {  	v5 =	vld [tilespmem:s10+$0x0];
	p4 =	por $0x1, $0x1  }
.Ltmp24:
0x1b1: {  	[tilespmem:s8+$0xFFFFFFF0] =	vst v3;
	(pc) =	sbr.rel @!p4 .LBB2_43-.Ltmp24, $4  }
0x1b2: {  	[tilespmem:s8+$0x0] =	vst v3  }
0x1b3: {  	[tilespmem:s8+$0x10] =	vst v3;
	(xrf0) =	vadd.scan.msk.s32 $0xffff, v10  }
0x1b4: {  	(xrf0) =	vadd.scan.msk.s32 $0xffff, v7;
	[tilespmem:s5+$0xFFFFFFE0] =	vst v3  }
0x1b5: {  	p3 =	por $0x1, $0x1;
	s8 =	simm.s32 $0x60E0;
	v6 =	vld [tilespmem:s10+$0x10];
	[tilespmem:s22+$0xFFFFFFF0] =	vst v9;
	(xrf0) =	vadd.scan.msk.s32 $0xffff, v5;
	v9 =	vsub.s32 v11, v14  }
0x1b6: {  	_ =	sdelay $0x2  }
0x1b7: {  	[tilespmem:s5+$0xFFFFFFF0] =	vst v3  }
0x1b8: {  	v13 =	vld [tilespmem:s8+$0xFFFFFFE0];
	[tilespmem:s22+$0x0] =	vst v8;
	(xrf0) =	vadd.scan.msk.s32 $0xffff, v6  }
0x1b9: {  	v11 =	vld [tilespmem:s8+$0xFFFFFFF0];
	[tilespmem:s22+$0x10] =	vst v9;
	v8, _, _ =	vpop (xrf0)  }
0x1ba: {  	v12 =	vld [tilespmem:s8+$0x0];
	s11 =	spop (v2sf);
	[tilespmem:s5+$0x0] =	vst v3;
	(v2sf) =	vpush v8, $0xF;
	v8 =	vsub.s32 v8, v10  }
0x1bb: {  	v14 =	vld [tilespmem:s8+$0x10];
	[tilespmem:s5+$0x10] =	vst v3;
	v9, _, _ =	vpop (xrf0);
	[smem:$0x0] =	sst s11  }
0x1bc: {  	s22 =	simm.s32 $0x70A0;
	s20 =	spop (v2sf)  }
0x1bd: {  	(xrf0) =	vadd.scan.msk.s32 $0xffff, v13;
	[tilespmem:s22+$0xFFFFFFE0] =	vst v8;
	(v2sf) =	vpush v9, $0xF;
	v8, _, _ =	vpop (xrf0);
	[smem:$0x1] =	sst s20  }
0x1be: {  	v7 =	vsub.s32 v9, v7;
	(v2sf) =	vpush v8, $0xF;
	v9, _, _ =	vpop (xrf0)  }
0x1bf: {  	(v2sf) =	vpush v9, $0xF;
	_ =	sdelay $0x1  }
0x1c0: {  	p5 =	por $0x1, $0x1  }
.Ltmp25:
0x1c1: {  	_ = 	snop;
	(pc) =	sbr.rel @!p5 .LBB2_45-.Ltmp25, $4  }
0x1c2: {  	_ = 	snop  }
0x1c3: {  	p4 =	por $0x1, $0x1;
	s5 =	simm.s32 $0xC;
	s23 =	spop (v2sf)  }
0x1c4: {  	s11 =	simm.s32 $0x2;
	[tilespmem:s10+$0xFFFFFFE0] =	vst v3;
	(xrf0) =	vadd.scan.msk.s32 $0xffff, v11;
	[smem:s6] =	sst s23;
	s25 =	spop (v2sf)  }
0x1c5: {  	[tilespmem:s22+$0xFFFFFFF0] =	vst v7;
	s20 =	simm.s32 $0x70A0;
	v8 =	vsub.s32 v8, v5;
	(xrf0) =	vadd.scan.msk.s32 $0xffff, v12;
	s23 =	simm.s32 $0x6120;
	[smem:$0x3] =	sst s25;
	v9 =	vsub.s32 v9, v6  }
.LBB2_46:
0x1c6: {  	v5 =	vld [tilespmem:s23+$0xFFFFFFE0];
	(xrf0) =	vadd.scan.msk.s32 $0xffff, v14;
	[tilespmem:s10+$0xFFFFFFF0] =	vst v3;
	v6 =	vmovc v11;
	v7 =	vmov v12;
	v10 =	vmov v14;
	s25 =	smov.u32 s10;
	s10 =	smov.u32 s8;
	s8 =	smov.u32 s23  }
0x1c7: {  	s5 =	sadd.s32 $0x4, s5;
	v11 =	vld [tilespmem:s23+$0xFFFFFFF0];
	[tilespmem:s22+$0x0] =	vst v8  }
0x1c8: {  	s22 =	sadd.s32 $0x40, s22;
	p5 =	slt.u32 s5, $0xFC;
	v12 =	vld [tilespmem:s23+$0x0];
	[tilespmem:s25+$0x0] =	vst v3  }
.Ltmp26:
0x1c9: {  	s11 =	sadd.s32 $0x4, s11;
	v14 =	vld [tilespmem:s23+$0x10];
	v8, _, _ =	vpop (xrf0);
	[tilespmem:s20+$0x10] =	vst v9;
	s20 =	spop (v2sf);
	(pc) =	sbr.rel @p5 .LBB2_46-.Ltmp26, $4  }
0x1ca: {  	v13 =	vsub.s32 v8, v13;
	(v2sf) =	vpush v8, $0xF;
	v8, _, _ =	vpop (xrf0);
	[tilespmem:s25+$0x10] =	vst v3;
	[smem:s11+$0xFFFFFFFE] =	sst s20;
	s20 =	spop (v2sf)  }
0x1cb: {  	(xrf0) =	vadd.scan.msk.s32 $0xffff, v5;
	[tilespmem:s22+$0xFFFFFFE0] =	vst v13;
	v6 =	vsub.s32 v8, v6;
	(v2sf) =	vpush v8, $0xF;
	v9, _, _ =	vpop (xrf0);
	[smem:s11+$0xFFFFFFFF] =	sst s20;
	s25 =	spop (v2sf);
	s20 =	smov.u32 s22  }
0x1cc: {  	(xrf0) =	vadd.scan.msk.s32 $0xffff, v11;
	[tilespmem:s10+$0xFFFFFFE0] =	vst v3;
	v8 =	vsub.s32 v9, v7;
	(v2sf) =	vpush v9, $0xF;
	v7, _, _ =	vpop (xrf0);
	[smem:s11] =	sst s25;
	s25 =	spop (v2sf)  }
0x1cd: {  	s23 =	sadd.s32 $0x40, s23;
	(xrf0) =	vadd.scan.msk.s32 $0xffff, v12;
	[tilespmem:s22+$0xFFFFFFF0] =	vst v6;
	v9 =	vsub.s32 v7, v10;
	(v2sf) =	vpush v7, $0xF;
	[smem:s11+$0x1] =	sst s25;
	v13 =	vmovc v5  }
0x1ce: {  	v6 =	vmovc v14;
	s5 =	smov.u32 s10;
	v7 =	vmov v11;
	v5 =	vmov v12;
	v10 =	vmov v13;
	s23 =	simm.s32 $0x17800;
	s25 =	simm.s32 $0x18000  }
.LBB2_48:
0x1cf: {  	(xrf0) =	vadd.scan.msk.s32 $0xffff, v6;
	_ =	sdelay $0x2  }
0x1d0: {  	v11, _, _ =	vpop (xrf0)  }
0x1d1: {  	(v2sf) =	vpush v11, $0xF;
	v12, _, _ =	vpop (xrf0)  }
0x1d2: {  	(v2sf) =	vpush v12, $0xF;
	v13, _, _ =	vpop (xrf0)  }
0x1d3: {  	(v2sf) =	vpush v13, $0xF;
	v14, _, _ =	vpop (xrf0)  }
0x1d4: {  	[tilespmem:s22+$0x0] =	vst @p2 v8;
	(v2sf) =	vpush v14, $0xF  }
0x1d5: {  	s10 =	sadd.s32 @p2 $0x40, s22;
	[tilespmem:s20+$0x10] =	vst @p2 v9;
	s11 =	sadd.s32 @p4 $0x4, s11;
	s20 =	simm.s32 $0x2  }
0x1d6: {  	[tilespmem:s5+$0xFFFFFFF0] =	vst @p2 v3;
	s7 =	smov.u32 @p2 s10;
	s10 =	spop @p3 (v2sf);
	s20 =	smov.u32 @p4 s11  }
0x1d7: {  	[tilespmem:s5+$0x0] =	vst @p2 v3;
	s11 =	spop @p3 (v2sf);
	[smem:s20+$0xFFFFFFFE] =	sst @p3 s10  }
0x1d8: {  	[tilespmem:s5+$0x10] =	vst @p2 v3;
	s5 =	sadd.s32 @p3 $0x4, s20;
	v63 =	vsub.s32 v11, v10;
	s10 =	spop @p3 (v2sf);
	[smem:s20+$0xFFFFFFFF] =	sst @p3 s11  }
0x1d9: {  	[tilespmem:s7+$0xFFFFFFE0] =	vst v63;
	s11 =	spop @p3 (v2sf);
	[smem:s20] =	sst @p3 s10;
	s10 =	simm.s32 $0x2  }
0x1da: {  	v7 =	vsub.s32 v12, v7;
	[tilespmem:s8+$0xFFFFFFE0] =	vst v3;
	[smem:s20+$0x1] =	sst @p3 s11;
	s10 =	smov.u32 @p3 s5;
	s11 =	spop @p2 (v2sf)  }
0x1db: {  	[tilespmem:s7+$0xFFFFFFF0] =	vst v7;
	[smem:s10+$0xFFFFFFFE] =	sst @p2 s11;
	s5 =	spop @p2 (v2sf)  }
0x1dc: {  	v5 =	vsub.s32 v13, v5;
	[tilespmem:s8+$0xFFFFFFF0] =	vst v3;
	[smem:s10+$0xFFFFFFFF] =	sst @p2 s5;
	s5 =	spop @p2 (v2sf)  }
0x1dd: {  	[tilespmem:s7+$0x0] =	vst v5;
	v5 =	vsub.s32 v14, v6;
	[smem:s10] =	sst @p2 s5;
	s5 =	spop @p2 (v2sf)  }
0x1de: {  	[tilespmem:s7+$0x10] =	vst v5;
	s7 =	simm.s32 $0x2;
	[smem:s10+$0x1] =	sst @p2 s5;
	s5 =	sadd.s32 @p2 $0x4, s10  }
0x1df: {  	[tilespmem:s8+$0x0] =	vst v3;
	s7 =	smov.u32 @p2 s5;
	p2 =	por $0x1, $0x1  }
.Ltmp27:
0x1e0: {  	[tilespmem:s8+$0x10] =	vst v3;
	s10 =	spop (v2sf);
	(pc) =	sbr.rel @!p2 .LBB2_49-.Ltmp27, $4  }
0x1e1: {  	[smem:s7+$0xFFFFFFFE] =	sst s10;
	s11 =	spop (v2sf)  }
0x1e2: {  	[smem:s7+$0xFFFFFFFF] =	sst s11;
	s20 =	spop (v2sf)  }
0x1e3: {  	[smem:s7] =	sst s20;
	s22 =	spop (v2sf)  }
0x1e4: {  	s5 =	simm.s32 $0x0;
	[smem:s7+$0x1] =	sst s22  }
0x1e5: {  	s7 =	sld [smem:$0x0]  }
0x1e6: {  	[smem:$0x0] =	sst s5  }
0x1e7: {  	s8 =	sld [smem:$0x1]  }
0x1e8: {  	s7 =	sadd.s32 $0x0, s7  }
0x1e9: {  	p3 =	por $0x1, $0x1;
	[smem:$0x1] =	sst s7  }
.Ltmp28:
0x1ea: {  	s11 =	sadd.s32 s7, s8;
	s10 =	sld [smem:$0x2];
	(pc) =	sbr.rel @!p3 .LBB2_52-.Ltmp28, $4  }
0x1eb: {  	[smem:s6] =	sst s11  }
0x1ec: {  	s8 =	sld [smem:$0x3]  }
0x1ed: {  	p1 =	por $0x1, $0x1;
	s10 =	sadd.s32 s11, s10  }
0x1ee: {  	s7 =	simm.s32 $0x4;
	s6 =	simm.s32 $0x6;
	[smem:$0x3] =	sst s10  }
.LBB2_51:
0x1ef: {  	s7 =	sadd.s32 $0x4, s7;
	s11 =	sld [smem:s6+$0xFFFFFFFE];
	s8 =	sadd.s32 s10, s8  }
0x1f0: {  	p3 =	slt.u32 s7, $0xFC;
	[smem:s6+$0xFFFFFFFE] =	sst s8  }
0x1f1: {  	s10 =	sld [smem:s6+$0xFFFFFFFF]  }
0x1f2: {  	s8 =	sadd.s32 s8, s11  }
0x1f3: {  	[smem:s6+$0xFFFFFFFF] =	sst s8  }
.Ltmp29:
0x1f4: {  	s10 =	sadd.s32 s8, s10;
	s11 =	sld [smem:s6+$0x0];
	(pc) =	sbr.rel @p3 .LBB2_51-.Ltmp29, $4  }
0x1f5: {  	[smem:s6] =	sst s10  }
0x1f6: {  	s8 =	sld [smem:s6+$0x1]  }
0x1f7: {  	s10 =	sadd.s32 s10, s11  }
0x1f8: {  	[smem:s6+$0x1] =	sst s10;
	s6 =	sadd.s32 $0x4, s6  }
.LBB2_52:
0x1f9: {  	s7 =	sld [smem:s6+$0xFFFFFFFE];
	s8 =	sadd.s32 @p1 s10, s8  }
0x1fa: {  	s5 =	smov.u32 @p1 s8  }
0x1fb: {  	[smem:s6+$0xFFFFFFFE] =	sst s5  }
0x1fc: {  	s20 =	sld [smem:s6+$0xFFFFFFFF];
	s5 =	sadd.s32 s5, s7  }
0x1fd: {  	[smem:s6+$0xFFFFFFFF] =	sst s5  }
0x1fe: {  	s22 =	sld [smem:s6+$0x0];
	_ =	sdelay $0x1  }
0x1ff: {  	s5 =	sadd.s32 s5, s20  }
.Ltmp30:
0x200: {  	[smem:s6] =	sst s5;
	s5 =	sadd.s32 s5, s22;
	(pc) =	sbr.rel @!p2 .LBB2_53-.Ltmp30, $4  }
0x201: {  	[smem:s6+$0x1] =	sst s5;
	s6 =	simm.s32 $0x7020  }
0x202: {  	s11 =	sld [smem:$0x3];
	v7 =	vld [tilespmem:s6+$0xFFFFFFE0]  }
0x203: {  	s10 =	simm.s32 $0x6;
	v5 =	vld [tilespmem:s6+$0x10]  }
0x204: {  	p1 =	por $0x0, $0x0;
	s20 =	simm.s32 $0x2;
	s8 =	sld [smem:$0x0];
	v6 =	vld [tilespmem:s6+$0x0]  }
0x205: {  	s7 =	sld [smem:$0x7];
	v8 =	vld [tilespmem:s6+$0xFFFFFFF0];
	p2 =	por $0x1, $0x1  }
.Ltmp31:
0x206: {  	s20 =	sld [smem:$0x2];
	(pc) =	sbr.rel @!p2 .LBB2_55-.Ltmp31, $4  }
0x207: {  	s5 =	simm.s32 $0x7060;
	v9 =	vadd.s32 s8, v7;
	s22 =	sld [smem:$0x1]  }
0x208: {  	v7 =	vld [tilespmem:s5+$0xFFFFFFE0];
	[tilespmem:s6+$0xFFFFFFE0] =	vst v9;
	v9 =	vadd.s32 s11, v5  }
0x209: {  	p1 =	por $0x1, $0x1;
	v5 =	vld [tilespmem:s5+$0x10];
	[tilespmem:s6+$0x10] =	vst v9;
	v9 =	vadd.s32 s20, v6  }
0x20a: {  	s11 =	simm.s32 $0x4;
	s20 =	simm.s32 $0xA;
	s8 =	sld [smem:$0x4];
	v6 =	vld [tilespmem:s5+$0x0];
	v8 =	vadd.s32 s22, v8;
	[tilespmem:s6+$0x0] =	vst v9  }
.LBB2_56:
0x20b: {  	s11 =	sadd.s32 $0x4, s11  }
0x20c: {  	s22 =	sld [smem:s20+$0x1];
	v9 =	vld [tilespmem:s5+$0xFFFFFFF0];
	[tilespmem:s6+$0xFFFFFFF0] =	vst v8;
	p2 =	slt.u32 s11, $0xFC  }
.Ltmp32:
0x20d: {  	s23 =	sld [smem:s10+$0x0];
	(pc) =	sbr.rel @p2 .LBB2_56-.Ltmp32, $4  }
0x20e: {  	s6 =	smov.u32 s5;
	s5 =	sadd.s32 $0x40, s5;
	v8 =	vadd.s32 s8, v7;
	s25 =	sld [smem:s10+$0xFFFFFFFF]  }
0x20f: {  	s10 =	smov.u32 s20;
	v7 =	vld [tilespmem:s5+$0xFFFFFFE0];
	[tilespmem:s6+$0xFFFFFFE0] =	vst v8;
	v8 =	vadd.s32 s7, v5;
	s7 =	smov.u32 s22  }
0x210: {  	v5 =	vld [tilespmem:s5+$0x10];
	v10 =	vadd.s32 s23, v6;
	[tilespmem:s6+$0x10] =	vst v8  }
0x211: {  	s20 =	sadd.s32 $0x4, s20;
	s8 =	sld [smem:s10+$0xFFFFFFFE];
	v6 =	vld [tilespmem:s5+$0x0];
	v8 =	vadd.s32 s25, v9;
	[tilespmem:s6+$0x0] =	vst v10  }
0x212: {  	s20 =	smov.u32 s10  }
0x213: {  	s11 =	smov.u32 s7;
	s23 =	simm.s32 $0x17800;
	s25 =	simm.s32 $0x18000  }
.LBB2_58:
0x214: {  	v9 =	vld [tilespmem:s5+$0xFFFFFFF0]  }
0x215: {  	s7 =	sld [smem:s20+$0x0]  }
0x216: {  	[tilespmem:s6+$0xFFFFFFF0] =	vst @p1 v8;
	v7 =	vadd.s32 s8, v7;
	s8 =	sld [smem:s20+$0xFFFFFFFF]  }
0x217: {  	[tilespmem:s5+$0xFFFFFFE0] =	vst v7;
	v5 =	vadd.s32 s11, v5  }
0x218: {  	[tilespmem:s5+$0x10] =	vst v5;
	v6 =	vadd.s32 s7, v6  }
0x219: {  	[tilespmem:s5+$0x0] =	vst v6;
	v5 =	vadd.s32 s8, v9  }
0x21a: {  	s6 =	simm.s32 $0x8020;
	[tilespmem:s5+$0xFFFFFFF0] =	vst v5  }
0x21b: {  	v5 =	vld [tilespmem:s6+$0x10]  }
0x21c: {  	v6 =	vld [tilespmem:s6+$0xFFFFFFE0]  }
0x21d: {  	v7 =	vld [tilespmem:s6+$0xFFFFFFF0]  }
0x21e: {  	s10 =	simm.s32 $0x9020;
	v8 =	vld [tilespmem:s6+$0x0]  }
0x21f: {  	v10 =	vld [tilespmem:s10+$0x10]  }
0x220: {  	v11 =	vld [tilespmem:s10+$0xFFFFFFE0]  }
0x221: {  	v12 =	vld [tilespmem:s10+$0xFFFFFFF0]  }
0x222: {  	s11 =	simm.s32 $0x4020;
	v13 =	vld [tilespmem:s10+$0x0]  }
0x223: {  	s20 =	simm.s32 $0x5020;
	v14 =	vld [tilespmem:s11+$0x10]  }
0x224: {  	s22 =	simm.s32 $0x8060;
	v15 =	vld [tilespmem:s20+$0x10]  }
0x225: {  	v16 =	vld [tilespmem:s22+$0x10]  }
0x226: {  	v17 =	vld [tilespmem:s22+$0xFFFFFFE0]  }
0x227: {  	v18 =	vld [tilespmem:s22+$0xFFFFFFF0]  }
0x228: {  	v9 =	vld.idx.msk [tilespmem:v5+s16+$0x0], $0xffff  }
0x229: {  	v19 =	vld [tilespmem:s22+$0x0]  }
0x22a: {  	v7 =	vld.idx.msk [tilespmem:v7+s16+$0x0], $0xffff  }
0x22b: {  	s5 =	simm.s32 $0x9060;
	v21 =	vld [tilespmem:s20+$0xFFFFFFF0]  }
0x22c: {  	v62 =	vld [tilespmem:s5+$0x10]  }
0x22d: {  	v8 =	vld.idx.msk [tilespmem:v8+s16+$0x0], $0xffff;
	v9 =	vadd.s32 v9, v10  }
0x22e: {  	v63 =	vld [tilespmem:s5+$0xFFFFFFF0];
	v20 =	vshrl.u32 v9, $0x8  }
0x22f: {  	v6 =	vld.idx.msk [tilespmem:v6+s16+$0x0], $0xffff;
	v7 =	vadd.s32 v7, v12;
	v22 =	vshll.u32 v9, $0x4;
	v9 =	vadd.s32 v9, v20  }
0x230: {  	v5 =	vld [tilespmem:s20+$0xFFFFFFE0];
	v61 =	vshrl.u32 v7, $0x8;
	v20 =	vand.u32 $0xFF0, v22;
	v9 =	vand.u32 $0xF, v9  }
0x231: {  	v16 =	vld.idx.msk [tilespmem:v16+s16+$0x0], $0xffff;
	v9 =	vor.u32 v20, v9;
	v20 =	vshll.u32 v7, $0x4;
	v7 =	vadd.s32 v7, v61  }
0x232: {  	v17 =	vld.idx.msk [tilespmem:v17+s16+$0x0], $0xffff;
	v8 =	vadd.s32 v8, v13;
	v7 =	vand.u32 $0xF, v7;
	v13 =	vand.u32 $0xFF0, v20  }
0x233: {  	v18 =	vld.idx.msk [tilespmem:v18+s16+$0x0], $0xffff;
	v20 =	vor.u32 v13, v7;
	v7 =	vshrl.u32 v8, $0x8  }
0x234: {  	v10 =	vld [tilespmem:s11+$0xFFFFFFF0];
	v13 =	vshll.u32 v8, $0x4;
	v7 =	vadd.s32 v8, v7  }
0x235: {  	v6 =	vadd.s32 v6, v11;
	v8 =	vld.idx.msk [tilespmem:v19+s16+$0x0], $0xffff;
	v11 =	vand.u32 $0xFF0, v13;
	v7 =	vand.u32 $0xF, v7  }
0x236: {  	v19 =	vld [tilespmem:s5+$0xFFFFFFE0];
	v7 =	vor.u32 v11, v7;
	v11 =	vshrl.u32 v6, $0x8  }
0x237: {  	v12 =	vld [tilespmem:s11+$0x0];
	v13 =	vadd.s32 v16, v62;
	[tilespmem:v9+s14+$0x0] =	vst.idx.msk $0xffff, v14;
	v11 =	vadd.s32 v6, v11  }
0x238: {  	v14 =	vld [tilespmem:s5+$0x0];
	v6 =	vshll.u32 v6, $0x4;
	[tilespmem:v9+s19+$0x0] =	vst.idx.msk $0xffff, v15;
	v9 =	vshrl.u32 v13, $0x8;
	v15 =	vand.u32 $0xF, v11  }
0x239: {  	[tilespmem:v20+s14+$0x0] =	vst.idx.msk $0xffff, v10;
	v10 =	vshll.u32 v13, $0x4;
	v9 =	vadd.s32 v13, v9;
	v13 =	vld [tilespmem:s20+$0x0];
	v6 =	vand.u32 $0xFF0, v6  }
0x23a: {  	s7 =	simm.s32 $0x4060;
	v11 =	vld [tilespmem:s11+$0xFFFFFFE0];
	[tilespmem:v20+s19+$0x0] =	vst.idx.msk $0xffff, v21;
	v9 =	vand.u32 $0xF, v9;
	v20 =	vand.u32 $0xFF0, v10;
	v6 =	vor.u32 v6, v15  }
0x23b: {  	s8 =	simm.s32 $0x5060;
	v16 =	vadd.s32 v17, v19;
	v10 =	vld [tilespmem:s7+$0x10];
	v9 =	vor.u32 v20, v9  }
0x23c: {  	s10 =	simm.s32 $0x4;
	v18 =	vadd.s32 v18, v63;
	s11 =	simm.s32 $0x80A0;
	v15 =	vshll.u32 v16, $0x4;
	v17 =	vshrl.u32 v16, $0x8;
	[tilespmem:v7+s14+$0x0] =	vst.idx.msk $0xffff, v12;
	v12 =	vld [tilespmem:s8+$0x10]  }
.LBB2_59:
0x23d: {  	v19 =	vld [tilespmem:s11+$0x10];
	v16 =	vadd.s32 v16, v17;
	v17 =	vshrl.u32 v18, $0x8;
	v8 =	vadd.s32 v8, v14  }
0x23e: {  	s10 =	sadd.s32 $0x4, s10;
	v20 =	vshll.u32 v18, $0x4;
	v14 =	vld [tilespmem:s11+$0xFFFFFFE0];
	v17 =	vadd.s32 v18, v17;
	v18 =	vshrl.u32 v8, $0x8;
	[tilespmem:v7+s19+$0x0] =	vst.idx.msk $0xffff, v13  }
0x23f: {  	p1 =	slt.u32 s10, $0xFC;
	v7 =	vand.u32 $0xF, v16;
	v16 =	vshll.u32 v8, $0x4;
	v13 =	vld [tilespmem:s11+$0xFFFFFFF0];
	v8 =	vadd.s32 v8, v18;
	[tilespmem:v6+s14+$0x0] =	vst.idx.msk $0xffff, v11  }
0x240: {  	v15 =	vand.u32 $0xFF0, v15;
	v17 =	vand.u32 $0xF, v17;
	v11 =	vld [tilespmem:s11+$0x0];
	v8 =	vand.u32 $0xF, v8;
	[tilespmem:v9+s14+$0x0] =	vst.idx.msk $0xffff, v10  }
0x241: {  	v15 =	vor.u32 v15, v7;
	v7 =	vand.u32 $0xFF0, v20;
	v16 =	vand.u32 $0xFF0, v16;
	v10 =	vld [tilespmem:s8+$0xFFFFFFE0];
	[tilespmem:v9+s19+$0x0] =	vst.idx.msk $0xffff, v12  }
0x242: {  	v12 =	vor.u32 v7, v17;
	v7 =	vor.u32 v16, v8;
	v9 =	vld [tilespmem:s7+$0xFFFFFFF0];
	[tilespmem:v6+s19+$0x0] =	vst.idx.msk $0xffff, v5;
	v6 =	vmov v15  }
0x243: {  	v8 =	vld [tilespmem:s8+$0xFFFFFFF0]  }
0x244: {  	v15 =	vld [tilespmem:s7+$0x0]  }
0x245: {  	s5 =	sadd.s32 $0x40, s5;
	v16 =	vld.idx.msk [tilespmem:v19+s16+$0x0], $0xffff  }
0x246: {  	v17 =	vld [tilespmem:s5+$0x10];
	v5 =	vmov v10  }
0x247: {  	v10 =	vld.idx.msk [tilespmem:v14+s16+$0x0], $0xffff;
	[tilespmem:v12+s14+$0x0] =	vst.idx.msk $0xffff, v9  }
0x248: {  	v18 =	vld.idx.msk [tilespmem:v13+s16+$0x0], $0xffff;
	[tilespmem:v12+s19+$0x0] =	vst.idx.msk $0xffff, v8  }
0x249: {  	v8 =	vld.idx.msk [tilespmem:v11+s16+$0x0], $0xffff  }
0x24a: {  	v9 =	vld [tilespmem:s5+$0xFFFFFFE0]  }
0x24b: {  	v12 =	vld [tilespmem:s5+$0xFFFFFFF0];
	v11 =	vadd.s32 v16, v17  }
.Ltmp33:
0x24c: {  	v14 =	vld [tilespmem:s5+$0x0];
	v13 =	vshrl.u32 v11, $0x8;
	(pc) =	sbr.rel @p1 .LBB2_59-.Ltmp33, $4  }
0x24d: {  	v16 =	vshll.u32 v11, $0x4;
	v11 =	vadd.s32 v11, v13;
	v13 =	vld [tilespmem:s8+$0x0];
	[tilespmem:v7+s14+$0x0] =	vst.idx.msk $0xffff, v15  }
0x24e: {  	v17 =	vand.u32 $0xFF0, v16;
	v15 =	vand.u32 $0xF, v11;
	v11 =	vld [tilespmem:s7+$0xFFFFFFE0];
	s7 =	sadd.s32 $0x40, s7  }
0x24f: {  	s8 =	sadd.s32 $0x40, s8;
	v16 =	vadd.s32 v10, v9;
	v10 =	vld [tilespmem:s7+$0x10];
	v9 =	vor.u32 v17, v15  }
0x250: {  	s11 =	sadd.s32 $0x40, s11;
	v15 =	vshll.u32 v16, $0x4;
	v17 =	vshrl.u32 v16, $0x8;
	v18 =	vadd.s32 v18, v12;
	v12 =	vld [tilespmem:s8+$0x10]  }
0x251: {  	_ =	sdelay $0x2  }
0x252: {  	v19 =	vshrl.u32 v18, $0x8;
	v8 =	vadd.s32 v8, v14  }
0x253: {  	v56 =	vshll.u32 v18, $0x4;
	v16 =	vadd.s32 v16, v17;
	v57 =	vadd.s32 v18, v19;
	[tilespmem:v7+s19+$0x0] =	vst.idx.msk $0xffff, v13  }
0x254: {  	v15 =	vand.u32 $0xFF0, v15;
	v14 =	vand.u32 $0xFF0, v56;
	v18 =	vand.u32 $0xF, v57;
	[tilespmem:v6+s14+$0x0] =	vst.idx.msk $0xffff, v11  }
0x255: {  	v59 =	vld [tilespmem:s7+$0xFFFFFFF0];
	v58 =	vshrl.u32 v8, $0x8;
	v62 =	vand.u32 $0xF, v16;
	v14 =	vor.u32 v14, v18;
	[tilespmem:v9+s14+$0x0] =	vst.idx.msk $0xffff, v10  }
0x256: {  	v7 =	vshll.u32 v8, $0x4;
	v8 =	vadd.s32 v8, v58;
	v10 =	vor.u32 v15, v62;
	[tilespmem:v6+s19+$0x0] =	vst.idx.msk $0xffff, v5;
	v5 =	vld [tilespmem:s7+$0xFFFFFFE0]  }
0x257: {  	v60 =	vld [tilespmem:s8+$0xFFFFFFF0];
	v7 =	vand.u32 $0xFF0, v7;
	v8 =	vand.u32 $0xF, v8  }
0x258: {  	v61 =	vld [tilespmem:s7+$0x0];
	v7 =	vor.u32 v7, v8  }
0x259: {  	v6 =	vld [tilespmem:s8+$0xFFFFFFE0];
	[tilespmem:v9+s19+$0x0] =	vst.idx.msk $0xffff, v12  }
0x25a: {  	v63 =	vld [tilespmem:s8+$0x0];
	[tilespmem:v14+s14+$0x0] =	vst.idx.msk $0xffff, v59  }
0x25b: {  	p2 =	por $0x1, $0x1;
	[tilespmem:v10+s14+$0x0] =	vst.idx.msk $0xffff, v5  }
.Ltmp34:
0x25c: {  	[tilespmem:v14+s19+$0x0] =	vst.idx.msk $0xffff, v60;
	(pc) =	sbr.rel @!p2 .LBB2_61-.Ltmp34, $4  }
0x25d: {  	[tilespmem:v7+s14+$0x0] =	vst.idx.msk $0xffff, v61  }
0x25e: {  	[tilespmem:v10+s19+$0x0] =	vst.idx.msk $0xffff, v6  }
0x25f: {  	s5 =	simm.s32 $0x2020;
	[tilespmem:v7+s19+$0x0] =	vst.idx.msk $0xffff, v63  }
0x260: {  	s10 =	simm.s32 $0x0;
	p1 =	por $0x0, $0x0;
	s8 =	simm.s32 $0x4;
	v5 =	vld [tilespmem:s5+$0x10]  }
0x261: {  	v8 =	vld [tilespmem:s5+$0xFFFFFFF0];
	s7 =	simm.s32 $0x1  }
0x262: {  	v6 =	vmov s10;
	v9 =	vld [tilespmem:s5+$0x0];
	s20 =	simm.s32 $0x2;
	v7 =	vmov s7  }
0x263: {  	v10 =	vld [tilespmem:s5+$0xFFFFFFE0];
	s22 =	simm.s32 $0x3;
	p2 =	por $0x1, $0x1;
	v6 =	vsub.s32 v1, v6;
	v11 =	vmov s20;
	v7 =	vsub.s32 v1, v7  }
.Ltmp35:
0x264: {  	v12 =	vand.u32 $0xF, v7;
	v7 =	vsub.s32 v1, v11;
	v11 =	vmov s22;
	(pc) =	sbr.rel @!p2 .LBB2_63-.Ltmp35, $4  }
0x265: {  	v7 =	vand.u32 $0xF, v7;
	v11 =	vsub.s32 v1, v11;
	v5 =	vshrl.u32 v5, $0xC  }
0x266: {  	v8 =	vshrl.u32 v8, $0xC;
	v11 =	vand.u32 $0xF, v11;
	v5 =	vand.u32 $0xFF0, v5  }
0x267: {  	s5 =	simm.s32 $0x2060;
	v13 =	vshrl.u32 v9, $0xC;
	v8 =	vand.u32 $0xFF0, v8;
	v11 =	vor.u32 v11, v5  }
0x268: {  	s10 =	simm.s32 $0x8;
	p1 =	por $0x1, $0x1;
	s7 =	simm.s32 $0x8020;
	v9 =	vshrl.u32 v10, $0xC;
	v5 =	vld [tilespmem:s5+$0x10];
	v10 =	vand.u32 $0xFF0, v13;
	v8 =	vor.u32 v12, v8;
	[tilespmem:s6+$0x10] =	vst v11  }
.LBB2_64:
0x269: {  	p2 =	slt.u32 s10, $0xFC;
	v11 =	vld [tilespmem:s5+$0xFFFFFFF0];
	s11 =	sadd.s32 $0x1, s8;
	v6 =	vand.u32 $0xF, v6;
	v9 =	vand.u32 $0xFF0, v9;
	[tilespmem:s7+$0xFFFFFFF0] =	vst v8;
	v7 =	vor.u32 v7, v10  }
0x26a: {  	v8 =	vmov s8;
	v10 =	vmov s11;
	v12 =	vld [tilespmem:s5+$0x0];
	s11 =	sadd.s32 $0x2, s8;
	v9 =	vor.u32 v6, v9;
	[tilespmem:s7+$0x0] =	vst v7  }
0x26b: {  	v6 =	vsub.s32 v1, v8;
	v13 =	vld [tilespmem:s5+$0xFFFFFFE0];
	v7 =	vsub.s32 v1, v10;
	v8 =	vmov s11;
	s11 =	sadd.s32 $0x3, s8;
	[tilespmem:s7+$0xFFFFFFE0] =	vst v9;
	s8 =	smov.u32 s10  }
.Ltmp36:
0x26c: {  	v10 =	vand.u32 $0xF, v7;
	v7 =	vsub.s32 v1, v8;
	v8 =	vmov s11;
	(pc) =	sbr.rel @p2 .LBB2_64-.Ltmp36, $4  }
0x26d: {  	v7 =	vand.u32 $0xF, v7;
	v8 =	vsub.s32 v1, v8;
	v5 =	vshrl.u32 v5, $0xC  }
0x26e: {  	v9 =	vshrl.u32 v11, $0xC;
	v8 =	vand.u32 $0xF, v8;
	v5 =	vand.u32 $0xFF0, v5  }
0x26f: {  	s5 =	sadd.s32 $0x40, s5;
	s7 =	sadd.s32 $0x40, s7;
	v11 =	vand.u32 $0xFF0, v9;
	v12 =	vshrl.u32 v12, $0xC;
	v14 =	vor.u32 v8, v5  }
0x270: {  	s10 =	sadd.s32 $0x4, s10;
	v5 =	vld [tilespmem:s5+$0x10];
	v9 =	vshrl.u32 v13, $0xC;
	v8 =	vor.u32 v10, v11;
	v10 =	vand.u32 $0xFF0, v12;
	[tilespmem:s7+$0x10] =	vst v14  }
0x271: {  	s10 =	smov.u32 s8  }
.LBB2_66:
0x272: {  	v11 =	vld [tilespmem:s5+$0xFFFFFFF0]  }
0x273: {  	s8 =	sadd.s32 $0x1, s10;
	v6 =	vand.u32 @p1 $0xF, v6;
	v9 =	vand.u32 @p1 $0xFF0, v9;
	v7 =	vor.u32 @p1 v7, v10;
	v13 =	vld [tilespmem:s5+$0x0]  }
0x274: {  	v59 =	vmov s10;
	s20 =	sadd.s32 $0x2, s10;
	v60 =	vld [tilespmem:s5+$0xFFFFFFE0];
	s22 =	sadd.s32 $0x3, s10;
	v12 =	vmov s8;
	v6 =	vor.u32 @p1 v6, v9  }
0x275: {  	v10 =	vsub.s32 v1, v59;
	v14 =	vmov s20;
	v15 =	vmov s22  }
0x276: {  	v12 =	vsub.s32 v1, v12;
	v62 =	vsub.s32 v1, v15;
	v5 =	vshrl.u32 v5, $0xC  }
0x277: {  	[tilespmem:s7+$0xFFFFFFF0] =	vst @p1 v8;
	v14 =	vsub.s32 v1, v14;
	v63 =	vand.u32 $0xF, v62;
	v5 =	vand.u32 $0xFF0, v5  }
0x278: {  	s5 =	sadd.s32 @p1 $0x40, s7;
	[tilespmem:s7+$0x0] =	vst @p1 v7;
	v12 =	vand.u32 $0xF, v12;
	v7 =	vshrl.u32 v11, $0xC;
	v5 =	vor.u32 v63, v5  }
0x279: {  	s6 =	smov.u32 @p1 s5;
	[tilespmem:s7+$0xFFFFFFE0] =	vst @p1 v6;
	v9 =	vshrl.u32 v60, $0xC;
	v6 =	vand.u32 $0xFF0, v7;
	v7 =	vshrl.u32 v13, $0xC  }
0x27a: {  	[tilespmem:s6+$0x10] =	vst v5;
	v5 =	vand.u32 $0xF, v10;
	v9 =	vand.u32 $0xFF0, v9;
	v6 =	vor.u32 v12, v6  }
0x27b: {  	v61 =	vand.u32 $0xF, v14;
	v7 =	vand.u32 $0xFF0, v7;
	v5 =	vor.u32 v5, v9;
	[tilespmem:s6+$0xFFFFFFF0] =	vst v6  }
0x27c: {  	v6 =	vor.u32 v61, v7;
	[tilespmem:s6+$0xFFFFFFE0] =	vst v5  }
0x27d: {  	s10 =	simm.s32 $0xFFFFFFFC;
	s11 =	simm.s32 $0x9020;
	s5 =	simm.s32 $0x8020;
	[tilespmem:s6+$0x0] =	vst v6  }
.LBB2_67:
0x27e: {  	v5 =	vld [tilespmem:s5+$0xFFFFFFE0];
	_ =	sdelay $0x7  }
0x27f: {  	v6 =	vld.idx.msk [tilespmem:v5+s15+$0x0], $0xffff;
	_ =	sdelay $0x4  }
0x280: {  	[tilespmem:s11+$0xFFFFFFE0] =	vst v6  }
0x281: {  	[tilespmem:v5+s15+$0x0] =	vst.idx.add.s32.msk $0xffff, v4  }
0x282: {  	v5 =	vld [tilespmem:s5+$0xFFFFFFF0];
	_ =	sdelay $0x7  }
0x283: {  	v6 =	vld.idx.msk [tilespmem:v5+s15+$0x0], $0xffff;
	_ =	sdelay $0x4  }
0x284: {  	[tilespmem:s11+$0xFFFFFFF0] =	vst v6  }
0x285: {  	[tilespmem:v5+s15+$0x0] =	vst.idx.add.s32.msk $0xffff, v4  }
0x286: {  	v5 =	vld [tilespmem:s5+$0x0];
	_ =	sdelay $0x7  }
0x287: {  	v6 =	vld.idx.msk [tilespmem:v5+s15+$0x0], $0xffff;
	_ =	sdelay $0x4  }
0x288: {  	[tilespmem:s11+$0x0] =	vst v6  }
0x289: {  	[tilespmem:v5+s15+$0x0] =	vst.idx.add.s32.msk $0xffff, v4  }
0x28a: {  	v5 =	vld [tilespmem:s5+$0x10];
	_ =	sdelay $0x7  }
0x28b: {  	s10 =	sadd.s32 $0x4, s10;
	v6 =	vld.idx.msk [tilespmem:v5+s15+$0x0], $0xffff  }
0x28c: {  	p1 =	slt.u32 s10, $0xFC  }
.Ltmp37:
0x28d: {  	_ = 	snop;
	(pc) =	sbr.rel @p1 .LBB2_67-.Ltmp37, $3  }
0x28e: {  	_ =	sdelay $0x1  }
0x28f: {  	s6 =	simm.s32 $0x2;
	s8 =	simm.s32 $0x6020;
	[tilespmem:s11+$0x10] =	vst v6  }
0x290: {  	s7 =	simm.s32 $0x7020;
	s5 =	sadd.s32 $0x40, s5;
	s11 =	sadd.s32 $0x40, s11;
	[tilespmem:v5+s15+$0x0] =	vst.idx.add.s32.msk $0xffff, v4  }
0x291: {  	v10 =	vld [tilespmem:s8+$0xFFFFFFE0]  }
0x292: {  	v7 =	vld [tilespmem:s8+$0xFFFFFFF0]  }
0x293: {  	v5 =	vld [tilespmem:s8+$0x0];
	p4 =	por $0x1, $0x1  }
.Ltmp38:
0x294: {  	_ = 	snop;
	(pc) =	sbr.rel @!p4 .LBB2_69-.Ltmp38, $4  }
0x295: {  	_ = 	snop  }
0x296: {  	(xrf0) =	vadd.scan.msk.s32 $0xffff, v10  }
0x297: {  	s5 =	simm.s32 $0x6060;
	(xrf0) =	vadd.scan.msk.s32 $0xffff, v7  }
0x298: {  	v6 =	vld [tilespmem:s8+$0x10];
	p2 =	por $0x0, $0x0;
	p3 =	por $0x0, $0x0;
	p1 =	por $0x0, $0x0;
	(xrf0) =	vadd.scan.msk.s32 $0xffff, v5  }
0x299: {  	_ =	sdelay $0x3  }
0x29a: {  	v12 =	vld [tilespmem:s5+$0xFFFFFFE0];
	(xrf0) =	vadd.scan.msk.s32 $0xffff, v6  }
0x29b: {  	v13 =	vld [tilespmem:s5+$0xFFFFFFF0];
	v8, _, _ =	vpop (xrf0)  }
0x29c: {  	v11 =	vld [tilespmem:s5+$0x0];
	p4 =	por $0x1, $0x1;
	v9 =	vsub.s32 v8, v10  }
.Ltmp39:
0x29d: {  	_ = 	snop;
	(pc) =	sbr.rel @!p4 .LBB2_71-.Ltmp39, $4  }
0x29e: {  	(v2sf) =	vpush v8, $0xF;
	v8, _, _ =	vpop (xrf0)  }
0x29f: {  	(xrf0) =	vadd.scan.msk.s32 $0xffff, v12;
	[tilespmem:s7+$0xFFFFFFE0] =	vst v9;
	v7 =	vsub.s32 v8, v7;
	(v2sf) =	vpush v8, $0xF;
	v9, _, _ =	vpop (xrf0)  }
0x2a0: {  	(xrf0) =	vadd.scan.msk.s32 $0xffff, v13;
	[tilespmem:s8+$0xFFFFFFE0] =	vst v3;
	v8 =	vsub.s32 v9, v5;
	(v2sf) =	vpush v9, $0xF;
	v5, _, _ =	vpop (xrf0)  }
0x2a1: {  	v14 =	vld [tilespmem:s5+$0x10];
	s10 =	simm.s32 $0x60A0;
	p2 =	por $0x1, $0x1;
	[tilespmem:s7+$0xFFFFFFF0] =	vst v7;
	(xrf0) =	vadd.scan.msk.s32 $0xffff, v11;
	v9 =	vsub.s32 v5, v6;
	(v2sf) =	vpush v5, $0xF  }
0x2a2: {  	_ =	sdelay $0x3  }
0x2a3: {  	(xrf0) =	vadd.scan.msk.s32 $0xffff, v14;
	_ =	sdelay $0x2  }
0x2a4: {  	v6, _, _ =	vpop (xrf0)  }
0x2a5: {  	[tilespmem:s7+$0x0] =	vst v8;
	v8 =	vsub.s32 v6, v12;
	(v2sf) =	vpush v6, $0xF;
	v6, _, _ =	vpop (xrf0)  }
0x2a6: {  	[tilespmem:s7+$0x10] =	vst v9;
	s22 =	simm.s32 $0x7060;
	v9 =	vsub.s32 v6, v13;
	(v2sf) =	vpush v6, $0xF;
	v6, _, _ =	vpop (xrf0)  }
0x2a7: {  	[tilespmem:s22+$0xFFFFFFE0] =	vst v8;
	v8 =	vsub.s32 v6, v11;
	(v2sf) =	vpush v6, $0xF;
	v11, _, _ =	vpop (xrf0)  }
0x2a8: {  	(v2sf) =	vpush v11, $0xF  }
0x2a9: {  	v10 =	vld [tilespmem:s10+$0xFFFFFFE0]  }
0x2aa: {  	v7 =	vld [tilespmem:s10+$0xFFFFFFF0]  }
0x2ab: {  	v5 =	vld [tilespmem:s10+$0x0];
	p4 =	por $0x1, $0x1  }
.Ltmp40:
0x2ac: {  	[tilespmem:s8+$0xFFFFFFF0] =	vst v3;
	(pc) =	sbr.rel @!p4 .LBB2_73-.Ltmp40, $4  }
0x2ad: {  	[tilespmem:s8+$0x0] =	vst v3  }
0x2ae: {  	[tilespmem:s8+$0x10] =	vst v3;
	(xrf0) =	vadd.scan.msk.s32 $0xffff, v10  }
0x2af: {  	(xrf0) =	vadd.scan.msk.s32 $0xffff, v7;
	[tilespmem:s5+$0xFFFFFFE0] =	vst v3  }
0x2b0: {  	p3 =	por $0x1, $0x1;
	s8 =	simm.s32 $0x60E0;
	v6 =	vld [tilespmem:s10+$0x10];
	[tilespmem:s22+$0xFFFFFFF0] =	vst v9;
	(xrf0) =	vadd.scan.msk.s32 $0xffff, v5;
	v9 =	vsub.s32 v11, v14  }
0x2b1: {  	_ =	sdelay $0x2  }
0x2b2: {  	[tilespmem:s5+$0xFFFFFFF0] =	vst v3  }
0x2b3: {  	v13 =	vld [tilespmem:s8+$0xFFFFFFE0];
	[tilespmem:s22+$0x0] =	vst v8;
	(xrf0) =	vadd.scan.msk.s32 $0xffff, v6  }
0x2b4: {  	v11 =	vld [tilespmem:s8+$0xFFFFFFF0];
	[tilespmem:s22+$0x10] =	vst v9;
	v8, _, _ =	vpop (xrf0)  }
0x2b5: {  	v12 =	vld [tilespmem:s8+$0x0];
	s11 =	spop (v2sf);
	[tilespmem:s5+$0x0] =	vst v3;
	(v2sf) =	vpush v8, $0xF;
	v8 =	vsub.s32 v8, v10  }
0x2b6: {  	v14 =	vld [tilespmem:s8+$0x10];
	[tilespmem:s5+$0x10] =	vst v3;
	v9, _, _ =	vpop (xrf0);
	[smem:$0x0] =	sst s11  }
0x2b7: {  	s22 =	simm.s32 $0x70A0;
	s20 =	spop (v2sf)  }
0x2b8: {  	(xrf0) =	vadd.scan.msk.s32 $0xffff, v13;
	[tilespmem:s22+$0xFFFFFFE0] =	vst v8;
	(v2sf) =	vpush v9, $0xF;
	v8, _, _ =	vpop (xrf0);
	[smem:$0x1] =	sst s20  }
0x2b9: {  	v7 =	vsub.s32 v9, v7;
	(v2sf) =	vpush v8, $0xF;
	v9, _, _ =	vpop (xrf0)  }
0x2ba: {  	(v2sf) =	vpush v9, $0xF;
	_ =	sdelay $0x1  }
0x2bb: {  	p5 =	por $0x1, $0x1  }
.Ltmp41:
0x2bc: {  	_ = 	snop;
	(pc) =	sbr.rel @!p5 .LBB2_75-.Ltmp41, $4  }
0x2bd: {  	_ = 	snop  }
0x2be: {  	p4 =	por $0x1, $0x1;
	s5 =	simm.s32 $0xC;
	s23 =	spop (v2sf)  }
0x2bf: {  	s11 =	simm.s32 $0x2;
	[tilespmem:s10+$0xFFFFFFE0] =	vst v3;
	(xrf0) =	vadd.scan.msk.s32 $0xffff, v11;
	[smem:s6] =	sst s23;
	s25 =	spop (v2sf)  }
0x2c0: {  	[tilespmem:s22+$0xFFFFFFF0] =	vst v7;
	s20 =	simm.s32 $0x70A0;
	v8 =	vsub.s32 v8, v5;
	(xrf0) =	vadd.scan.msk.s32 $0xffff, v12;
	s23 =	simm.s32 $0x6120;
	[smem:$0x3] =	sst s25;
	v9 =	vsub.s32 v9, v6  }
.LBB2_76:
0x2c1: {  	v5 =	vld [tilespmem:s23+$0xFFFFFFE0];
	(xrf0) =	vadd.scan.msk.s32 $0xffff, v14;
	[tilespmem:s10+$0xFFFFFFF0] =	vst v3;
	v6 =	vmovc v11;
	v7 =	vmov v12;
	v10 =	vmov v14;
	s25 =	smov.u32 s10;
	s10 =	smov.u32 s8;
	s8 =	smov.u32 s23  }
0x2c2: {  	s5 =	sadd.s32 $0x4, s5;
	v11 =	vld [tilespmem:s23+$0xFFFFFFF0];
	[tilespmem:s22+$0x0] =	vst v8  }
0x2c3: {  	s22 =	sadd.s32 $0x40, s22;
	p5 =	slt.u32 s5, $0xFC;
	v12 =	vld [tilespmem:s23+$0x0];
	[tilespmem:s25+$0x0] =	vst v3  }
.Ltmp42:
0x2c4: {  	s11 =	sadd.s32 $0x4, s11;
	v14 =	vld [tilespmem:s23+$0x10];
	v8, _, _ =	vpop (xrf0);
	[tilespmem:s20+$0x10] =	vst v9;
	s20 =	spop (v2sf);
	(pc) =	sbr.rel @p5 .LBB2_76-.Ltmp42, $4  }
0x2c5: {  	v13 =	vsub.s32 v8, v13;
	(v2sf) =	vpush v8, $0xF;
	v8, _, _ =	vpop (xrf0);
	[tilespmem:s25+$0x10] =	vst v3;
	[smem:s11+$0xFFFFFFFE] =	sst s20;
	s20 =	spop (v2sf)  }
0x2c6: {  	(xrf0) =	vadd.scan.msk.s32 $0xffff, v5;
	[tilespmem:s22+$0xFFFFFFE0] =	vst v13;
	v6 =	vsub.s32 v8, v6;
	(v2sf) =	vpush v8, $0xF;
	v9, _, _ =	vpop (xrf0);
	[smem:s11+$0xFFFFFFFF] =	sst s20;
	s25 =	spop (v2sf);
	s20 =	smov.u32 s22  }
0x2c7: {  	(xrf0) =	vadd.scan.msk.s32 $0xffff, v11;
	[tilespmem:s10+$0xFFFFFFE0] =	vst v3;
	v8 =	vsub.s32 v9, v7;
	(v2sf) =	vpush v9, $0xF;
	v7, _, _ =	vpop (xrf0);
	[smem:s11] =	sst s25;
	s25 =	spop (v2sf)  }
0x2c8: {  	s23 =	sadd.s32 $0x40, s23;
	(xrf0) =	vadd.scan.msk.s32 $0xffff, v12;
	[tilespmem:s22+$0xFFFFFFF0] =	vst v6;
	v9 =	vsub.s32 v7, v10;
	(v2sf) =	vpush v7, $0xF;
	[smem:s11+$0x1] =	sst s25;
	v13 =	vmovc v5  }
0x2c9: {  	v6 =	vmovc v14;
	s5 =	smov.u32 s10;
	v7 =	vmov v11;
	v5 =	vmov v12;
	v10 =	vmov v13;
	s23 =	simm.s32 $0x17800;
	s25 =	simm.s32 $0x18000  }
.LBB2_78:
0x2ca: {  	(xrf0) =	vadd.scan.msk.s32 $0xffff, v6;
	_ =	sdelay $0x2  }
0x2cb: {  	v11, _, _ =	vpop (xrf0)  }
0x2cc: {  	(v2sf) =	vpush v11, $0xF;
	v12, _, _ =	vpop (xrf0)  }
0x2cd: {  	(v2sf) =	vpush v12, $0xF;
	v13, _, _ =	vpop (xrf0)  }
0x2ce: {  	(v2sf) =	vpush v13, $0xF;
	v14, _, _ =	vpop (xrf0)  }
0x2cf: {  	[tilespmem:s22+$0x0] =	vst @p2 v8;
	(v2sf) =	vpush v14, $0xF  }
0x2d0: {  	s10 =	sadd.s32 @p2 $0x40, s22;
	[tilespmem:s20+$0x10] =	vst @p2 v9;
	s11 =	sadd.s32 @p4 $0x4, s11;
	s20 =	simm.s32 $0x2  }
0x2d1: {  	[tilespmem:s5+$0xFFFFFFF0] =	vst @p2 v3;
	s7 =	smov.u32 @p2 s10;
	s10 =	spop @p3 (v2sf);
	s20 =	smov.u32 @p4 s11  }
0x2d2: {  	[tilespmem:s5+$0x0] =	vst @p2 v3;
	s11 =	spop @p3 (v2sf);
	[smem:s20+$0xFFFFFFFE] =	sst @p3 s10  }
0x2d3: {  	[tilespmem:s5+$0x10] =	vst @p2 v3;
	s5 =	sadd.s32 @p3 $0x4, s20;
	v63 =	vsub.s32 v11, v10;
	s10 =	spop @p3 (v2sf);
	[smem:s20+$0xFFFFFFFF] =	sst @p3 s11  }
0x2d4: {  	[tilespmem:s7+$0xFFFFFFE0] =	vst v63;
	s11 =	spop @p3 (v2sf);
	[smem:s20] =	sst @p3 s10;
	s10 =	simm.s32 $0x2  }
0x2d5: {  	v7 =	vsub.s32 v12, v7;
	[tilespmem:s8+$0xFFFFFFE0] =	vst v3;
	[smem:s20+$0x1] =	sst @p3 s11;
	s10 =	smov.u32 @p3 s5;
	s11 =	spop @p2 (v2sf)  }
0x2d6: {  	[tilespmem:s7+$0xFFFFFFF0] =	vst v7;
	[smem:s10+$0xFFFFFFFE] =	sst @p2 s11;
	s5 =	spop @p2 (v2sf)  }
0x2d7: {  	v5 =	vsub.s32 v13, v5;
	[tilespmem:s8+$0xFFFFFFF0] =	vst v3;
	[smem:s10+$0xFFFFFFFF] =	sst @p2 s5;
	s5 =	spop @p2 (v2sf)  }
0x2d8: {  	[tilespmem:s7+$0x0] =	vst v5;
	v5 =	vsub.s32 v14, v6;
	[smem:s10] =	sst @p2 s5;
	s5 =	spop @p2 (v2sf)  }
0x2d9: {  	[tilespmem:s7+$0x10] =	vst v5;
	s7 =	simm.s32 $0x2;
	[smem:s10+$0x1] =	sst @p2 s5;
	s5 =	sadd.s32 @p2 $0x4, s10  }
0x2da: {  	[tilespmem:s8+$0x0] =	vst v3;
	s7 =	smov.u32 @p2 s5;
	p2 =	por $0x1, $0x1  }
.Ltmp43:
0x2db: {  	[tilespmem:s8+$0x10] =	vst v3;
	s10 =	spop (v2sf);
	(pc) =	sbr.rel @!p2 .LBB2_79-.Ltmp43, $4  }
0x2dc: {  	[smem:s7+$0xFFFFFFFE] =	sst s10;
	s11 =	spop (v2sf)  }
0x2dd: {  	[smem:s7+$0xFFFFFFFF] =	sst s11;
	s20 =	spop (v2sf)  }
0x2de: {  	[smem:s7] =	sst s20;
	s22 =	spop (v2sf)  }
0x2df: {  	s5 =	simm.s32 $0x0;
	[smem:s7+$0x1] =	sst s22  }
0x2e0: {  	s7 =	sld [smem:$0x0]  }
0x2e1: {  	[smem:$0x0] =	sst s5  }
0x2e2: {  	s8 =	sld [smem:$0x1]  }
0x2e3: {  	s7 =	sadd.s32 $0x0, s7  }
0x2e4: {  	p3 =	por $0x1, $0x1;
	[smem:$0x1] =	sst s7  }
.Ltmp44:
0x2e5: {  	s11 =	sadd.s32 s7, s8;
	s10 =	sld [smem:$0x2];
	(pc) =	sbr.rel @!p3 .LBB2_82-.Ltmp44, $4  }
0x2e6: {  	[smem:s6] =	sst s11  }
0x2e7: {  	s8 =	sld [smem:$0x3]  }
0x2e8: {  	p1 =	por $0x1, $0x1;
	s10 =	sadd.s32 s11, s10  }
0x2e9: {  	s7 =	simm.s32 $0x4;
	s6 =	simm.s32 $0x6;
	[smem:$0x3] =	sst s10  }
.LBB2_81:
0x2ea: {  	s7 =	sadd.s32 $0x4, s7;
	s11 =	sld [smem:s6+$0xFFFFFFFE];
	s8 =	sadd.s32 s10, s8  }
0x2eb: {  	p3 =	slt.u32 s7, $0xFC;
	[smem:s6+$0xFFFFFFFE] =	sst s8  }
0x2ec: {  	s10 =	sld [smem:s6+$0xFFFFFFFF]  }
0x2ed: {  	s8 =	sadd.s32 s8, s11  }
0x2ee: {  	[smem:s6+$0xFFFFFFFF] =	sst s8  }
.Ltmp45:
0x2ef: {  	s10 =	sadd.s32 s8, s10;
	s11 =	sld [smem:s6+$0x0];
	(pc) =	sbr.rel @p3 .LBB2_81-.Ltmp45, $4  }
0x2f0: {  	[smem:s6] =	sst s10  }
0x2f1: {  	s8 =	sld [smem:s6+$0x1]  }
0x2f2: {  	s10 =	sadd.s32 s10, s11  }
0x2f3: {  	[smem:s6+$0x1] =	sst s10;
	s6 =	sadd.s32 $0x4, s6  }
.LBB2_82:
0x2f4: {  	s7 =	sld [smem:s6+$0xFFFFFFFE];
	s8 =	sadd.s32 @p1 s10, s8  }
0x2f5: {  	s5 =	smov.u32 @p1 s8  }
0x2f6: {  	[smem:s6+$0xFFFFFFFE] =	sst s5  }
0x2f7: {  	s20 =	sld [smem:s6+$0xFFFFFFFF];
	s5 =	sadd.s32 s5, s7  }
0x2f8: {  	[smem:s6+$0xFFFFFFFF] =	sst s5  }
0x2f9: {  	s22 =	sld [smem:s6+$0x0];
	_ =	sdelay $0x1  }
0x2fa: {  	s5 =	sadd.s32 s5, s20  }
.Ltmp46:
0x2fb: {  	[smem:s6] =	sst s5;
	s5 =	sadd.s32 s5, s22;
	(pc) =	sbr.rel @!p2 .LBB2_83-.Ltmp46, $4  }
0x2fc: {  	[smem:s6+$0x1] =	sst s5;
	s6 =	simm.s32 $0x7020  }
0x2fd: {  	s11 =	sld [smem:$0x3];
	v7 =	vld [tilespmem:s6+$0xFFFFFFE0]  }
0x2fe: {  	s10 =	simm.s32 $0x6;
	v5 =	vld [tilespmem:s6+$0x10]  }
0x2ff: {  	p1 =	por $0x0, $0x0;
	s20 =	simm.s32 $0x2;
	s8 =	sld [smem:$0x0];
	v6 =	vld [tilespmem:s6+$0x0]  }
0x300: {  	s7 =	sld [smem:$0x7];
	v8 =	vld [tilespmem:s6+$0xFFFFFFF0];
	p2 =	por $0x1, $0x1  }
.Ltmp47:
0x301: {  	s20 =	sld [smem:$0x2];
	(pc) =	sbr.rel @!p2 .LBB2_85-.Ltmp47, $4  }
0x302: {  	s5 =	simm.s32 $0x7060;
	v9 =	vadd.s32 s8, v7;
	s22 =	sld [smem:$0x1]  }
0x303: {  	v7 =	vld [tilespmem:s5+$0xFFFFFFE0];
	[tilespmem:s6+$0xFFFFFFE0] =	vst v9;
	v9 =	vadd.s32 s11, v5  }
0x304: {  	p1 =	por $0x1, $0x1;
	v5 =	vld [tilespmem:s5+$0x10];
	[tilespmem:s6+$0x10] =	vst v9;
	v9 =	vadd.s32 s20, v6  }
0x305: {  	s11 =	simm.s32 $0x4;
	s20 =	simm.s32 $0xA;
	s8 =	sld [smem:$0x4];
	v6 =	vld [tilespmem:s5+$0x0];
	v8 =	vadd.s32 s22, v8;
	[tilespmem:s6+$0x0] =	vst v9  }
.LBB2_86:
0x306: {  	s11 =	sadd.s32 $0x4, s11  }
0x307: {  	s22 =	sld [smem:s20+$0x1];
	v9 =	vld [tilespmem:s5+$0xFFFFFFF0];
	[tilespmem:s6+$0xFFFFFFF0] =	vst v8;
	p2 =	slt.u32 s11, $0xFC  }
.Ltmp48:
0x308: {  	s23 =	sld [smem:s10+$0x0];
	(pc) =	sbr.rel @p2 .LBB2_86-.Ltmp48, $4  }
0x309: {  	s6 =	smov.u32 s5;
	s5 =	sadd.s32 $0x40, s5;
	v8 =	vadd.s32 s8, v7;
	s25 =	sld [smem:s10+$0xFFFFFFFF]  }
0x30a: {  	s10 =	smov.u32 s20;
	v7 =	vld [tilespmem:s5+$0xFFFFFFE0];
	[tilespmem:s6+$0xFFFFFFE0] =	vst v8;
	v8 =	vadd.s32 s7, v5;
	s7 =	smov.u32 s22  }
0x30b: {  	v5 =	vld [tilespmem:s5+$0x10];
	v10 =	vadd.s32 s23, v6;
	[tilespmem:s6+$0x10] =	vst v8  }
0x30c: {  	s20 =	sadd.s32 $0x4, s20;
	s8 =	sld [smem:s10+$0xFFFFFFFE];
	v6 =	vld [tilespmem:s5+$0x0];
	v8 =	vadd.s32 s25, v9;
	[tilespmem:s6+$0x0] =	vst v10  }
0x30d: {  	s20 =	smov.u32 s10  }
0x30e: {  	s11 =	smov.u32 s7;
	s23 =	simm.s32 $0x17800;
	s25 =	simm.s32 $0x18000  }
.LBB2_88:
0x30f: {  	v9 =	vld [tilespmem:s5+$0xFFFFFFF0]  }
0x310: {  	s7 =	sld [smem:s20+$0x0]  }
0x311: {  	[tilespmem:s6+$0xFFFFFFF0] =	vst @p1 v8;
	v7 =	vadd.s32 s8, v7;
	s8 =	sld [smem:s20+$0xFFFFFFFF]  }
0x312: {  	[tilespmem:s5+$0xFFFFFFE0] =	vst v7;
	v5 =	vadd.s32 s11, v5  }
0x313: {  	[tilespmem:s5+$0x10] =	vst v5;
	v6 =	vadd.s32 s7, v6  }
0x314: {  	[tilespmem:s5+$0x0] =	vst v6;
	v5 =	vadd.s32 s8, v9  }
0x315: {  	s6 =	simm.s32 $0x8020;
	[tilespmem:s5+$0xFFFFFFF0] =	vst v5  }
0x316: {  	v5 =	vld [tilespmem:s6+$0x10]  }
0x317: {  	v6 =	vld [tilespmem:s6+$0xFFFFFFE0]  }
0x318: {  	v7 =	vld [tilespmem:s6+$0xFFFFFFF0]  }
0x319: {  	s10 =	simm.s32 $0x9020;
	v8 =	vld [tilespmem:s6+$0x0]  }
0x31a: {  	v10 =	vld [tilespmem:s10+$0x10]  }
0x31b: {  	v11 =	vld [tilespmem:s10+$0xFFFFFFE0]  }
0x31c: {  	v12 =	vld [tilespmem:s10+$0xFFFFFFF0]  }
0x31d: {  	s11 =	simm.s32 $0x2020;
	v13 =	vld [tilespmem:s10+$0x0]  }
0x31e: {  	s20 =	simm.s32 $0x3020;
	v14 =	vld [tilespmem:s11+$0x10]  }
0x31f: {  	s22 =	simm.s32 $0x8060;
	v15 =	vld [tilespmem:s20+$0x10]  }
0x320: {  	v16 =	vld [tilespmem:s22+$0x10]  }
0x321: {  	v17 =	vld [tilespmem:s22+$0xFFFFFFE0]  }
0x322: {  	v18 =	vld [tilespmem:s22+$0xFFFFFFF0]  }
0x323: {  	v9 =	vld.idx.msk [tilespmem:v5+s16+$0x0], $0xffff  }
0x324: {  	v19 =	vld [tilespmem:s22+$0x0]  }
0x325: {  	v7 =	vld.idx.msk [tilespmem:v7+s16+$0x0], $0xffff  }
0x326: {  	s5 =	simm.s32 $0x9060;
	v21 =	vld [tilespmem:s20+$0xFFFFFFF0]  }
0x327: {  	v62 =	vld [tilespmem:s5+$0x10]  }
0x328: {  	v8 =	vld.idx.msk [tilespmem:v8+s16+$0x0], $0xffff;
	v9 =	vadd.s32 v9, v10  }
0x329: {  	v63 =	vld [tilespmem:s5+$0xFFFFFFF0];
	v20 =	vshrl.u32 v9, $0x8  }
0x32a: {  	v6 =	vld.idx.msk [tilespmem:v6+s16+$0x0], $0xffff;
	v7 =	vadd.s32 v7, v12;
	v22 =	vshll.u32 v9, $0x4;
	v9 =	vadd.s32 v9, v20  }
0x32b: {  	v5 =	vld [tilespmem:s20+$0xFFFFFFE0];
	v61 =	vshrl.u32 v7, $0x8;
	v20 =	vand.u32 $0xFF0, v22;
	v9 =	vand.u32 $0xF, v9  }
0x32c: {  	v16 =	vld.idx.msk [tilespmem:v16+s16+$0x0], $0xffff;
	v9 =	vor.u32 v20, v9;
	v20 =	vshll.u32 v7, $0x4;
	v7 =	vadd.s32 v7, v61  }
0x32d: {  	v17 =	vld.idx.msk [tilespmem:v17+s16+$0x0], $0xffff;
	v8 =	vadd.s32 v8, v13;
	v7 =	vand.u32 $0xF, v7;
	v13 =	vand.u32 $0xFF0, v20  }
0x32e: {  	v18 =	vld.idx.msk [tilespmem:v18+s16+$0x0], $0xffff;
	v20 =	vor.u32 v13, v7;
	v7 =	vshrl.u32 v8, $0x8  }
0x32f: {  	v10 =	vld [tilespmem:s11+$0xFFFFFFF0];
	v13 =	vshll.u32 v8, $0x4;
	v7 =	vadd.s32 v8, v7  }
0x330: {  	v6 =	vadd.s32 v6, v11;
	v8 =	vld.idx.msk [tilespmem:v19+s16+$0x0], $0xffff;
	v11 =	vand.u32 $0xFF0, v13;
	v7 =	vand.u32 $0xF, v7  }
0x331: {  	v19 =	vld [tilespmem:s5+$0xFFFFFFE0];
	v7 =	vor.u32 v11, v7;
	v11 =	vshrl.u32 v6, $0x8  }
0x332: {  	v12 =	vld [tilespmem:s11+$0x0];
	v13 =	vadd.s32 v16, v62;
	[tilespmem:v9+s17+$0x0] =	vst.idx.msk $0xffff, v14;
	v11 =	vadd.s32 v6, v11  }
0x333: {  	v14 =	vld [tilespmem:s5+$0x0];
	v6 =	vshll.u32 v6, $0x4;
	[tilespmem:v9+s18+$0x0] =	vst.idx.msk $0xffff, v15;
	v9 =	vshrl.u32 v13, $0x8;
	v15 =	vand.u32 $0xF, v11  }
0x334: {  	[tilespmem:v20+s17+$0x0] =	vst.idx.msk $0xffff, v10;
	v10 =	vshll.u32 v13, $0x4;
	v9 =	vadd.s32 v13, v9;
	v13 =	vld [tilespmem:s20+$0x0];
	v6 =	vand.u32 $0xFF0, v6  }
0x335: {  	s7 =	simm.s32 $0x2060;
	v11 =	vld [tilespmem:s11+$0xFFFFFFE0];
	[tilespmem:v20+s18+$0x0] =	vst.idx.msk $0xffff, v21;
	v9 =	vand.u32 $0xF, v9;
	v20 =	vand.u32 $0xFF0, v10;
	v6 =	vor.u32 v6, v15  }
0x336: {  	s8 =	simm.s32 $0x3060;
	v16 =	vadd.s32 v17, v19;
	v10 =	vld [tilespmem:s7+$0x10];
	v9 =	vor.u32 v20, v9  }
0x337: {  	s10 =	simm.s32 $0x4;
	v18 =	vadd.s32 v18, v63;
	s11 =	simm.s32 $0x80A0;
	v15 =	vshll.u32 v16, $0x4;
	v17 =	vshrl.u32 v16, $0x8;
	[tilespmem:v7+s17+$0x0] =	vst.idx.msk $0xffff, v12;
	v12 =	vld [tilespmem:s8+$0x10]  }
.LBB2_89:
0x338: {  	v19 =	vld [tilespmem:s11+$0x10];
	v16 =	vadd.s32 v16, v17;
	v17 =	vshrl.u32 v18, $0x8;
	v8 =	vadd.s32 v8, v14  }
0x339: {  	s10 =	sadd.s32 $0x4, s10;
	v20 =	vshll.u32 v18, $0x4;
	v14 =	vld [tilespmem:s11+$0xFFFFFFE0];
	v17 =	vadd.s32 v18, v17;
	v18 =	vshrl.u32 v8, $0x8;
	[tilespmem:v7+s18+$0x0] =	vst.idx.msk $0xffff, v13  }
0x33a: {  	p1 =	slt.u32 s10, $0xFC;
	v7 =	vand.u32 $0xF, v16;
	v16 =	vshll.u32 v8, $0x4;
	v13 =	vld [tilespmem:s11+$0xFFFFFFF0];
	v8 =	vadd.s32 v8, v18;
	[tilespmem:v6+s17+$0x0] =	vst.idx.msk $0xffff, v11  }
0x33b: {  	v15 =	vand.u32 $0xFF0, v15;
	v17 =	vand.u32 $0xF, v17;
	v11 =	vld [tilespmem:s11+$0x0];
	v8 =	vand.u32 $0xF, v8;
	[tilespmem:v9+s17+$0x0] =	vst.idx.msk $0xffff, v10  }
0x33c: {  	v15 =	vor.u32 v15, v7;
	v7 =	vand.u32 $0xFF0, v20;
	v16 =	vand.u32 $0xFF0, v16;
	v10 =	vld [tilespmem:s8+$0xFFFFFFE0];
	[tilespmem:v9+s18+$0x0] =	vst.idx.msk $0xffff, v12  }
0x33d: {  	v12 =	vor.u32 v7, v17;
	v7 =	vor.u32 v16, v8;
	v9 =	vld [tilespmem:s7+$0xFFFFFFF0];
	[tilespmem:v6+s18+$0x0] =	vst.idx.msk $0xffff, v5;
	v6 =	vmov v15  }
0x33e: {  	v8 =	vld [tilespmem:s8+$0xFFFFFFF0]  }
0x33f: {  	v15 =	vld [tilespmem:s7+$0x0]  }
0x340: {  	s5 =	sadd.s32 $0x40, s5;
	v16 =	vld.idx.msk [tilespmem:v19+s16+$0x0], $0xffff  }
0x341: {  	v17 =	vld [tilespmem:s5+$0x10];
	v5 =	vmov v10  }
0x342: {  	v10 =	vld.idx.msk [tilespmem:v14+s16+$0x0], $0xffff;
	[tilespmem:v12+s17+$0x0] =	vst.idx.msk $0xffff, v9  }
0x343: {  	v18 =	vld.idx.msk [tilespmem:v13+s16+$0x0], $0xffff;
	[tilespmem:v12+s18+$0x0] =	vst.idx.msk $0xffff, v8  }
0x344: {  	v8 =	vld.idx.msk [tilespmem:v11+s16+$0x0], $0xffff  }
0x345: {  	v9 =	vld [tilespmem:s5+$0xFFFFFFE0]  }
0x346: {  	v12 =	vld [tilespmem:s5+$0xFFFFFFF0];
	v11 =	vadd.s32 v16, v17  }
.Ltmp49:
0x347: {  	v14 =	vld [tilespmem:s5+$0x0];
	v13 =	vshrl.u32 v11, $0x8;
	(pc) =	sbr.rel @p1 .LBB2_89-.Ltmp49, $4  }
0x348: {  	v16 =	vshll.u32 v11, $0x4;
	v11 =	vadd.s32 v11, v13;
	v13 =	vld [tilespmem:s8+$0x0];
	[tilespmem:v7+s17+$0x0] =	vst.idx.msk $0xffff, v15  }
0x349: {  	v17 =	vand.u32 $0xFF0, v16;
	v15 =	vand.u32 $0xF, v11;
	v11 =	vld [tilespmem:s7+$0xFFFFFFE0];
	s7 =	sadd.s32 $0x40, s7  }
0x34a: {  	s8 =	sadd.s32 $0x40, s8;
	v16 =	vadd.s32 v10, v9;
	v10 =	vld [tilespmem:s7+$0x10];
	v9 =	vor.u32 v17, v15  }
0x34b: {  	s11 =	sadd.s32 $0x40, s11;
	v15 =	vshll.u32 v16, $0x4;
	v17 =	vshrl.u32 v16, $0x8;
	v18 =	vadd.s32 v18, v12;
	v12 =	vld [tilespmem:s8+$0x10]  }
0x34c: {  	_ =	sdelay $0x2  }
0x34d: {  	v19 =	vshrl.u32 v18, $0x8;
	v8 =	vadd.s32 v8, v14  }
0x34e: {  	v56 =	vshll.u32 v18, $0x4;
	v16 =	vadd.s32 v16, v17;
	v57 =	vadd.s32 v18, v19;
	[tilespmem:v7+s18+$0x0] =	vst.idx.msk $0xffff, v13  }
0x34f: {  	v15 =	vand.u32 $0xFF0, v15;
	v14 =	vand.u32 $0xFF0, v56;
	v18 =	vand.u32 $0xF, v57;
	[tilespmem:v6+s17+$0x0] =	vst.idx.msk $0xffff, v11  }
0x350: {  	v59 =	vld [tilespmem:s7+$0xFFFFFFF0];
	v58 =	vshrl.u32 v8, $0x8;
	v62 =	vand.u32 $0xF, v16;
	v14 =	vor.u32 v14, v18;
	[tilespmem:v9+s17+$0x0] =	vst.idx.msk $0xffff, v10  }
0x351: {  	v7 =	vshll.u32 v8, $0x4;
	v8 =	vadd.s32 v8, v58;
	v10 =	vor.u32 v15, v62;
	[tilespmem:v6+s18+$0x0] =	vst.idx.msk $0xffff, v5;
	v5 =	vld [tilespmem:s7+$0xFFFFFFE0]  }
0x352: {  	v60 =	vld [tilespmem:s8+$0xFFFFFFF0];
	v7 =	vand.u32 $0xFF0, v7;
	v8 =	vand.u32 $0xF, v8  }
0x353: {  	v61 =	vld [tilespmem:s7+$0x0];
	v7 =	vor.u32 v7, v8  }
0x354: {  	v6 =	vld [tilespmem:s8+$0xFFFFFFE0];
	[tilespmem:v9+s18+$0x0] =	vst.idx.msk $0xffff, v12  }
0x355: {  	v63 =	vld [tilespmem:s8+$0x0];
	[tilespmem:v14+s17+$0x0] =	vst.idx.msk $0xffff, v59  }
0x356: {  	p2 =	por $0x1, $0x1;
	[tilespmem:v10+s17+$0x0] =	vst.idx.msk $0xffff, v5  }
.Ltmp50:
0x357: {  	[tilespmem:v14+s18+$0x0] =	vst.idx.msk $0xffff, v60;
	(pc) =	sbr.rel @!p2 .LBB2_91-.Ltmp50, $4  }
0x358: {  	[tilespmem:v7+s17+$0x0] =	vst.idx.msk $0xffff, v61  }
0x359: {  	[tilespmem:v10+s18+$0x0] =	vst.idx.msk $0xffff, v6  }
0x35a: {  	s5 =	simm.s32 $0x4020;
	[tilespmem:v7+s18+$0x0] =	vst.idx.msk $0xffff, v63  }
0x35b: {  	s10 =	simm.s32 $0x0;
	p1 =	por $0x0, $0x0;
	s8 =	simm.s32 $0x4;
	v5 =	vld [tilespmem:s5+$0x10]  }
0x35c: {  	v8 =	vld [tilespmem:s5+$0xFFFFFFF0];
	s7 =	simm.s32 $0x1  }
0x35d: {  	v6 =	vmov s10;
	v9 =	vld [tilespmem:s5+$0x0];
	s20 =	simm.s32 $0x2;
	v7 =	vmov s7  }
0x35e: {  	v10 =	vld [tilespmem:s5+$0xFFFFFFE0];
	s22 =	simm.s32 $0x3;
	p2 =	por $0x1, $0x1;
	v6 =	vsub.s32 v1, v6;
	v11 =	vmov s20;
	v7 =	vsub.s32 v1, v7  }
.Ltmp51:
0x35f: {  	v12 =	vand.u32 $0xF, v7;
	v7 =	vsub.s32 v1, v11;
	v11 =	vmov s22;
	(pc) =	sbr.rel @!p2 .LBB2_93-.Ltmp51, $4  }
0x360: {  	v7 =	vand.u32 $0xF, v7;
	v11 =	vsub.s32 v1, v11;
	v5 =	vshrl.u32 v5, $0x14  }
0x361: {  	v8 =	vshrl.u32 v8, $0x14;
	v11 =	vand.u32 $0xF, v11;
	v5 =	vand.u32 $0xFF0, v5  }
0x362: {  	s5 =	simm.s32 $0x4060;
	v13 =	vshrl.u32 v9, $0x14;
	v8 =	vand.u32 $0xFF0, v8;
	v11 =	vor.u32 v11, v5  }
0x363: {  	s10 =	simm.s32 $0x8;
	p1 =	por $0x1, $0x1;
	s7 =	simm.s32 $0x8020;
	v9 =	vshrl.u32 v10, $0x14;
	v5 =	vld [tilespmem:s5+$0x10];
	v10 =	vand.u32 $0xFF0, v13;
	v8 =	vor.u32 v12, v8;
	[tilespmem:s6+$0x10] =	vst v11  }
.LBB2_94:
0x364: {  	p2 =	slt.u32 s10, $0xFC;
	v11 =	vld [tilespmem:s5+$0xFFFFFFF0];
	s11 =	sadd.s32 $0x1, s8;
	v6 =	vand.u32 $0xF, v6;
	v9 =	vand.u32 $0xFF0, v9;
	[tilespmem:s7+$0xFFFFFFF0] =	vst v8;
	v7 =	vor.u32 v7, v10  }
0x365: {  	v8 =	vmov s8;
	v10 =	vmov s11;
	v12 =	vld [tilespmem:s5+$0x0];
	s11 =	sadd.s32 $0x2, s8;
	v9 =	vor.u32 v6, v9;
	[tilespmem:s7+$0x0] =	vst v7  }
0x366: {  	v6 =	vsub.s32 v1, v8;
	v13 =	vld [tilespmem:s5+$0xFFFFFFE0];
	v7 =	vsub.s32 v1, v10;
	v8 =	vmov s11;
	s11 =	sadd.s32 $0x3, s8;
	[tilespmem:s7+$0xFFFFFFE0] =	vst v9;
	s8 =	smov.u32 s10  }
.Ltmp52:
0x367: {  	v10 =	vand.u32 $0xF, v7;
	v7 =	vsub.s32 v1, v8;
	v8 =	vmov s11;
	(pc) =	sbr.rel @p2 .LBB2_94-.Ltmp52, $4  }
0x368: {  	v7 =	vand.u32 $0xF, v7;
	v8 =	vsub.s32 v1, v8;
	v5 =	vshrl.u32 v5, $0x14  }
0x369: {  	v9 =	vshrl.u32 v11, $0x14;
	v8 =	vand.u32 $0xF, v8;
	v5 =	vand.u32 $0xFF0, v5  }
0x36a: {  	s5 =	sadd.s32 $0x40, s5;
	s7 =	sadd.s32 $0x40, s7;
	v11 =	vand.u32 $0xFF0, v9;
	v12 =	vshrl.u32 v12, $0x14;
	v14 =	vor.u32 v8, v5  }
0x36b: {  	s10 =	sadd.s32 $0x4, s10;
	v5 =	vld [tilespmem:s5+$0x10];
	v9 =	vshrl.u32 v13, $0x14;
	v8 =	vor.u32 v10, v11;
	v10 =	vand.u32 $0xFF0, v12;
	[tilespmem:s7+$0x10] =	vst v14  }
0x36c: {  	s10 =	smov.u32 s8  }
.LBB2_96:
0x36d: {  	v11 =	vld [tilespmem:s5+$0xFFFFFFF0]  }
0x36e: {  	s8 =	sadd.s32 $0x1, s10;
	v6 =	vand.u32 @p1 $0xF, v6;
	v9 =	vand.u32 @p1 $0xFF0, v9;
	v7 =	vor.u32 @p1 v7, v10;
	v13 =	vld [tilespmem:s5+$0x0]  }
0x36f: {  	v59 =	vmov s10;
	s20 =	sadd.s32 $0x2, s10;
	v60 =	vld [tilespmem:s5+$0xFFFFFFE0];
	s22 =	sadd.s32 $0x3, s10;
	v12 =	vmov s8;
	v6 =	vor.u32 @p1 v6, v9  }
0x370: {  	v10 =	vsub.s32 v1, v59;
	v14 =	vmov s20;
	v15 =	vmov s22  }
0x371: {  	v12 =	vsub.s32 v1, v12;
	v62 =	vsub.s32 v1, v15;
	v5 =	vshrl.u32 v5, $0x14  }
0x372: {  	[tilespmem:s7+$0xFFFFFFF0] =	vst @p1 v8;
	v14 =	vsub.s32 v1, v14;
	v63 =	vand.u32 $0xF, v62;
	v5 =	vand.u32 $0xFF0, v5  }
0x373: {  	s5 =	sadd.s32 @p1 $0x40, s7;
	[tilespmem:s7+$0x0] =	vst @p1 v7;
	v12 =	vand.u32 $0xF, v12;
	v7 =	vshrl.u32 v11, $0x14;
	v5 =	vor.u32 v63, v5  }
0x374: {  	s6 =	smov.u32 @p1 s5;
	[tilespmem:s7+$0xFFFFFFE0] =	vst @p1 v6;
	v9 =	vshrl.u32 v60, $0x14;
	v6 =	vand.u32 $0xFF0, v7;
	v7 =	vshrl.u32 v13, $0x14  }
0x375: {  	[tilespmem:s6+$0x10] =	vst v5;
	v5 =	vand.u32 $0xF, v10;
	v9 =	vand.u32 $0xFF0, v9;
	v6 =	vor.u32 v12, v6  }
0x376: {  	v61 =	vand.u32 $0xF, v14;
	v7 =	vand.u32 $0xFF0, v7;
	v5 =	vor.u32 v5, v9;
	[tilespmem:s6+$0xFFFFFFF0] =	vst v6  }
0x377: {  	v6 =	vor.u32 v61, v7;
	[tilespmem:s6+$0xFFFFFFE0] =	vst v5  }
0x378: {  	s10 =	simm.s32 $0xFFFFFFFC;
	s11 =	simm.s32 $0x9020;
	s5 =	simm.s32 $0x8020;
	[tilespmem:s6+$0x0] =	vst v6  }
.LBB2_97:
0x379: {  	v5 =	vld [tilespmem:s5+$0xFFFFFFE0];
	_ =	sdelay $0x7  }
0x37a: {  	v6 =	vld.idx.msk [tilespmem:v5+s15+$0x0], $0xffff;
	_ =	sdelay $0x4  }
0x37b: {  	[tilespmem:s11+$0xFFFFFFE0] =	vst v6  }
0x37c: {  	[tilespmem:v5+s15+$0x0] =	vst.idx.add.s32.msk $0xffff, v4  }
0x37d: {  	v5 =	vld [tilespmem:s5+$0xFFFFFFF0];
	_ =	sdelay $0x7  }
0x37e: {  	v6 =	vld.idx.msk [tilespmem:v5+s15+$0x0], $0xffff;
	_ =	sdelay $0x4  }
0x37f: {  	[tilespmem:s11+$0xFFFFFFF0] =	vst v6  }
0x380: {  	[tilespmem:v5+s15+$0x0] =	vst.idx.add.s32.msk $0xffff, v4  }
0x381: {  	v5 =	vld [tilespmem:s5+$0x0];
	_ =	sdelay $0x7  }
0x382: {  	v6 =	vld.idx.msk [tilespmem:v5+s15+$0x0], $0xffff;
	_ =	sdelay $0x4  }
0x383: {  	[tilespmem:s11+$0x0] =	vst v6  }
0x384: {  	[tilespmem:v5+s15+$0x0] =	vst.idx.add.s32.msk $0xffff, v4  }
0x385: {  	v5 =	vld [tilespmem:s5+$0x10];
	_ =	sdelay $0x7  }
0x386: {  	s10 =	sadd.s32 $0x4, s10;
	v6 =	vld.idx.msk [tilespmem:v5+s15+$0x0], $0xffff  }
0x387: {  	p1 =	slt.u32 s10, $0xFC  }
.Ltmp53:
0x388: {  	_ = 	snop;
	(pc) =	sbr.rel @p1 .LBB2_97-.Ltmp53, $3  }
0x389: {  	_ =	sdelay $0x1  }
0x38a: {  	s6 =	simm.s32 $0x2;
	s8 =	simm.s32 $0x6020;
	[tilespmem:s11+$0x10] =	vst v6  }
0x38b: {  	s7 =	simm.s32 $0x7020;
	s5 =	sadd.s32 $0x40, s5;
	s11 =	sadd.s32 $0x40, s11;
	[tilespmem:v5+s15+$0x0] =	vst.idx.add.s32.msk $0xffff, v4  }
0x38c: {  	v10 =	vld [tilespmem:s8+$0xFFFFFFE0]  }
0x38d: {  	v7 =	vld [tilespmem:s8+$0xFFFFFFF0]  }
0x38e: {  	v5 =	vld [tilespmem:s8+$0x0];
	p4 =	por $0x1, $0x1  }
.Ltmp54:
0x38f: {  	_ = 	snop;
	(pc) =	sbr.rel @!p4 .LBB2_99-.Ltmp54, $4  }
0x390: {  	_ = 	snop  }
0x391: {  	(xrf0) =	vadd.scan.msk.s32 $0xffff, v10  }
0x392: {  	s5 =	simm.s32 $0x6060;
	(xrf0) =	vadd.scan.msk.s32 $0xffff, v7  }
0x393: {  	v6 =	vld [tilespmem:s8+$0x10];
	p2 =	por $0x0, $0x0;
	p3 =	por $0x0, $0x0;
	p1 =	por $0x0, $0x0;
	(xrf0) =	vadd.scan.msk.s32 $0xffff, v5  }
0x394: {  	_ =	sdelay $0x3  }
0x395: {  	v12 =	vld [tilespmem:s5+$0xFFFFFFE0];
	(xrf0) =	vadd.scan.msk.s32 $0xffff, v6  }
0x396: {  	v13 =	vld [tilespmem:s5+$0xFFFFFFF0];
	v8, _, _ =	vpop (xrf0)  }
0x397: {  	v11 =	vld [tilespmem:s5+$0x0];
	p4 =	por $0x1, $0x1;
	v9 =	vsub.s32 v8, v10  }
.Ltmp55:
0x398: {  	_ = 	snop;
	(pc) =	sbr.rel @!p4 .LBB2_101-.Ltmp55, $4  }
0x399: {  	(v2sf) =	vpush v8, $0xF;
	v8, _, _ =	vpop (xrf0)  }
0x39a: {  	(xrf0) =	vadd.scan.msk.s32 $0xffff, v12;
	[tilespmem:s7+$0xFFFFFFE0] =	vst v9;
	v7 =	vsub.s32 v8, v7;
	(v2sf) =	vpush v8, $0xF;
	v9, _, _ =	vpop (xrf0)  }
0x39b: {  	(xrf0) =	vadd.scan.msk.s32 $0xffff, v13;
	[tilespmem:s8+$0xFFFFFFE0] =	vst v3;
	v8 =	vsub.s32 v9, v5;
	(v2sf) =	vpush v9, $0xF;
	v5, _, _ =	vpop (xrf0)  }
0x39c: {  	v14 =	vld [tilespmem:s5+$0x10];
	s10 =	simm.s32 $0x60A0;
	p2 =	por $0x1, $0x1;
	[tilespmem:s7+$0xFFFFFFF0] =	vst v7;
	(xrf0) =	vadd.scan.msk.s32 $0xffff, v11;
	v9 =	vsub.s32 v5, v6;
	(v2sf) =	vpush v5, $0xF  }
0x39d: {  	_ =	sdelay $0x3  }
0x39e: {  	(xrf0) =	vadd.scan.msk.s32 $0xffff, v14;
	_ =	sdelay $0x2  }
0x39f: {  	v6, _, _ =	vpop (xrf0)  }
0x3a0: {  	[tilespmem:s7+$0x0] =	vst v8;
	v8 =	vsub.s32 v6, v12;
	(v2sf) =	vpush v6, $0xF;
	v6, _, _ =	vpop (xrf0)  }
0x3a1: {  	[tilespmem:s7+$0x10] =	vst v9;
	s22 =	simm.s32 $0x7060;
	v9 =	vsub.s32 v6, v13;
	(v2sf) =	vpush v6, $0xF;
	v6, _, _ =	vpop (xrf0)  }
0x3a2: {  	[tilespmem:s22+$0xFFFFFFE0] =	vst v8;
	v8 =	vsub.s32 v6, v11;
	(v2sf) =	vpush v6, $0xF;
	v11, _, _ =	vpop (xrf0)  }
0x3a3: {  	(v2sf) =	vpush v11, $0xF  }
0x3a4: {  	v10 =	vld [tilespmem:s10+$0xFFFFFFE0]  }
0x3a5: {  	v7 =	vld [tilespmem:s10+$0xFFFFFFF0]  }
0x3a6: {  	v5 =	vld [tilespmem:s10+$0x0];
	p4 =	por $0x1, $0x1  }
.Ltmp56:
0x3a7: {  	[tilespmem:s8+$0xFFFFFFF0] =	vst v3;
	(pc) =	sbr.rel @!p4 .LBB2_103-.Ltmp56, $4  }
0x3a8: {  	[tilespmem:s8+$0x0] =	vst v3  }
0x3a9: {  	[tilespmem:s8+$0x10] =	vst v3;
	(xrf0) =	vadd.scan.msk.s32 $0xffff, v10  }
0x3aa: {  	(xrf0) =	vadd.scan.msk.s32 $0xffff, v7;
	[tilespmem:s5+$0xFFFFFFE0] =	vst v3  }
0x3ab: {  	p3 =	por $0x1, $0x1;
	s8 =	simm.s32 $0x60E0;
	v6 =	vld [tilespmem:s10+$0x10];
	[tilespmem:s22+$0xFFFFFFF0] =	vst v9;
	(xrf0) =	vadd.scan.msk.s32 $0xffff, v5;
	v9 =	vsub.s32 v11, v14  }
0x3ac: {  	_ =	sdelay $0x2  }
0x3ad: {  	[tilespmem:s5+$0xFFFFFFF0] =	vst v3  }
0x3ae: {  	v13 =	vld [tilespmem:s8+$0xFFFFFFE0];
	[tilespmem:s22+$0x0] =	vst v8;
	(xrf0) =	vadd.scan.msk.s32 $0xffff, v6  }
0x3af: {  	v11 =	vld [tilespmem:s8+$0xFFFFFFF0];
	[tilespmem:s22+$0x10] =	vst v9;
	v8, _, _ =	vpop (xrf0)  }
0x3b0: {  	v12 =	vld [tilespmem:s8+$0x0];
	s11 =	spop (v2sf);
	[tilespmem:s5+$0x0] =	vst v3;
	(v2sf) =	vpush v8, $0xF;
	v8 =	vsub.s32 v8, v10  }
0x3b1: {  	v14 =	vld [tilespmem:s8+$0x10];
	[tilespmem:s5+$0x10] =	vst v3;
	v9, _, _ =	vpop (xrf0);
	[smem:$0x0] =	sst s11  }
0x3b2: {  	s22 =	simm.s32 $0x70A0;
	s20 =	spop (v2sf)  }
0x3b3: {  	(xrf0) =	vadd.scan.msk.s32 $0xffff, v13;
	[tilespmem:s22+$0xFFFFFFE0] =	vst v8;
	(v2sf) =	vpush v9, $0xF;
	v8, _, _ =	vpop (xrf0);
	[smem:$0x1] =	sst s20  }
0x3b4: {  	v7 =	vsub.s32 v9, v7;
	(v2sf) =	vpush v8, $0xF;
	v9, _, _ =	vpop (xrf0)  }
0x3b5: {  	(v2sf) =	vpush v9, $0xF;
	_ =	sdelay $0x1  }
0x3b6: {  	p5 =	por $0x1, $0x1  }
.Ltmp57:
0x3b7: {  	_ = 	snop;
	(pc) =	sbr.rel @!p5 .LBB2_105-.Ltmp57, $4  }
0x3b8: {  	_ = 	snop  }
0x3b9: {  	p4 =	por $0x1, $0x1;
	s5 =	simm.s32 $0xC;
	s23 =	spop (v2sf)  }
0x3ba: {  	s11 =	simm.s32 $0x2;
	[tilespmem:s10+$0xFFFFFFE0] =	vst v3;
	(xrf0) =	vadd.scan.msk.s32 $0xffff, v11;
	[smem:s6] =	sst s23;
	s25 =	spop (v2sf)  }
0x3bb: {  	[tilespmem:s22+$0xFFFFFFF0] =	vst v7;
	s20 =	simm.s32 $0x70A0;
	v8 =	vsub.s32 v8, v5;
	(xrf0) =	vadd.scan.msk.s32 $0xffff, v12;
	s23 =	simm.s32 $0x6120;
	[smem:$0x3] =	sst s25;
	v9 =	vsub.s32 v9, v6  }
.LBB2_106:
0x3bc: {  	v5 =	vld [tilespmem:s23+$0xFFFFFFE0];
	(xrf0) =	vadd.scan.msk.s32 $0xffff, v14;
	[tilespmem:s10+$0xFFFFFFF0] =	vst v3;
	v6 =	vmovc v11;
	v7 =	vmov v12;
	v10 =	vmov v14;
	s25 =	smov.u32 s10;
	s10 =	smov.u32 s8;
	s8 =	smov.u32 s23  }
0x3bd: {  	s5 =	sadd.s32 $0x4, s5;
	v11 =	vld [tilespmem:s23+$0xFFFFFFF0];
	[tilespmem:s22+$0x0] =	vst v8  }
0x3be: {  	s22 =	sadd.s32 $0x40, s22;
	p5 =	slt.u32 s5, $0xFC;
	v12 =	vld [tilespmem:s23+$0x0];
	[tilespmem:s25+$0x0] =	vst v3  }
.Ltmp58:
0x3bf: {  	s11 =	sadd.s32 $0x4, s11;
	v14 =	vld [tilespmem:s23+$0x10];
	v8, _, _ =	vpop (xrf0);
	[tilespmem:s20+$0x10] =	vst v9;
	s20 =	spop (v2sf);
	(pc) =	sbr.rel @p5 .LBB2_106-.Ltmp58, $4  }
0x3c0: {  	v13 =	vsub.s32 v8, v13;
	(v2sf) =	vpush v8, $0xF;
	v8, _, _ =	vpop (xrf0);
	[tilespmem:s25+$0x10] =	vst v3;
	[smem:s11+$0xFFFFFFFE] =	sst s20;
	s20 =	spop (v2sf)  }
0x3c1: {  	(xrf0) =	vadd.scan.msk.s32 $0xffff, v5;
	[tilespmem:s22+$0xFFFFFFE0] =	vst v13;
	v6 =	vsub.s32 v8, v6;
	(v2sf) =	vpush v8, $0xF;
	v9, _, _ =	vpop (xrf0);
	[smem:s11+$0xFFFFFFFF] =	sst s20;
	s25 =	spop (v2sf);
	s20 =	smov.u32 s22  }
0x3c2: {  	(xrf0) =	vadd.scan.msk.s32 $0xffff, v11;
	[tilespmem:s10+$0xFFFFFFE0] =	vst v3;
	v8 =	vsub.s32 v9, v7;
	(v2sf) =	vpush v9, $0xF;
	v7, _, _ =	vpop (xrf0);
	[smem:s11] =	sst s25;
	s25 =	spop (v2sf)  }
0x3c3: {  	s23 =	sadd.s32 $0x40, s23;
	(xrf0) =	vadd.scan.msk.s32 $0xffff, v12;
	[tilespmem:s22+$0xFFFFFFF0] =	vst v6;
	v9 =	vsub.s32 v7, v10;
	(v2sf) =	vpush v7, $0xF;
	[smem:s11+$0x1] =	sst s25;
	v13 =	vmovc v5  }
0x3c4: {  	v6 =	vmovc v14;
	s5 =	smov.u32 s10;
	v7 =	vmov v11;
	v5 =	vmov v12;
	v10 =	vmov v13;
	s23 =	simm.s32 $0x17800;
	s25 =	simm.s32 $0x18000  }
.LBB2_108:
0x3c5: {  	(xrf0) =	vadd.scan.msk.s32 $0xffff, v6;
	_ =	sdelay $0x2  }
0x3c6: {  	v11, _, _ =	vpop (xrf0)  }
0x3c7: {  	(v2sf) =	vpush v11, $0xF;
	v12, _, _ =	vpop (xrf0)  }
0x3c8: {  	(v2sf) =	vpush v12, $0xF;
	v13, _, _ =	vpop (xrf0)  }
0x3c9: {  	(v2sf) =	vpush v13, $0xF;
	v14, _, _ =	vpop (xrf0)  }
0x3ca: {  	[tilespmem:s22+$0x0] =	vst @p2 v8;
	(v2sf) =	vpush v14, $0xF  }
0x3cb: {  	s10 =	sadd.s32 @p2 $0x40, s22;
	[tilespmem:s20+$0x10] =	vst @p2 v9;
	s11 =	sadd.s32 @p4 $0x4, s11;
	s20 =	simm.s32 $0x2  }
0x3cc: {  	[tilespmem:s5+$0xFFFFFFF0] =	vst @p2 v3;
	s7 =	smov.u32 @p2 s10;
	s10 =	spop @p3 (v2sf);
	s20 =	smov.u32 @p4 s11  }
0x3cd: {  	[tilespmem:s5+$0x0] =	vst @p2 v3;
	s11 =	spop @p3 (v2sf);
	[smem:s20+$0xFFFFFFFE] =	sst @p3 s10  }
0x3ce: {  	[tilespmem:s5+$0x10] =	vst @p2 v3;
	s5 =	sadd.s32 @p3 $0x4, s20;
	v63 =	vsub.s32 v11, v10;
	s10 =	spop @p3 (v2sf);
	[smem:s20+$0xFFFFFFFF] =	sst @p3 s11  }
0x3cf: {  	[tilespmem:s7+$0xFFFFFFE0] =	vst v63;
	s11 =	spop @p3 (v2sf);
	[smem:s20] =	sst @p3 s10;
	s10 =	simm.s32 $0x2  }
0x3d0: {  	v7 =	vsub.s32 v12, v7;
	[tilespmem:s8+$0xFFFFFFE0] =	vst v3;
	[smem:s20+$0x1] =	sst @p3 s11;
	s10 =	smov.u32 @p3 s5;
	s11 =	spop @p2 (v2sf)  }
0x3d1: {  	[tilespmem:s7+$0xFFFFFFF0] =	vst v7;
	[smem:s10+$0xFFFFFFFE] =	sst @p2 s11;
	s5 =	spop @p2 (v2sf)  }
0x3d2: {  	v5 =	vsub.s32 v13, v5;
	[tilespmem:s8+$0xFFFFFFF0] =	vst v3;
	[smem:s10+$0xFFFFFFFF] =	sst @p2 s5;
	s5 =	spop @p2 (v2sf)  }
0x3d3: {  	[tilespmem:s7+$0x0] =	vst v5;
	v5 =	vsub.s32 v14, v6;
	[smem:s10] =	sst @p2 s5;
	s5 =	spop @p2 (v2sf)  }
0x3d4: {  	[tilespmem:s7+$0x10] =	vst v5;
	s7 =	simm.s32 $0x2;
	[smem:s10+$0x1] =	sst @p2 s5;
	s5 =	sadd.s32 @p2 $0x4, s10  }
0x3d5: {  	[tilespmem:s8+$0x0] =	vst v3;
	s7 =	smov.u32 @p2 s5;
	p2 =	por $0x1, $0x1  }
.Ltmp59:
0x3d6: {  	[tilespmem:s8+$0x10] =	vst v3;
	s10 =	spop (v2sf);
	(pc) =	sbr.rel @!p2 .LBB2_109-.Ltmp59, $4  }
0x3d7: {  	[smem:s7+$0xFFFFFFFE] =	sst s10;
	s11 =	spop (v2sf)  }
0x3d8: {  	[smem:s7+$0xFFFFFFFF] =	sst s11;
	s20 =	spop (v2sf)  }
0x3d9: {  	[smem:s7] =	sst s20;
	s22 =	spop (v2sf)  }
0x3da: {  	s5 =	simm.s32 $0x0;
	[smem:s7+$0x1] =	sst s22  }
0x3db: {  	s7 =	sld [smem:$0x0]  }
0x3dc: {  	[smem:$0x0] =	sst s5  }
0x3dd: {  	s8 =	sld [smem:$0x1]  }
0x3de: {  	s7 =	sadd.s32 $0x0, s7  }
0x3df: {  	p3 =	por $0x1, $0x1;
	[smem:$0x1] =	sst s7  }
.Ltmp60:
0x3e0: {  	s11 =	sadd.s32 s7, s8;
	s10 =	sld [smem:$0x2];
	(pc) =	sbr.rel @!p3 .LBB2_112-.Ltmp60, $4  }
0x3e1: {  	[smem:s6] =	sst s11  }
0x3e2: {  	s8 =	sld [smem:$0x3]  }
0x3e3: {  	p1 =	por $0x1, $0x1;
	s22 =	simm.s32 $0x17000;
	s10 =	sadd.s32 s11, s10  }
0x3e4: {  	s7 =	simm.s32 $0x4;
	s6 =	simm.s32 $0x6;
	[smem:$0x3] =	sst s10  }
.LBB2_111:
0x3e5: {  	s7 =	sadd.s32 $0x4, s7;
	s11 =	sld [smem:s6+$0xFFFFFFFE];
	s8 =	sadd.s32 s10, s8  }
0x3e6: {  	p3 =	slt.u32 s7, $0xFC;
	[smem:s6+$0xFFFFFFFE] =	sst s8  }
0x3e7: {  	s10 =	sld [smem:s6+$0xFFFFFFFF]  }
0x3e8: {  	s8 =	sadd.s32 s8, s11  }
0x3e9: {  	[smem:s6+$0xFFFFFFFF] =	sst s8  }
.Ltmp61:
0x3ea: {  	s10 =	sadd.s32 s8, s10;
	s11 =	sld [smem:s6+$0x0];
	(pc) =	sbr.rel @p3 .LBB2_111-.Ltmp61, $4  }
0x3eb: {  	[smem:s6] =	sst s10  }
0x3ec: {  	s8 =	sld [smem:s6+$0x1]  }
0x3ed: {  	s10 =	sadd.s32 s10, s11  }
0x3ee: {  	[smem:s6+$0x1] =	sst s10;
	s6 =	sadd.s32 $0x4, s6  }
.LBB2_112:
0x3ef: {  	s7 =	sld [smem:s6+$0xFFFFFFFE];
	s8 =	sadd.s32 @p1 s10, s8  }
0x3f0: {  	s5 =	smov.u32 @p1 s8  }
0x3f1: {  	[smem:s6+$0xFFFFFFFE] =	sst s5  }
0x3f2: {  	s11 =	sld [smem:s6+$0xFFFFFFFF];
	s5 =	sadd.s32 s5, s7  }
0x3f3: {  	[smem:s6+$0xFFFFFFFF] =	sst s5  }
0x3f4: {  	s20 =	sld [smem:s6+$0x0];
	_ =	sdelay $0x1  }
0x3f5: {  	s5 =	sadd.s32 s5, s11  }
.Ltmp62:
0x3f6: {  	[smem:s6] =	sst s5;
	s5 =	sadd.s32 s5, s20;
	(pc) =	sbr.rel @!p2 .LBB2_113-.Ltmp62, $4  }
0x3f7: {  	[smem:s6+$0x1] =	sst s5;
	s6 =	simm.s32 $0x7020  }
0x3f8: {  	s11 =	sld [smem:$0x3];
	v7 =	vld [tilespmem:s6+$0xFFFFFFE0]  }
0x3f9: {  	s10 =	simm.s32 $0x6;
	v5 =	vld [tilespmem:s6+$0x10]  }
0x3fa: {  	p1 =	por $0x0, $0x0;
	s20 =	simm.s32 $0x2;
	s8 =	sld [smem:$0x0];
	v6 =	vld [tilespmem:s6+$0x0]  }
0x3fb: {  	s7 =	sld [smem:$0x7];
	v8 =	vld [tilespmem:s6+$0xFFFFFFF0];
	p2 =	por $0x1, $0x1  }
.Ltmp63:
0x3fc: {  	s20 =	sld [smem:$0x2];
	(pc) =	sbr.rel @!p2 .LBB2_115-.Ltmp63, $4  }
0x3fd: {  	s5 =	simm.s32 $0x7060;
	v9 =	vadd.s32 s8, v7;
	s22 =	sld [smem:$0x1]  }
0x3fe: {  	v7 =	vld [tilespmem:s5+$0xFFFFFFE0];
	[tilespmem:s6+$0xFFFFFFE0] =	vst v9;
	v9 =	vadd.s32 s11, v5  }
0x3ff: {  	p1 =	por $0x1, $0x1;
	v5 =	vld [tilespmem:s5+$0x10];
	[tilespmem:s6+$0x10] =	vst v9;
	v9 =	vadd.s32 s20, v6  }
0x400: {  	s11 =	simm.s32 $0x4;
	s20 =	simm.s32 $0xA;
	s8 =	sld [smem:$0x4];
	v6 =	vld [tilespmem:s5+$0x0];
	v8 =	vadd.s32 s22, v8;
	[tilespmem:s6+$0x0] =	vst v9  }
.LBB2_116:
0x401: {  	s11 =	sadd.s32 $0x4, s11  }
0x402: {  	s22 =	sld [smem:s20+$0x1];
	v9 =	vld [tilespmem:s5+$0xFFFFFFF0];
	[tilespmem:s6+$0xFFFFFFF0] =	vst v8;
	p2 =	slt.u32 s11, $0xFC  }
.Ltmp64:
0x403: {  	s23 =	sld [smem:s10+$0x0];
	(pc) =	sbr.rel @p2 .LBB2_116-.Ltmp64, $4  }
0x404: {  	s6 =	smov.u32 s5;
	s5 =	sadd.s32 $0x40, s5;
	v8 =	vadd.s32 s8, v7;
	s25 =	sld [smem:s10+$0xFFFFFFFF]  }
0x405: {  	s10 =	smov.u32 s20;
	v7 =	vld [tilespmem:s5+$0xFFFFFFE0];
	[tilespmem:s6+$0xFFFFFFE0] =	vst v8;
	v8 =	vadd.s32 s7, v5;
	s7 =	smov.u32 s22  }
0x406: {  	v5 =	vld [tilespmem:s5+$0x10];
	v10 =	vadd.s32 s23, v6;
	[tilespmem:s6+$0x10] =	vst v8  }
0x407: {  	s20 =	sadd.s32 $0x4, s20;
	s8 =	sld [smem:s10+$0xFFFFFFFE];
	v6 =	vld [tilespmem:s5+$0x0];
	v8 =	vadd.s32 s25, v9;
	[tilespmem:s6+$0x0] =	vst v10  }
0x408: {  	s20 =	smov.u32 s10;
	s11 =	smov.u32 s7  }
0x409: {  	s22 =	simm.s32 $0x17000;
	s23 =	simm.s32 $0x17800;
	s25 =	simm.s32 $0x18000  }
.LBB2_118:
0x40a: {  	v9 =	vld [tilespmem:s5+$0xFFFFFFF0]  }
0x40b: {  	s7 =	sld [smem:s20+$0x0]  }
0x40c: {  	[tilespmem:s6+$0xFFFFFFF0] =	vst @p1 v8;
	v7 =	vadd.s32 s8, v7;
	s10 =	sld [smem:s20+$0xFFFFFFFF]  }
0x40d: {  	[tilespmem:s5+$0xFFFFFFE0] =	vst v7;
	v5 =	vadd.s32 s11, v5  }
0x40e: {  	[tilespmem:s5+$0x10] =	vst v5;
	v6 =	vadd.s32 s7, v6  }
0x40f: {  	[tilespmem:s5+$0x0] =	vst v6;
	v5 =	vadd.s32 s10, v9  }
0x410: {  	s20 =	simm.s32 $0x8020;
	[tilespmem:s5+$0xFFFFFFF0] =	vst v5  }
0x411: {  	v5 =	vld [tilespmem:s20+$0x10];
	_ =	sdelay $0x2  }
0x412: {  	v6 =	vld [tilespmem:s20+$0xFFFFFFE0]  }
0x413: {  	v7 =	vld [tilespmem:s20+$0xFFFFFFF0]  }
0x414: {  	v9 =	vld [tilespmem:s20+$0x0]  }
0x415: {  	s6 =	simm.s32 $0x9020  }
0x416: {  	v10 =	vld [tilespmem:s6+$0x10]  }
0x417: {  	v5 =	vld.idx.msk [tilespmem:v5+s16+$0x0], $0xffff  }
0x418: {  	s5 =	simm.s32 $0x4020;
	v14 =	vld [tilespmem:s6+$0xFFFFFFE0]  }
0x419: {  	v15 =	vld [tilespmem:s5+$0x10]  }
0x41a: {  	v6 =	vld.idx.msk [tilespmem:v6+s16+$0x0], $0xffff  }
0x41b: {  	v8 =	vld.idx.msk [tilespmem:v7+s16+$0x0], $0xffff  }
0x41c: {  	s7 =	simm.s32 $0x5020;
	v7 =	vld.idx.msk [tilespmem:v9+s16+$0x0], $0xffff;
	v9 =	vadd.s32 v5, v10  }
0x41d: {  	v11 =	vld [tilespmem:s7+$0x10]  }
0x41e: {  	v13 =	vld [tilespmem:s6+$0xFFFFFFF0]  }
0x41f: {  	v12 =	vld [tilespmem:s6+$0x0]  }
0x420: {  	v5 =	vld [tilespmem:s7+$0xFFFFFFE0]  }
0x421: {  	s8 =	simm.s32 $0x0;
	s10 =	simm.s32 $0x8060;
	v6 =	vadd.s32 v6, v14;
	v10 =	vld [tilespmem:s5+$0xFFFFFFF0];
	[tilespmem:v9+s14+$0x0] =	vst.idx.msk $0xffff, v15  }
.LBB2_119:
0x422: {  	v14 =	vld [tilespmem:s10+$0x10];
	[tilespmem:v9+s19+$0x0] =	vst.idx.msk $0xffff, v11  }
0x423: {  	s8 =	sadd.s32 $0x4, s8;
	v9 =	vld [tilespmem:s10+$0xFFFFFFE0];
	v8 =	vadd.s32 v8, v13  }
0x424: {  	p1 =	slt.u32 s8, $0xFC;
	v11 =	vld [tilespmem:s10+$0xFFFFFFF0];
	v7 =	vadd.s32 v7, v12  }
0x425: {  	v12 =	vld [tilespmem:s10+$0x0]  }
0x426: {  	v13 =	vld [tilespmem:s7+$0xFFFFFFF0]  }
0x427: {  	v15 =	vld [tilespmem:s5+$0x0]  }
0x428: {  	[tilespmem:v8+s14+$0x0] =	vst.idx.msk $0xffff, v10;
	v10 =	vld [tilespmem:s7+$0x0]  }
0x429: {  	v16 =	vld [tilespmem:s5+$0xFFFFFFE0]  }
0x42a: {  	s6 =	sadd.s32 $0x40, s6;
	v14 =	vld.idx.msk [tilespmem:v14+s16+$0x0], $0xffff  }
0x42b: {  	v17 =	vld [tilespmem:s6+$0x10];
	[tilespmem:v8+s19+$0x0] =	vst.idx.msk $0xffff, v13  }
0x42c: {  	v18 =	vld.idx.msk [tilespmem:v9+s16+$0x0], $0xffff;
	[tilespmem:v7+s14+$0x0] =	vst.idx.msk $0xffff, v15  }
0x42d: {  	v8 =	vld.idx.msk [tilespmem:v11+s16+$0x0], $0xffff;
	[tilespmem:v7+s19+$0x0] =	vst.idx.msk $0xffff, v10  }
0x42e: {  	v7 =	vld.idx.msk [tilespmem:v12+s16+$0x0], $0xffff;
	[tilespmem:v6+s14+$0x0] =	vst.idx.msk $0xffff, v16  }
0x42f: {  	s5 =	sadd.s32 $0x40, s5;
	v10 =	vld [tilespmem:s6+$0xFFFFFFE0];
	[tilespmem:v6+s19+$0x0] =	vst.idx.msk $0xffff, v5  }
0x430: {  	s7 =	sadd.s32 $0x40, s7;
	v15 =	vld [tilespmem:s5+$0x10];
	v9 =	vadd.s32 v14, v17  }
.Ltmp65:
0x431: {  	v11 =	vld [tilespmem:s7+$0x10];
	(pc) =	sbr.rel @p1 .LBB2_119-.Ltmp65, $4  }
0x432: {  	v13 =	vld [tilespmem:s6+$0xFFFFFFF0]  }
0x433: {  	v12 =	vld [tilespmem:s6+$0x0]  }
0x434: {  	v5 =	vld [tilespmem:s7+$0xFFFFFFE0];
	v6 =	vadd.s32 v18, v10  }
0x435: {  	s10 =	sadd.s32 $0x40, s10;
	v10 =	vld [tilespmem:s5+$0xFFFFFFF0];
	[tilespmem:v9+s14+$0x0] =	vst.idx.msk $0xffff, v15  }
0x436: {  	_ =	sdelay $0x3  }
0x437: {  	[tilespmem:v9+s19+$0x0] =	vst.idx.msk $0xffff, v11;
	v9 =	vld [tilespmem:s5+$0xFFFFFFE0]  }
0x438: {  	v8 =	vadd.s32 v8, v13;
	_ =	sdelay $0x1  }
0x439: {  	v62 =	vld [tilespmem:s7+$0xFFFFFFF0]  }
0x43a: {  	v63 =	vld [tilespmem:s5+$0x0];
	v7 =	vadd.s32 v7, v12  }
0x43b: {  	v14 =	vld [tilespmem:s7+$0x0];
	[tilespmem:v6+s14+$0x0] =	vst.idx.msk $0xffff, v9  }
0x43c: {  	[tilespmem:v8+s14+$0x0] =	vst.idx.msk $0xffff, v10  }
0x43d: {  	[tilespmem:v6+s19+$0x0] =	vst.idx.msk $0xffff, v5  }
0x43e: {  	[tilespmem:v8+s19+$0x0] =	vst.idx.msk $0xffff, v62  }
0x43f: {  	[tilespmem:v7+s14+$0x0] =	vst.idx.msk $0xffff, v63  }
0x440: {  	s6 =	simm.s32 $0x3020;
	[tilespmem:v7+s19+$0x0] =	vst.idx.msk $0xffff, v14  }
0x441: {  	v5 =	vld [tilespmem:s6+$0xFFFFFFE0]  }
0x442: {  	v7 =	vld [tilespmem:s6+$0x0]  }
0x443: {  	v6 =	vld [tilespmem:s6+$0x10];
	_ =	sdelay $0x2  }
0x444: {  	v8 =	vld [tilespmem:s6+$0xFFFFFFF0];
	v9 =	vadd.s32 v0, v5  }
0x445: {  	v10 =	vadd.s32 v0, v7;
	[tilespmem:s6+$0xFFFFFFE0] =	vst v9  }
0x446: {  	s5 =	simm.s32 $0x3060;
	v9 =	vadd.s32 v0, v6;
	[tilespmem:s6+$0x0] =	vst v10  }
0x447: {  	v5 =	vld [tilespmem:s5+$0xFFFFFFE0];
	[tilespmem:s6+$0x10] =	vst v9  }
0x448: {  	v7 =	vld [tilespmem:s5+$0x0];
	s11 =	rddreg [dreg:$0x8]  }
0x449: {  	s7 =	simm.s32 $0x4;
	v8 =	vadd.s32 v0, v8;
	v6 =	vld [tilespmem:s5+$0x10];
	s20 =	rddreg [dreg:$0x9]  }
.LBB2_121:
0x44a: {  	s7 =	sadd.s32 $0x4, s7  }
0x44b: {  	v9 =	vld [tilespmem:s5+$0xFFFFFFF0];
	[tilespmem:s6+$0xFFFFFFF0] =	vst v8;
	s6 =	smov.u32 s5;
	p1 =	slt.u32 s7, $0xFC  }
.Ltmp66:
0x44c: {  	(pc) =	sbr.rel @p1 .LBB2_121-.Ltmp66, $4  }
0x44d: {  	s5 =	sadd.s32 $0x40, s5;
	v8 =	vadd.s32 v0, v5  }
0x44e: {  	v5 =	vld [tilespmem:s5+$0xFFFFFFE0];
	[tilespmem:s6+$0xFFFFFFE0] =	vst v8;
	v8 =	vadd.s32 v0, v6  }
0x44f: {  	v6 =	vld [tilespmem:s5+$0x10];
	v10 =	vadd.s32 v0, v7;
	[tilespmem:s6+$0x10] =	vst v8  }
0x450: {  	v7 =	vld [tilespmem:s5+$0x0];
	v8 =	vadd.s32 v0, v9;
	[tilespmem:s6+$0x0] =	vst v10  }
0x451: {  	v9 =	vld [tilespmem:s5+$0xFFFFFFF0];
	_ =	sdelay $0x1  }
0x452: {  	[tilespmem:s6+$0xFFFFFFF0] =	vst v8;
	v5 =	vadd.s32 v0, v5  }
0x453: {  	[tilespmem:s5+$0xFFFFFFE0] =	vst v5;
	v5 =	vadd.s32 v0, v6  }
0x454: {  	v6 =	vadd.s32 v0, v7;
	[tilespmem:s5+$0x10] =	vst v5  }
0x455: {  	v5 =	vadd.s32 v0, v9;
	[tilespmem:s5+$0x0] =	vst v6  }
0x456: {  	[tilespmem:s5+$0xFFFFFFF0] =	vst v5  }
0x457: {  	s5 =	rddreg [dreg:$0x7]  }
0x458: {  	[spmem:s5] =	stream.strided.scatter [tilespmem:s19], [sflag:$0x5], $0x1000, s28, s26, $0x38;
	[tilespmem:$0x1B000] =	vst v63  }
0x459: {  	_ =	swait.ge [sflag:s12], $0x1000  }
0x45a: {  	[sflag:s12] =	ssyncset.done $0x0  }
0x45b: {  	[sflag:s12] =	ssyncadd.s32 $0xFFFFF000  }
.LBB2_123:
0x45c: {  	[bflag:$0x0] =	sbarrier.arrive $0xFFFF  }
0x45d: {  	[tilespmem:s29], [sflag:$0x5] =	stream.strided.gather [spmem:s11], $0x800, s28, s26, $0x38;
	[tilespmem:$0x1B000] =	vst v63  }
0x45e: {  	_ =	swait.ge [sflag:s12], $0x800  }
0x45f: {  	[sflag:s12] =	ssyncset.done $0x0  }
0x460: {  	[sflag:s12] =	ssyncadd.s32 $0xFFFFF800  }
0x461: {  	v5 =	vld [tilespmem:$0xA000];
	_ =	sdelay $0x4  }
0x462: {  	v6 =	vshll.u32 v5, $0x1  }
0x463: {  	v5 =	vand.u32 $0x7, v5;
	v6 =	vand.u32 $0xFFFFFFF0, v6  }
0x464: {  	v8 =	vor.u32 v5, v6;
	v5 =	vand.u32 $0x7, v1;
	v6 =	vshrl.u32 v1, $0x3  }
0x465: {  	v9 =	vperm.xlane v8, v5;
	v6 =	vmul.u32 $0x8, v6  }
0x466: {  	v7 =	vor.u32 $0x8, v1  }
0x467: {  	v8 =	vperm.xlane v8, v7;
	v9 =	vadd.s32 v6, v9;
	_ =	sdelay $0x1  }
0x468: {  	v8 =	vadd.s32 v6, v8;
	_ =	sdelay $0x1  }
0x469: {  	vm0 =	vmmov $0xffff;
	s6 =	simm.s32 $0x0  }
0x46a: {  	[tilespmem:s21], [sflag:$0x1] =	stream.indirect_vreg.gather [hbm4b:s1+s6], $0x80, v9, vm0, $0xb8;
	[tilespmem:$0x1B000] =	vst v63  }
0x46b: {  	s5 =	simm.s32 $0xB000  }
0x46c: {  	[tilespmem:s5], [sflag:$0x1] =	stream.indirect_vreg.gather [hbm4b:s1+s6], $0x80, v8, vm0, $0xb8;
	[tilespmem:$0x1B000] =	vst v63  }
0x46d: {  	v8 =	vld [tilespmem:$0xA010];
	_ =	sdelay $0x4  }
0x46e: {  	v49 =	vshll.u32 v8, $0x1  }
0x46f: {  	v8 =	vand.u32 $0x7, v8;
	v9 =	vand.u32 $0xFFFFFFF0, v49  }
0x470: {  	v8 =	vor.u32 v8, v9  }
0x471: {  	v9 =	vperm.xlane v8, v5;
	_ =	sdelay $0x1  }
0x472: {  	v8 =	vperm.xlane v8, v7;
	v9 =	vadd.s32 v6, v9;
	_ =	sdelay $0x1  }
0x473: {  	v8 =	vadd.s32 v6, v8;
	_ =	sdelay $0x1  }
0x474: {  	s7 =	simm.s32 $0xB800  }
0x475: {  	[tilespmem:s7], [sflag:$0x1] =	stream.indirect_vreg.gather [hbm4b:s1+s6], $0x80, v9, vm0, $0xb8;
	[tilespmem:$0x1B000] =	vst v63  }
0x476: {  	s8 =	simm.s32 $0xC000  }
0x477: {  	[tilespmem:s8], [sflag:$0x1] =	stream.indirect_vreg.gather [hbm4b:s1+s6], $0x80, v8, vm0, $0xb8;
	[tilespmem:$0x1B000] =	vst v63  }
0x478: {  	v8 =	vld [tilespmem:$0xA020];
	_ =	sdelay $0x4  }
0x479: {  	v50 =	vshll.u32 v8, $0x1  }
0x47a: {  	v8 =	vand.u32 $0x7, v8;
	v9 =	vand.u32 $0xFFFFFFF0, v50  }
0x47b: {  	v8 =	vor.u32 v8, v9  }
0x47c: {  	v9 =	vperm.xlane v8, v5;
	_ =	sdelay $0x1  }
0x47d: {  	v8 =	vperm.xlane v8, v7;
	v9 =	vadd.s32 v6, v9;
	_ =	sdelay $0x1  }
0x47e: {  	v8 =	vadd.s32 v6, v8;
	_ =	sdelay $0x1  }
0x47f: {  	s10 =	simm.s32 $0xC800  }
0x480: {  	[tilespmem:s10], [sflag:$0x1] =	stream.indirect_vreg.gather [hbm4b:s1+s6], $0x80, v9, vm0, $0xb8;
	[tilespmem:$0x1B000] =	vst v63  }
0x481: {  	s7 =	simm.s32 $0xD000  }
0x482: {  	[tilespmem:s7], [sflag:$0x1] =	stream.indirect_vreg.gather [hbm4b:s1+s6], $0x80, v8, vm0, $0xb8;
	[tilespmem:$0x1B000] =	vst v63  }
0x483: {  	v8 =	vld [tilespmem:$0xA030];
	_ =	sdelay $0x4  }
0x484: {  	v51 =	vshll.u32 v8, $0x1  }
0x485: {  	v8 =	vand.u32 $0x7, v8;
	v9 =	vand.u32 $0xFFFFFFF0, v51  }
0x486: {  	v8 =	vor.u32 v8, v9  }
0x487: {  	v9 =	vperm.xlane v8, v5;
	_ =	sdelay $0x1  }
0x488: {  	v8 =	vperm.xlane v8, v7;
	v9 =	vadd.s32 v6, v9;
	_ =	sdelay $0x1  }
0x489: {  	v8 =	vadd.s32 v6, v8;
	_ =	sdelay $0x1  }
0x48a: {  	s8 =	simm.s32 $0xD800  }
0x48b: {  	[tilespmem:s8], [sflag:$0x1] =	stream.indirect_vreg.gather [hbm4b:s1+s6], $0x80, v9, vm0, $0xb8;
	[tilespmem:$0x1B000] =	vst v63  }
0x48c: {  	s10 =	simm.s32 $0xE000  }
0x48d: {  	[tilespmem:s10], [sflag:$0x1] =	stream.indirect_vreg.gather [hbm4b:s1+s6], $0x80, v8, vm0, $0xb8;
	[tilespmem:$0x1B000] =	vst v63  }
0x48e: {  	v8 =	vld [tilespmem:$0xA040];
	_ =	sdelay $0x4  }
0x48f: {  	v52 =	vshll.u32 v8, $0x1  }
0x490: {  	v8 =	vand.u32 $0x7, v8;
	v9 =	vand.u32 $0xFFFFFFF0, v52  }
0x491: {  	v8 =	vor.u32 v8, v9  }
0x492: {  	v9 =	vperm.xlane v8, v5;
	_ =	sdelay $0x1  }
0x493: {  	v8 =	vperm.xlane v8, v7;
	v9 =	vadd.s32 v6, v9;
	_ =	sdelay $0x1  }
0x494: {  	v8 =	vadd.s32 v6, v8;
	_ =	sdelay $0x2  }
0x495: {  	[tilespmem:s30], [sflag:$0x2] =	stream.indirect_vreg.gather [hbm4b:s1+s6], $0x80, v9, vm0, $0xb8;
	[tilespmem:$0x1B000] =	vst v63  }
0x496: {  	s7 =	simm.s32 $0xF000  }
0x497: {  	[tilespmem:s7], [sflag:$0x2] =	stream.indirect_vreg.gather [hbm4b:s1+s6], $0x80, v8, vm0, $0xb8;
	[tilespmem:$0x1B000] =	vst v63  }
0x498: {  	v8 =	vld [tilespmem:$0xA050];
	_ =	sdelay $0x4  }
0x499: {  	v53 =	vshll.u32 v8, $0x1  }
0x49a: {  	v8 =	vand.u32 $0x7, v8;
	v9 =	vand.u32 $0xFFFFFFF0, v53  }
0x49b: {  	v8 =	vor.u32 v8, v9  }
0x49c: {  	v9 =	vperm.xlane v8, v5;
	_ =	sdelay $0x1  }
0x49d: {  	v8 =	vperm.xlane v8, v7;
	v9 =	vadd.s32 v6, v9;
	_ =	sdelay $0x1  }
0x49e: {  	v8 =	vadd.s32 v6, v8;
	_ =	sdelay $0x1  }
0x49f: {  	s8 =	simm.s32 $0xF800  }
0x4a0: {  	[tilespmem:s8], [sflag:$0x2] =	stream.indirect_vreg.gather [hbm4b:s1+s6], $0x80, v9, vm0, $0xb8;
	[tilespmem:$0x1B000] =	vst v63  }
0x4a1: {  	s10 =	simm.s32 $0x10000  }
0x4a2: {  	[tilespmem:s10], [sflag:$0x2] =	stream.indirect_vreg.gather [hbm4b:s1+s6], $0x80, v8, vm0, $0xb8;
	[tilespmem:$0x1B000] =	vst v63  }
0x4a3: {  	v8 =	vld [tilespmem:$0xA060];
	_ =	sdelay $0x4  }
0x4a4: {  	v54 =	vshll.u32 v8, $0x1  }
0x4a5: {  	v8 =	vand.u32 $0x7, v8;
	v9 =	vand.u32 $0xFFFFFFF0, v54  }
0x4a6: {  	v8 =	vor.u32 v8, v9  }
0x4a7: {  	v9 =	vperm.xlane v8, v5;
	_ =	sdelay $0x1  }
0x4a8: {  	v8 =	vperm.xlane v8, v7;
	v9 =	vadd.s32 v6, v9;
	_ =	sdelay $0x1  }
0x4a9: {  	v8 =	vadd.s32 v6, v8;
	_ =	sdelay $0x1  }
0x4aa: {  	s7 =	simm.s32 $0x10800  }
0x4ab: {  	[tilespmem:s7], [sflag:$0x2] =	stream.indirect_vreg.gather [hbm4b:s1+s6], $0x80, v9, vm0, $0xb8;
	[tilespmem:$0x1B000] =	vst v63  }
0x4ac: {  	s8 =	simm.s32 $0x11000  }
0x4ad: {  	[tilespmem:s8], [sflag:$0x2] =	stream.indirect_vreg.gather [hbm4b:s1+s6], $0x80, v8, vm0, $0xb8;
	[tilespmem:$0x1B000] =	vst v63  }
0x4ae: {  	v8 =	vld [tilespmem:$0xA070];
	_ =	sdelay $0x4  }
0x4af: {  	v55 =	vshll.u32 v8, $0x1  }
0x4b0: {  	v8 =	vand.u32 $0x7, v8;
	v9 =	vand.u32 $0xFFFFFFF0, v55  }
0x4b1: {  	v8 =	vor.u32 v8, v9  }
0x4b2: {  	v9 =	vperm.xlane v8, v5;
	_ =	sdelay $0x1  }
0x4b3: {  	v8 =	vperm.xlane v8, v7;
	v9 =	vadd.s32 v6, v9;
	_ =	sdelay $0x1  }
0x4b4: {  	v8 =	vadd.s32 v6, v8;
	_ =	sdelay $0x1  }
0x4b5: {  	s10 =	simm.s32 $0x11800  }
0x4b6: {  	[tilespmem:s10], [sflag:$0x2] =	stream.indirect_vreg.gather [hbm4b:s1+s6], $0x80, v9, vm0, $0xb8;
	[tilespmem:$0x1B000] =	vst v63  }
0x4b7: {  	s7 =	simm.s32 $0x12000  }
0x4b8: {  	[tilespmem:s7], [sflag:$0x2] =	stream.indirect_vreg.gather [hbm4b:s1+s6], $0x80, v8, vm0, $0xb8;
	[tilespmem:$0x1B000] =	vst v63  }
0x4b9: {  	v8 =	vld [tilespmem:$0xA080];
	_ =	sdelay $0x4  }
0x4ba: {  	v56 =	vshll.u32 v8, $0x1  }
0x4bb: {  	v8 =	vand.u32 $0x7, v8;
	v9 =	vand.u32 $0xFFFFFFF0, v56  }
0x4bc: {  	v8 =	vor.u32 v8, v9  }
0x4bd: {  	v9 =	vperm.xlane v8, v5;
	_ =	sdelay $0x1  }
0x4be: {  	v8 =	vperm.xlane v8, v7;
	v9 =	vadd.s32 v6, v9;
	_ =	sdelay $0x1  }
0x4bf: {  	v8 =	vadd.s32 v6, v8;
	_ =	sdelay $0x2  }
0x4c0: {  	[tilespmem:s24], [sflag:$0x3] =	stream.indirect_vreg.gather [hbm4b:s1+s6], $0x80, v9, vm0, $0xb8;
	[tilespmem:$0x1B000] =	vst v63  }
0x4c1: {  	s8 =	simm.s32 $0x13000  }
0x4c2: {  	[tilespmem:s8], [sflag:$0x3] =	stream.indirect_vreg.gather [hbm4b:s1+s6], $0x80, v8, vm0, $0xb8;
	[tilespmem:$0x1B000] =	vst v63  }
0x4c3: {  	v8 =	vld [tilespmem:$0xA090];
	_ =	sdelay $0x4  }
0x4c4: {  	v57 =	vshll.u32 v8, $0x1  }
0x4c5: {  	v8 =	vand.u32 $0x7, v8;
	v9 =	vand.u32 $0xFFFFFFF0, v57  }
0x4c6: {  	v8 =	vor.u32 v8, v9  }
0x4c7: {  	v9 =	vperm.xlane v8, v5;
	_ =	sdelay $0x1  }
0x4c8: {  	v8 =	vperm.xlane v8, v7;
	v9 =	vadd.s32 v6, v9;
	_ =	sdelay $0x1  }
0x4c9: {  	v8 =	vadd.s32 v6, v8;
	_ =	sdelay $0x1  }
0x4ca: {  	s10 =	simm.s32 $0x13800  }
0x4cb: {  	[tilespmem:s10], [sflag:$0x3] =	stream.indirect_vreg.gather [hbm4b:s1+s6], $0x80, v9, vm0, $0xb8;
	[tilespmem:$0x1B000] =	vst v63  }
0x4cc: {  	s7 =	simm.s32 $0x14000  }
0x4cd: {  	[tilespmem:s7], [sflag:$0x3] =	stream.indirect_vreg.gather [hbm4b:s1+s6], $0x80, v8, vm0, $0xb8;
	[tilespmem:$0x1B000] =	vst v63  }
0x4ce: {  	v8 =	vld [tilespmem:$0xA0A0];
	_ =	sdelay $0x4  }
0x4cf: {  	v58 =	vshll.u32 v8, $0x1  }
0x4d0: {  	v8 =	vand.u32 $0x7, v8;
	v9 =	vand.u32 $0xFFFFFFF0, v58  }
0x4d1: {  	v8 =	vor.u32 v8, v9  }
0x4d2: {  	v9 =	vperm.xlane v8, v5;
	_ =	sdelay $0x1  }
0x4d3: {  	v8 =	vperm.xlane v8, v7;
	v9 =	vadd.s32 v6, v9;
	_ =	sdelay $0x1  }
0x4d4: {  	v8 =	vadd.s32 v6, v8;
	_ =	sdelay $0x1  }
0x4d5: {  	s8 =	simm.s32 $0x14800  }
0x4d6: {  	[tilespmem:s8], [sflag:$0x3] =	stream.indirect_vreg.gather [hbm4b:s1+s6], $0x80, v9, vm0, $0xb8;
	[tilespmem:$0x1B000] =	vst v63  }
0x4d7: {  	s10 =	simm.s32 $0x15000  }
0x4d8: {  	[tilespmem:s10], [sflag:$0x3] =	stream.indirect_vreg.gather [hbm4b:s1+s6], $0x80, v8, vm0, $0xb8;
	[tilespmem:$0x1B000] =	vst v63  }
0x4d9: {  	v8 =	vld [tilespmem:$0xA0B0];
	_ =	sdelay $0x4  }
0x4da: {  	v59 =	vshll.u32 v8, $0x1  }
0x4db: {  	v8 =	vand.u32 $0x7, v8;
	v9 =	vand.u32 $0xFFFFFFF0, v59  }
0x4dc: {  	v8 =	vor.u32 v8, v9  }
0x4dd: {  	v9 =	vperm.xlane v8, v5;
	_ =	sdelay $0x1  }
0x4de: {  	v8 =	vperm.xlane v8, v7;
	v9 =	vadd.s32 v6, v9;
	_ =	sdelay $0x1  }
0x4df: {  	v8 =	vadd.s32 v6, v8;
	_ =	sdelay $0x1  }
0x4e0: {  	s7 =	simm.s32 $0x15800  }
0x4e1: {  	[tilespmem:s7], [sflag:$0x3] =	stream.indirect_vreg.gather [hbm4b:s1+s6], $0x80, v9, vm0, $0xb8;
	[tilespmem:$0x1B000] =	vst v63  }
0x4e2: {  	s8 =	simm.s32 $0x16000  }
0x4e3: {  	[tilespmem:s8], [sflag:$0x3] =	stream.indirect_vreg.gather [hbm4b:s1+s6], $0x80, v8, vm0, $0xb8;
	[tilespmem:$0x1B000] =	vst v63  }
0x4e4: {  	v8 =	vld [tilespmem:$0xA0C0];
	_ =	sdelay $0x4  }
0x4e5: {  	v60 =	vshll.u32 v8, $0x1  }
0x4e6: {  	v8 =	vand.u32 $0x7, v8;
	v9 =	vand.u32 $0xFFFFFFF0, v60  }
0x4e7: {  	v8 =	vor.u32 v8, v9  }
0x4e8: {  	v9 =	vperm.xlane v8, v5;
	_ =	sdelay $0x1  }
0x4e9: {  	v8 =	vperm.xlane v8, v7;
	v9 =	vadd.s32 v6, v9;
	_ =	sdelay $0x1  }
0x4ea: {  	v8 =	vadd.s32 v6, v8;
	_ =	sdelay $0x2  }
0x4eb: {  	[tilespmem:s13], [sflag:$0x4] =	stream.indirect_vreg.gather [hbm4b:s1+s6], $0x80, v9, vm0, $0xb8;
	[tilespmem:$0x1B000] =	vst v63  }
0x4ec: {  	_ = 	snop  }
0x4ed: {  	[tilespmem:s22], [sflag:$0x4] =	stream.indirect_vreg.gather [hbm4b:s1+s6], $0x80, v8, vm0, $0xb8;
	[tilespmem:$0x1B000] =	vst v63  }
0x4ee: {  	v8 =	vld [tilespmem:$0xA0D0];
	_ =	sdelay $0x4  }
0x4ef: {  	v61 =	vshll.u32 v8, $0x1  }
0x4f0: {  	v8 =	vand.u32 $0x7, v8;
	v9 =	vand.u32 $0xFFFFFFF0, v61  }
0x4f1: {  	v8 =	vor.u32 v8, v9  }
0x4f2: {  	v9 =	vperm.xlane v8, v5;
	_ =	sdelay $0x1  }
0x4f3: {  	v8 =	vperm.xlane v8, v7;
	v9 =	vadd.s32 v6, v9;
	_ =	sdelay $0x1  }
0x4f4: {  	v8 =	vadd.s32 v6, v8;
	_ =	sdelay $0x2  }
0x4f5: {  	[tilespmem:s23], [sflag:$0x4] =	stream.indirect_vreg.gather [hbm4b:s1+s6], $0x80, v9, vm0, $0xb8;
	[tilespmem:$0x1B000] =	vst v63  }
0x4f6: {  	_ = 	snop  }
0x4f7: {  	[tilespmem:s25], [sflag:$0x4] =	stream.indirect_vreg.gather [hbm4b:s1+s6], $0x80, v8, vm0, $0xb8;
	[tilespmem:$0x1B000] =	vst v63  }
0x4f8: {  	v8 =	vld [tilespmem:$0xA0E0];
	_ =	sdelay $0x4  }
0x4f9: {  	v62 =	vshll.u32 v8, $0x1  }
0x4fa: {  	v8 =	vand.u32 $0x7, v8;
	v9 =	vand.u32 $0xFFFFFFF0, v62  }
0x4fb: {  	v8 =	vor.u32 v8, v9  }
0x4fc: {  	v9 =	vperm.xlane v8, v5;
	_ =	sdelay $0x1  }
0x4fd: {  	v8 =	vperm.xlane v8, v7;
	v9 =	vadd.s32 v6, v9;
	_ =	sdelay $0x1  }
0x4fe: {  	v8 =	vadd.s32 v6, v8;
	_ =	sdelay $0x1  }
0x4ff: {  	s10 =	simm.s32 $0x18800  }
0x500: {  	[tilespmem:s10], [sflag:$0x4] =	stream.indirect_vreg.gather [hbm4b:s1+s6], $0x80, v9, vm0, $0xb8;
	[tilespmem:$0x1B000] =	vst v63  }
0x501: {  	s7 =	simm.s32 $0x19000  }
0x502: {  	[tilespmem:s7], [sflag:$0x4] =	stream.indirect_vreg.gather [hbm4b:s1+s6], $0x80, v8, vm0, $0xb8;
	[tilespmem:$0x1B000] =	vst v63  }
0x503: {  	v8 =	vld [tilespmem:$0xA0F0];
	_ =	sdelay $0x4  }
0x504: {  	v63 =	vshll.u32 v8, $0x1  }
0x505: {  	v8 =	vand.u32 $0x7, v8;
	v9 =	vand.u32 $0xFFFFFFF0, v63  }
0x506: {  	v8 =	vor.u32 v8, v9  }
0x507: {  	v9 =	vperm.xlane v8, v5;
	_ =	sdelay $0x1  }
0x508: {  	v8 =	vperm.xlane v8, v7;
	v9 =	vadd.s32 v6, v9;
	_ =	sdelay $0x1  }
0x509: {  	v8 =	vadd.s32 v6, v8;
	_ =	sdelay $0x1  }
0x50a: {  	s8 =	simm.s32 $0x19800  }
0x50b: {  	[tilespmem:s8], [sflag:$0x4] =	stream.indirect_vreg.gather [hbm4b:s1+s6], $0x80, v9, vm0, $0xb8;
	[tilespmem:$0x1B000] =	vst v63  }
0x50c: {  	s10 =	simm.s32 $0x1A000;
	s7 =	simm.s32 $0xA1F0  }
0x50d: {  	[tilespmem:s10], [sflag:$0x4] =	stream.indirect_vreg.gather [hbm4b:s1+s6], $0x80, v8, vm0, $0xb8;
	[tilespmem:$0x1B000] =	vst v63  }
.LBB2_124:
0x50e: {  	_ =	swait.ge [sflag:s31], $0x4000  }
0x50f: {  	[sflag:s31] =	ssyncset.done $0x0  }
0x510: {  	s8 =	sadd.s32 s6, s9;
	[sflag:s31] =	ssyncadd.s32 $0xFFFFC000  }
0x511: {  	[hbm4b:s8+s3] =	stream.linear.scatter [tilespmem:s21], [sflag:$0x5], $0x4000, $0x38;
	[tilespmem:$0x1B000] =	vst v63  }
0x512: {  	_ =	swait.ge [sflag:s12], $0x4000  }
0x513: {  	[sflag:s12] =	ssyncset.done $0x0  }
0x514: {  	p1 =	seq.s32 s6, $0xE000;
	[sflag:s12] =	ssyncadd.s32 $0xFFFFC000  }
0x515: {  	v8 =	vld @!p1 [tilespmem:s7+$0xFFFFFF10];
	_ =	sdelay $0x4  }
0x516: {  	v9 =	vshll.u32 @!p1 v8, $0x1  }
0x517: {  	v10 =	vlaneseq.u32 @!p1;
	v8 =	vand.u32 @!p1 $0x7, v8;
	v9 =	vand.u32 @!p1 $0xFFFFFFF0, v9  }
0x518: {  	v11 =	vor.u32 @!p1 v8, v9;
	v8 =	vand.u32 @!p1 $0x7, v10;
	v9 =	vshrl.u32 @!p1 v10, $0x3  }
0x519: {  	v12 =	vperm.xlane @!p1 v11, v8;
	v9 =	vmul.u32 @!p1 $0x8, v9  }
0x51a: {  	v10 =	vor.u32 @!p1 $0x8, v10  }
0x51b: {  	v11 =	vperm.xlane @!p1 v11, v10;
	v12 =	vadd.s32 @!p1 v9, v12;
	_ =	sdelay $0x1  }
0x51c: {  	v11 =	vadd.s32 @!p1 v9, v11;
	_ =	sdelay $0x1  }
0x51d: {  	vm1 =	vmmov @!p1 $0xffff;
	s5 =	simm.s32 @!p1 $0x0;
	s10 =	simm.s32 @!p1 $0xA800  }
0x51e: {  	[tilespmem:s10], [sflag:$0x1] =	stream.indirect_vreg.gather @!p1 [hbm4b:s1+s5], $0x80, v12, vm1, $0xb8;
	[tilespmem:$0x1B000] =	vst v63  }
0x51f: {  	s10 =	simm.s32 @!p1 $0xB000  }
0x520: {  	[tilespmem:s10], [sflag:$0x1] =	stream.indirect_vreg.gather @!p1 [hbm4b:s1+s5], $0x80, v11, vm1, $0xb8;
	[tilespmem:$0x1B000] =	vst v63  }
0x521: {  	v11 =	vld @!p1 [tilespmem:s7+$0xFFFFFF20];
	_ =	sdelay $0x4  }
0x522: {  	v12 =	vshll.u32 @!p1 v11, $0x1  }
0x523: {  	v11 =	vand.u32 @!p1 $0x7, v11;
	v12 =	vand.u32 @!p1 $0xFFFFFFF0, v12  }
0x524: {  	v11 =	vor.u32 @!p1 v11, v12  }
0x525: {  	v12 =	vperm.xlane @!p1 v11, v8;
	_ =	sdelay $0x1  }
0x526: {  	v11 =	vperm.xlane @!p1 v11, v10;
	v12 =	vadd.s32 @!p1 v9, v12;
	_ =	sdelay $0x1  }
0x527: {  	v11 =	vadd.s32 @!p1 v9, v11;
	_ =	sdelay $0x1  }
0x528: {  	s10 =	simm.s32 @!p1 $0xB800  }
0x529: {  	[tilespmem:s10], [sflag:$0x1] =	stream.indirect_vreg.gather @!p1 [hbm4b:s1+s5], $0x80, v12, vm1, $0xb8;
	[tilespmem:$0x1B000] =	vst v63  }
0x52a: {  	s10 =	simm.s32 @!p1 $0xC000  }
0x52b: {  	[tilespmem:s10], [sflag:$0x1] =	stream.indirect_vreg.gather @!p1 [hbm4b:s1+s5], $0x80, v11, vm1, $0xb8;
	[tilespmem:$0x1B000] =	vst v63  }
0x52c: {  	v11 =	vld @!p1 [tilespmem:s7+$0xFFFFFF30];
	_ =	sdelay $0x4  }
0x52d: {  	v12 =	vshll.u32 @!p1 v11, $0x1  }
0x52e: {  	v11 =	vand.u32 @!p1 $0x7, v11;
	v12 =	vand.u32 @!p1 $0xFFFFFFF0, v12  }
0x52f: {  	v11 =	vor.u32 @!p1 v11, v12  }
0x530: {  	v12 =	vperm.xlane @!p1 v11, v8;
	_ =	sdelay $0x1  }
0x531: {  	v11 =	vperm.xlane @!p1 v11, v10;
	v12 =	vadd.s32 @!p1 v9, v12;
	_ =	sdelay $0x1  }
0x532: {  	v11 =	vadd.s32 @!p1 v9, v11;
	_ =	sdelay $0x1  }
0x533: {  	s10 =	simm.s32 @!p1 $0xC800  }
0x534: {  	[tilespmem:s10], [sflag:$0x1] =	stream.indirect_vreg.gather @!p1 [hbm4b:s1+s5], $0x80, v12, vm1, $0xb8;
	[tilespmem:$0x1B000] =	vst v63  }
0x535: {  	s10 =	simm.s32 @!p1 $0xD000  }
0x536: {  	[tilespmem:s10], [sflag:$0x1] =	stream.indirect_vreg.gather @!p1 [hbm4b:s1+s5], $0x80, v11, vm1, $0xb8;
	[tilespmem:$0x1B000] =	vst v63  }
0x537: {  	v11 =	vld @!p1 [tilespmem:s7+$0xFFFFFF40];
	_ =	sdelay $0x4  }
0x538: {  	v12 =	vshll.u32 @!p1 v11, $0x1  }
0x539: {  	v11 =	vand.u32 @!p1 $0x7, v11;
	v12 =	vand.u32 @!p1 $0xFFFFFFF0, v12  }
0x53a: {  	v11 =	vor.u32 @!p1 v11, v12  }
0x53b: {  	v12 =	vperm.xlane @!p1 v11, v8;
	_ =	sdelay $0x1  }
0x53c: {  	v11 =	vperm.xlane @!p1 v11, v10;
	v12 =	vadd.s32 @!p1 v9, v12;
	_ =	sdelay $0x1  }
0x53d: {  	v11 =	vadd.s32 @!p1 v9, v11;
	_ =	sdelay $0x1  }
0x53e: {  	s10 =	simm.s32 @!p1 $0xD800  }
0x53f: {  	[tilespmem:s10], [sflag:$0x1] =	stream.indirect_vreg.gather @!p1 [hbm4b:s1+s5], $0x80, v12, vm1, $0xb8;
	[tilespmem:$0x1B000] =	vst v63  }
0x540: {  	s10 =	simm.s32 @!p1 $0xE000  }
0x541: {  	[tilespmem:s10], [sflag:$0x1] =	stream.indirect_vreg.gather @!p1 [hbm4b:s1+s5], $0x80, v11, vm1, $0xb8;
	[tilespmem:$0x1B000] =	vst v63  }
0x542: {  	_ =	swait.ge [sflag:s0], $0x4000  }
0x543: {  	[sflag:s0] =	ssyncset.done $0x0  }
0x544: {  	s10 =	sadd.s32 $0x800, s8;
	[sflag:s0] =	ssyncadd.s32 $0xFFFFC000  }
0x545: {  	[hbm4b:s10+s3] =	stream.linear.scatter [tilespmem:s30], [sflag:$0x5], $0x4000, $0x38;
	[tilespmem:$0x1B000] =	vst v63  }
0x546: {  	_ =	swait.ge [sflag:s12], $0x4000  }
0x547: {  	[sflag:s12] =	ssyncset.done $0x0  }
0x548: {  	[sflag:s12] =	ssyncadd.s32 $0xFFFFC000  }
0x549: {  	v11 =	vld @!p1 [tilespmem:s7+$0xFFFFFF50];
	_ =	sdelay $0x4  }
0x54a: {  	v12 =	vshll.u32 @!p1 v11, $0x1  }
0x54b: {  	v11 =	vand.u32 @!p1 $0x7, v11;
	v12 =	vand.u32 @!p1 $0xFFFFFFF0, v12  }
0x54c: {  	v11 =	vor.u32 @!p1 v11, v12  }
0x54d: {  	v12 =	vperm.xlane @!p1 v11, v8;
	_ =	sdelay $0x1  }
0x54e: {  	v11 =	vperm.xlane @!p1 v11, v10;
	v12 =	vadd.s32 @!p1 v9, v12;
	_ =	sdelay $0x1  }
0x54f: {  	v11 =	vadd.s32 @!p1 v9, v11;
	_ =	sdelay $0x1  }
0x550: {  	s10 =	simm.s32 @!p1 $0xE800  }
0x551: {  	[tilespmem:s10], [sflag:$0x2] =	stream.indirect_vreg.gather @!p1 [hbm4b:s1+s5], $0x80, v12, vm1, $0xb8;
	[tilespmem:$0x1B000] =	vst v63  }
0x552: {  	s10 =	simm.s32 @!p1 $0xF000  }
0x553: {  	[tilespmem:s10], [sflag:$0x2] =	stream.indirect_vreg.gather @!p1 [hbm4b:s1+s5], $0x80, v11, vm1, $0xb8;
	[tilespmem:$0x1B000] =	vst v63  }
0x554: {  	v11 =	vld @!p1 [tilespmem:s7+$0xFFFFFF60];
	_ =	sdelay $0x4  }
0x555: {  	v12 =	vshll.u32 @!p1 v11, $0x1  }
0x556: {  	v11 =	vand.u32 @!p1 $0x7, v11;
	v12 =	vand.u32 @!p1 $0xFFFFFFF0, v12  }
0x557: {  	v11 =	vor.u32 @!p1 v11, v12  }
0x558: {  	v12 =	vperm.xlane @!p1 v11, v8;
	_ =	sdelay $0x1  }
0x559: {  	v11 =	vperm.xlane @!p1 v11, v10;
	v12 =	vadd.s32 @!p1 v9, v12;
	_ =	sdelay $0x1  }
0x55a: {  	v11 =	vadd.s32 @!p1 v9, v11;
	_ =	sdelay $0x1  }
0x55b: {  	s10 =	simm.s32 @!p1 $0xF800  }
0x55c: {  	[tilespmem:s10], [sflag:$0x2] =	stream.indirect_vreg.gather @!p1 [hbm4b:s1+s5], $0x80, v12, vm1, $0xb8;
	[tilespmem:$0x1B000] =	vst v63  }
0x55d: {  	s10 =	simm.s32 @!p1 $0x10000  }
0x55e: {  	[tilespmem:s10], [sflag:$0x2] =	stream.indirect_vreg.gather @!p1 [hbm4b:s1+s5], $0x80, v11, vm1, $0xb8;
	[tilespmem:$0x1B000] =	vst v63  }
0x55f: {  	v11 =	vld @!p1 [tilespmem:s7+$0xFFFFFF70];
	_ =	sdelay $0x4  }
0x560: {  	v12 =	vshll.u32 @!p1 v11, $0x1  }
0x561: {  	v11 =	vand.u32 @!p1 $0x7, v11;
	v12 =	vand.u32 @!p1 $0xFFFFFFF0, v12  }
0x562: {  	v11 =	vor.u32 @!p1 v11, v12  }
0x563: {  	v12 =	vperm.xlane @!p1 v11, v8;
	_ =	sdelay $0x1  }
0x564: {  	v11 =	vperm.xlane @!p1 v11, v10;
	v12 =	vadd.s32 @!p1 v9, v12;
	_ =	sdelay $0x1  }
0x565: {  	v11 =	vadd.s32 @!p1 v9, v11;
	_ =	sdelay $0x1  }
0x566: {  	s10 =	simm.s32 @!p1 $0x10800  }
0x567: {  	[tilespmem:s10], [sflag:$0x2] =	stream.indirect_vreg.gather @!p1 [hbm4b:s1+s5], $0x80, v12, vm1, $0xb8;
	[tilespmem:$0x1B000] =	vst v63  }
0x568: {  	s10 =	simm.s32 @!p1 $0x11000  }
0x569: {  	[tilespmem:s10], [sflag:$0x2] =	stream.indirect_vreg.gather @!p1 [hbm4b:s1+s5], $0x80, v11, vm1, $0xb8;
	[tilespmem:$0x1B000] =	vst v63  }
0x56a: {  	v11 =	vld @!p1 [tilespmem:s7+$0xFFFFFF80];
	_ =	sdelay $0x4  }
0x56b: {  	v12 =	vshll.u32 @!p1 v11, $0x1  }
0x56c: {  	v11 =	vand.u32 @!p1 $0x7, v11;
	v12 =	vand.u32 @!p1 $0xFFFFFFF0, v12  }
0x56d: {  	v11 =	vor.u32 @!p1 v11, v12  }
0x56e: {  	v12 =	vperm.xlane @!p1 v11, v8;
	_ =	sdelay $0x1  }
0x56f: {  	v11 =	vperm.xlane @!p1 v11, v10;
	v12 =	vadd.s32 @!p1 v9, v12;
	_ =	sdelay $0x1  }
0x570: {  	v11 =	vadd.s32 @!p1 v9, v11;
	_ =	sdelay $0x1  }
0x571: {  	s10 =	simm.s32 @!p1 $0x11800  }
0x572: {  	[tilespmem:s10], [sflag:$0x2] =	stream.indirect_vreg.gather @!p1 [hbm4b:s1+s5], $0x80, v12, vm1, $0xb8;
	[tilespmem:$0x1B000] =	vst v63  }
0x573: {  	s10 =	simm.s32 @!p1 $0x12000  }
0x574: {  	[tilespmem:s10], [sflag:$0x2] =	stream.indirect_vreg.gather @!p1 [hbm4b:s1+s5], $0x80, v11, vm1, $0xb8;
	[tilespmem:$0x1B000] =	vst v63  }
0x575: {  	_ =	swait.ge [sflag:s2], $0x4000  }
0x576: {  	[sflag:s2] =	ssyncset.done $0x0  }
0x577: {  	s10 =	sadd.s32 $0x1000, s8;
	[sflag:s2] =	ssyncadd.s32 $0xFFFFC000  }
0x578: {  	[hbm4b:s10+s3] =	stream.linear.scatter [tilespmem:s24], [sflag:$0x5], $0x4000, $0x38;
	[tilespmem:$0x1B000] =	vst v63  }
0x579: {  	_ =	swait.ge [sflag:s12], $0x4000  }
0x57a: {  	[sflag:s12] =	ssyncset.done $0x0  }
0x57b: {  	[sflag:s12] =	ssyncadd.s32 $0xFFFFC000  }
0x57c: {  	v11 =	vld @!p1 [tilespmem:s7+$0xFFFFFF90];
	_ =	sdelay $0x4  }
0x57d: {  	v12 =	vshll.u32 @!p1 v11, $0x1  }
0x57e: {  	v11 =	vand.u32 @!p1 $0x7, v11;
	v12 =	vand.u32 @!p1 $0xFFFFFFF0, v12  }
0x57f: {  	v11 =	vor.u32 @!p1 v11, v12  }
0x580: {  	v12 =	vperm.xlane @!p1 v11, v8;
	_ =	sdelay $0x1  }
0x581: {  	v11 =	vperm.xlane @!p1 v11, v10;
	v12 =	vadd.s32 @!p1 v9, v12;
	_ =	sdelay $0x1  }
0x582: {  	v11 =	vadd.s32 @!p1 v9, v11;
	_ =	sdelay $0x1  }
0x583: {  	s10 =	simm.s32 @!p1 $0x12800  }
0x584: {  	[tilespmem:s10], [sflag:$0x3] =	stream.indirect_vreg.gather @!p1 [hbm4b:s1+s5], $0x80, v12, vm1, $0xb8;
	[tilespmem:$0x1B000] =	vst v63  }
0x585: {  	s10 =	simm.s32 @!p1 $0x13000  }
0x586: {  	[tilespmem:s10], [sflag:$0x3] =	stream.indirect_vreg.gather @!p1 [hbm4b:s1+s5], $0x80, v11, vm1, $0xb8;
	[tilespmem:$0x1B000] =	vst v63  }
0x587: {  	v11 =	vld @!p1 [tilespmem:s7+$0xFFFFFFA0];
	_ =	sdelay $0x4  }
0x588: {  	v12 =	vshll.u32 @!p1 v11, $0x1  }
0x589: {  	v11 =	vand.u32 @!p1 $0x7, v11;
	v12 =	vand.u32 @!p1 $0xFFFFFFF0, v12  }
0x58a: {  	v11 =	vor.u32 @!p1 v11, v12  }
0x58b: {  	v12 =	vperm.xlane @!p1 v11, v8;
	_ =	sdelay $0x1  }
0x58c: {  	v11 =	vperm.xlane @!p1 v11, v10;
	v12 =	vadd.s32 @!p1 v9, v12;
	_ =	sdelay $0x1  }
0x58d: {  	v11 =	vadd.s32 @!p1 v9, v11;
	_ =	sdelay $0x1  }
0x58e: {  	s10 =	simm.s32 @!p1 $0x13800  }
0x58f: {  	[tilespmem:s10], [sflag:$0x3] =	stream.indirect_vreg.gather @!p1 [hbm4b:s1+s5], $0x80, v12, vm1, $0xb8;
	[tilespmem:$0x1B000] =	vst v63  }
0x590: {  	s10 =	simm.s32 @!p1 $0x14000  }
0x591: {  	[tilespmem:s10], [sflag:$0x3] =	stream.indirect_vreg.gather @!p1 [hbm4b:s1+s5], $0x80, v11, vm1, $0xb8;
	[tilespmem:$0x1B000] =	vst v63  }
0x592: {  	v11 =	vld @!p1 [tilespmem:s7+$0xFFFFFFB0];
	_ =	sdelay $0x4  }
0x593: {  	v12 =	vshll.u32 @!p1 v11, $0x1  }
0x594: {  	v11 =	vand.u32 @!p1 $0x7, v11;
	v12 =	vand.u32 @!p1 $0xFFFFFFF0, v12  }
0x595: {  	v11 =	vor.u32 @!p1 v11, v12  }
0x596: {  	v12 =	vperm.xlane @!p1 v11, v8;
	_ =	sdelay $0x1  }
0x597: {  	v11 =	vperm.xlane @!p1 v11, v10;
	v12 =	vadd.s32 @!p1 v9, v12;
	_ =	sdelay $0x1  }
0x598: {  	v11 =	vadd.s32 @!p1 v9, v11;
	_ =	sdelay $0x1  }
0x599: {  	s10 =	simm.s32 @!p1 $0x14800  }
0x59a: {  	[tilespmem:s10], [sflag:$0x3] =	stream.indirect_vreg.gather @!p1 [hbm4b:s1+s5], $0x80, v12, vm1, $0xb8;
	[tilespmem:$0x1B000] =	vst v63  }
0x59b: {  	s10 =	simm.s32 @!p1 $0x15000  }
0x59c: {  	[tilespmem:s10], [sflag:$0x3] =	stream.indirect_vreg.gather @!p1 [hbm4b:s1+s5], $0x80, v11, vm1, $0xb8;
	[tilespmem:$0x1B000] =	vst v63  }
0x59d: {  	v11 =	vld @!p1 [tilespmem:s7+$0xFFFFFFC0];
	_ =	sdelay $0x4  }
0x59e: {  	v12 =	vshll.u32 @!p1 v11, $0x1  }
0x59f: {  	v11 =	vand.u32 @!p1 $0x7, v11;
	v12 =	vand.u32 @!p1 $0xFFFFFFF0, v12  }
0x5a0: {  	v11 =	vor.u32 @!p1 v11, v12  }
0x5a1: {  	v8 =	vperm.xlane @!p1 v11, v8;
	_ =	sdelay $0x1  }
0x5a2: {  	v10 =	vperm.xlane @!p1 v11, v10;
	v8 =	vadd.s32 @!p1 v9, v8;
	_ =	sdelay $0x1  }
0x5a3: {  	v9 =	vadd.s32 @!p1 v9, v10;
	_ =	sdelay $0x1  }
0x5a4: {  	s10 =	simm.s32 @!p1 $0x15800  }
0x5a5: {  	[tilespmem:s10], [sflag:$0x3] =	stream.indirect_vreg.gather @!p1 [hbm4b:s1+s5], $0x80, v8, vm1, $0xb8;
	[tilespmem:$0x1B000] =	vst v63  }
0x5a6: {  	s10 =	simm.s32 @!p1 $0x16000  }
0x5a7: {  	[tilespmem:s10], [sflag:$0x3] =	stream.indirect_vreg.gather @!p1 [hbm4b:s1+s5], $0x80, v9, vm1, $0xb8;
	[tilespmem:$0x1B000] =	vst v63  }
0x5a8: {  	_ =	swait.ge [sflag:s4], $0x4000  }
0x5a9: {  	[sflag:s4] =	ssyncset.done $0x0  }
.Ltmp67:
0x5aa: {  	s10 =	sadd.s32 $0x1800, s8;
	[sflag:s4] =	ssyncadd.s32 $0xFFFFC000;
	(pc) =	sbr.rel @p1 .LBB2_126-.Ltmp67, $4  }
0x5ab: {  	[hbm4b:s10+s3] =	stream.linear.scatter [tilespmem:s13], [sflag:$0x5], $0x4000, $0x38;
	[tilespmem:$0x1B000] =	vst v63  }
0x5ac: {  	_ =	swait.ge [sflag:s12], $0x4000  }
0x5ad: {  	[sflag:s12] =	ssyncset.done $0x0  }
0x5ae: {  	[sflag:s12] =	ssyncadd.s32 $0xFFFFC000  }
0x5af: {  	v8 =	vld [tilespmem:s7+$0xFFFFFFD0];
	_ =	sdelay $0x4  }
0x5b0: {  	v9 =	vshll.u32 v8, $0x1  }
0x5b1: {  	v8 =	vand.u32 $0x7, v8;
	v9 =	vand.u32 $0xFFFFFFF0, v9  }
0x5b2: {  	v8 =	vor.u32 v8, v9  }
0x5b3: {  	v9 =	vperm.xlane v8, v5;
	_ =	sdelay $0x1  }
0x5b4: {  	v8 =	vperm.xlane v8, v7;
	v9 =	vadd.s32 v6, v9;
	_ =	sdelay $0x1  }
0x5b5: {  	v8 =	vadd.s32 v6, v8;
	_ =	sdelay $0x2  }
0x5b6: {  	[tilespmem:s13], [sflag:$0x4] =	stream.indirect_vreg.gather [hbm4b:s1+s3], $0x80, v9, vm0, $0xb8;
	[tilespmem:$0x1B000] =	vst v63  }
0x5b7: {  	_ = 	snop  }
0x5b8: {  	[tilespmem:s22], [sflag:$0x4] =	stream.indirect_vreg.gather [hbm4b:s1+s3], $0x80, v8, vm0, $0xb8;
	[tilespmem:$0x1B000] =	vst v63  }
0x5b9: {  	v8 =	vld [tilespmem:s7+$0xFFFFFFE0];
	_ =	sdelay $0x4  }
0x5ba: {  	v61 =	vshll.u32 v8, $0x1  }
0x5bb: {  	v8 =	vand.u32 $0x7, v8;
	v9 =	vand.u32 $0xFFFFFFF0, v61  }
0x5bc: {  	v8 =	vor.u32 v8, v9  }
0x5bd: {  	v9 =	vperm.xlane v8, v5;
	_ =	sdelay $0x1  }
0x5be: {  	v8 =	vperm.xlane v8, v7;
	v9 =	vadd.s32 v6, v9;
	_ =	sdelay $0x1  }
0x5bf: {  	v8 =	vadd.s32 v6, v8;
	_ =	sdelay $0x2  }
0x5c0: {  	[tilespmem:s23], [sflag:$0x4] =	stream.indirect_vreg.gather [hbm4b:s1+s3], $0x80, v9, vm0, $0xb8;
	[tilespmem:$0x1B000] =	vst v63  }
0x5c1: {  	_ = 	snop  }
0x5c2: {  	[tilespmem:s25], [sflag:$0x4] =	stream.indirect_vreg.gather [hbm4b:s1+s3], $0x80, v8, vm0, $0xb8;
	[tilespmem:$0x1B000] =	vst v63  }
0x5c3: {  	v8 =	vld [tilespmem:s7+$0xFFFFFFF0];
	_ =	sdelay $0x4  }
0x5c4: {  	v62 =	vshll.u32 v8, $0x1  }
0x5c5: {  	v8 =	vand.u32 $0x7, v8;
	v9 =	vand.u32 $0xFFFFFFF0, v62  }
0x5c6: {  	v8 =	vor.u32 v8, v9  }
0x5c7: {  	v9 =	vperm.xlane v8, v5;
	_ =	sdelay $0x1  }
0x5c8: {  	v8 =	vperm.xlane v8, v7;
	v9 =	vadd.s32 v6, v9;
	_ =	sdelay $0x1  }
0x5c9: {  	v8 =	vadd.s32 v6, v8;
	_ =	sdelay $0x1  }
0x5ca: {  	s5 =	simm.s32 $0x18800  }
0x5cb: {  	[tilespmem:s5], [sflag:$0x4] =	stream.indirect_vreg.gather [hbm4b:s1+s3], $0x80, v9, vm0, $0xb8;
	[tilespmem:$0x1B000] =	vst v63  }
0x5cc: {  	s10 =	simm.s32 $0x19000  }
0x5cd: {  	[tilespmem:s10], [sflag:$0x4] =	stream.indirect_vreg.gather [hbm4b:s1+s3], $0x80, v8, vm0, $0xb8;
	[tilespmem:$0x1B000] =	vst v63  }
0x5ce: {  	v8 =	vld [tilespmem:s7+$0x0];
	_ =	sdelay $0x4  }
0x5cf: {  	v63 =	vshll.u32 v8, $0x1  }
0x5d0: {  	v8 =	vand.u32 $0x7, v8;
	v9 =	vand.u32 $0xFFFFFFF0, v63  }
0x5d1: {  	v8 =	vor.u32 v8, v9  }
0x5d2: {  	v9 =	vperm.xlane v8, v5;
	_ =	sdelay $0x1  }
0x5d3: {  	v8 =	vperm.xlane v8, v7;
	v9 =	vadd.s32 v6, v9;
	_ =	sdelay $0x1  }
0x5d4: {  	v8 =	vadd.s32 v6, v8  }
.Ltmp68:
0x5d5: {  	_ = 	snop;
	(pc) =	sbr.rel .LBB2_124-.Ltmp68, $4  }
0x5d6: {  	s8 =	simm.s32 $0x19800  }
0x5d7: {  	[tilespmem:s8], [sflag:$0x4] =	stream.indirect_vreg.gather [hbm4b:s1+s3], $0x80, v9, vm0, $0xb8;
	[tilespmem:$0x1B000] =	vst v63  }
0x5d8: {  	s6 =	sadd.s32 $0x2000, s6;
	s10 =	simm.s32 $0x1A000;
	s7 =	sadd.s32 $0x100, s7  }
0x5d9: {  	[tilespmem:s10], [sflag:$0x4] =	stream.indirect_vreg.gather [hbm4b:s1+s3], $0x80, v8, vm0, $0xb8;
	[tilespmem:$0x1B000] =	vst v63  }
.LBB2_9:
.Ltmp69:
0x5da: {  	(pc) =	sbr.rel .LBB2_18-.Ltmp69, $2  }
0x5db: {  	_ =	sdelay $0x2  }
0x5dc: {  	s22 =	simm.s32 $0x7020;
	s11 =	simm.s32 $0x2;
	p4 =	por $0x0, $0x0  }
.LBB2_19:
.Ltmp70:
0x5dd: {  	(pc) =	sbr.rel .LBB2_22-.Ltmp70, $2  }
0x5de: {  	_ =	sdelay $0x2  }
0x5df: {  	_ = 	snop  }
.LBB2_23:
.Ltmp71:
0x5e0: {  	(pc) =	sbr.rel .LBB2_28-.Ltmp71, $2  }
0x5e1: {  	_ =	sdelay $0x2  }
0x5e2: {  	s5 =	simm.s32 $0x7020  }
.LBB2_31:
.Ltmp72:
0x5e3: {  	(pc) =	sbr.rel .LBB2_36-.Ltmp72, $2  }
0x5e4: {  	_ =	sdelay $0x2  }
0x5e5: {  	s7 =	simm.s32 $0x8020  }
.LBB2_39:
.Ltmp73:
0x5e6: {  	(pc) =	sbr.rel .LBB2_48-.Ltmp73, $2  }
0x5e7: {  	_ =	sdelay $0x2  }
0x5e8: {  	s22 =	simm.s32 $0x7020;
	s11 =	simm.s32 $0x2;
	p4 =	por $0x0, $0x0  }
.LBB2_49:
.Ltmp74:
0x5e9: {  	(pc) =	sbr.rel .LBB2_52-.Ltmp74, $2  }
0x5ea: {  	_ =	sdelay $0x2  }
0x5eb: {  	_ = 	snop  }
.LBB2_53:
.Ltmp75:
0x5ec: {  	(pc) =	sbr.rel .LBB2_58-.Ltmp75, $2  }
0x5ed: {  	_ =	sdelay $0x2  }
0x5ee: {  	s5 =	simm.s32 $0x7020  }
.LBB2_61:
.Ltmp76:
0x5ef: {  	(pc) =	sbr.rel .LBB2_66-.Ltmp76, $2  }
0x5f0: {  	_ =	sdelay $0x2  }
0x5f1: {  	s7 =	simm.s32 $0x8020  }
.LBB2_69:
.Ltmp77:
0x5f2: {  	(pc) =	sbr.rel .LBB2_78-.Ltmp77, $2  }
0x5f3: {  	_ =	sdelay $0x2  }
0x5f4: {  	s22 =	simm.s32 $0x7020;
	s11 =	simm.s32 $0x2;
	p4 =	por $0x0, $0x0  }
.LBB2_79:
.Ltmp78:
0x5f5: {  	(pc) =	sbr.rel .LBB2_82-.Ltmp78, $2  }
0x5f6: {  	_ =	sdelay $0x2  }
0x5f7: {  	_ = 	snop  }
.LBB2_83:
.Ltmp79:
0x5f8: {  	(pc) =	sbr.rel .LBB2_88-.Ltmp79, $2  }
0x5f9: {  	_ =	sdelay $0x2  }
0x5fa: {  	s5 =	simm.s32 $0x7020  }
.LBB2_91:
.Ltmp80:
0x5fb: {  	(pc) =	sbr.rel .LBB2_96-.Ltmp80, $2  }
0x5fc: {  	_ =	sdelay $0x2  }
0x5fd: {  	s7 =	simm.s32 $0x8020  }
.LBB2_99:
.Ltmp81:
0x5fe: {  	(pc) =	sbr.rel .LBB2_108-.Ltmp81, $2  }
0x5ff: {  	_ =	sdelay $0x2  }
0x600: {  	s22 =	simm.s32 $0x7020;
	s11 =	simm.s32 $0x2;
	p4 =	por $0x0, $0x0  }
.LBB2_109:
.Ltmp82:
0x601: {  	(pc) =	sbr.rel .LBB2_112-.Ltmp82, $2  }
0x602: {  	_ =	sdelay $0x2  }
0x603: {  	s22 =	simm.s32 $0x17000  }
.LBB2_113:
.Ltmp83:
0x604: {  	(pc) =	sbr.rel .LBB2_118-.Ltmp83, $2  }
0x605: {  	_ =	sdelay $0x2  }
0x606: {  	s5 =	simm.s32 $0x7020  }
.LBB2_11:
.Ltmp84:
0x607: {  	_ = 	snop;
	(pc) =	sbr.rel .LBB2_18-.Ltmp84, $3  }
0x608: {  	_ =	sdelay $0x1  }
0x609: {  	s5 =	simm.s32 $0x6020;
	s8 =	simm.s32 $0x6060;
	s22 =	simm.s32 $0x7020  }
0x60a: {  	v7 =	vmovc v13;
	v5 =	vmov v11;
	s20 =	simm.s32 $0x7020;
	s11 =	simm.s32 $0x2;
	v10 =	vmov v12;
	p4 =	por $0x0, $0x0;
	v6 =	vmov v14  }
.LBB2_25:
.Ltmp85:
0x60b: {  	(pc) =	sbr.rel .LBB2_28-.Ltmp85, $3  }
0x60c: {  	_ =	sdelay $0x1  }
0x60d: {  	s20 =	simm.s32 $0x6  }
0x60e: {  	s11 =	smov.u32 s7;
	s23 =	simm.s32 $0x17800;
	s25 =	simm.s32 $0x18000  }
.LBB2_33:
.Ltmp86:
0x60f: {  	(pc) =	sbr.rel .LBB2_36-.Ltmp86, $2  }
0x610: {  	_ =	sdelay $0x2  }
0x611: {  	s10 =	simm.s32 $0x4;
	s7 =	simm.s32 $0x8020  }
.LBB2_41:
.Ltmp87:
0x612: {  	_ = 	snop;
	(pc) =	sbr.rel .LBB2_48-.Ltmp87, $3  }
0x613: {  	_ =	sdelay $0x1  }
0x614: {  	s5 =	simm.s32 $0x6020;
	s8 =	simm.s32 $0x6060;
	s22 =	simm.s32 $0x7020  }
0x615: {  	v7 =	vmovc v13;
	v5 =	vmov v11;
	s20 =	simm.s32 $0x7020;
	s11 =	simm.s32 $0x2;
	v10 =	vmov v12;
	p4 =	por $0x0, $0x0;
	v6 =	vmov v14  }
.LBB2_55:
.Ltmp88:
0x616: {  	(pc) =	sbr.rel .LBB2_58-.Ltmp88, $3  }
0x617: {  	_ =	sdelay $0x1  }
0x618: {  	s20 =	simm.s32 $0x6  }
0x619: {  	s11 =	smov.u32 s7;
	s23 =	simm.s32 $0x17800;
	s25 =	simm.s32 $0x18000  }
.LBB2_63:
.Ltmp89:
0x61a: {  	(pc) =	sbr.rel .LBB2_66-.Ltmp89, $2  }
0x61b: {  	_ =	sdelay $0x2  }
0x61c: {  	s10 =	simm.s32 $0x4;
	s7 =	simm.s32 $0x8020  }
.LBB2_71:
.Ltmp90:
0x61d: {  	_ = 	snop;
	(pc) =	sbr.rel .LBB2_78-.Ltmp90, $3  }
0x61e: {  	_ =	sdelay $0x1  }
0x61f: {  	s5 =	simm.s32 $0x6020;
	s8 =	simm.s32 $0x6060;
	s22 =	simm.s32 $0x7020  }
0x620: {  	v7 =	vmovc v13;
	v5 =	vmov v11;
	s20 =	simm.s32 $0x7020;
	s11 =	simm.s32 $0x2;
	v10 =	vmov v12;
	p4 =	por $0x0, $0x0;
	v6 =	vmov v14  }
.LBB2_85:
.Ltmp91:
0x621: {  	(pc) =	sbr.rel .LBB2_88-.Ltmp91, $3  }
0x622: {  	_ =	sdelay $0x1  }
0x623: {  	s20 =	simm.s32 $0x6  }
0x624: {  	s11 =	smov.u32 s7;
	s23 =	simm.s32 $0x17800;
	s25 =	simm.s32 $0x18000  }
.LBB2_93:
.Ltmp92:
0x625: {  	(pc) =	sbr.rel .LBB2_96-.Ltmp92, $2  }
0x626: {  	_ =	sdelay $0x2  }
0x627: {  	s10 =	simm.s32 $0x4;
	s7 =	simm.s32 $0x8020  }
.LBB2_101:
.Ltmp93:
0x628: {  	_ = 	snop;
	(pc) =	sbr.rel .LBB2_108-.Ltmp93, $3  }
0x629: {  	_ =	sdelay $0x1  }
0x62a: {  	s5 =	simm.s32 $0x6020;
	s8 =	simm.s32 $0x6060;
	s22 =	simm.s32 $0x7020  }
0x62b: {  	v7 =	vmovc v13;
	v5 =	vmov v11;
	s20 =	simm.s32 $0x7020;
	s11 =	simm.s32 $0x2;
	v10 =	vmov v12;
	p4 =	por $0x0, $0x0;
	v6 =	vmov v14  }
.LBB2_115:
.Ltmp94:
0x62c: {  	(pc) =	sbr.rel .LBB2_118-.Ltmp94, $3  }
0x62d: {  	_ =	sdelay $0x1  }
0x62e: {  	s20 =	simm.s32 $0x6;
	s11 =	smov.u32 s7  }
0x62f: {  	s22 =	simm.s32 $0x17000;
	s23 =	simm.s32 $0x17800;
	s25 =	simm.s32 $0x18000  }
.LBB2_13:
.Ltmp95:
0x630: {  	(pc) =	sbr.rel .LBB2_18-.Ltmp95, $3  }
0x631: {  	_ =	sdelay $0x1  }
0x632: {  	s8 =	simm.s32 $0x60A0  }
0x633: {  	s20 =	simm.s32 $0x7060;
	s11 =	simm.s32 $0x2;
	p4 =	por $0x0, $0x0  }
.LBB2_43:
.Ltmp96:
0x634: {  	(pc) =	sbr.rel .LBB2_48-.Ltmp96, $3  }
0x635: {  	_ =	sdelay $0x1  }
0x636: {  	s8 =	simm.s32 $0x60A0  }
0x637: {  	s20 =	simm.s32 $0x7060;
	s11 =	simm.s32 $0x2;
	p4 =	por $0x0, $0x0  }
.LBB2_73:
.Ltmp97:
0x638: {  	(pc) =	sbr.rel .LBB2_78-.Ltmp97, $3  }
0x639: {  	_ =	sdelay $0x1  }
0x63a: {  	s8 =	simm.s32 $0x60A0  }
0x63b: {  	s20 =	simm.s32 $0x7060;
	s11 =	simm.s32 $0x2;
	p4 =	por $0x0, $0x0  }
.LBB2_103:
.Ltmp98:
0x63c: {  	(pc) =	sbr.rel .LBB2_108-.Ltmp98, $3  }
0x63d: {  	_ =	sdelay $0x1  }
0x63e: {  	s8 =	simm.s32 $0x60A0  }
0x63f: {  	s20 =	simm.s32 $0x7060;
	s11 =	simm.s32 $0x2;
	p4 =	por $0x0, $0x0  }
.LBB2_15:
.Ltmp99:
0x640: {  	(pc) =	sbr.rel .LBB2_18-.Ltmp99, $3  }
0x641: {  	_ =	sdelay $0x1  }
0x642: {  	s5 =	simm.s32 $0x60A0;
	s22 =	simm.s32 $0x70A0;
	s20 =	simm.s32 $0x70A0  }
0x643: {  	v6 =	vmovc v14;
	v7 =	vmov v11;
	v5 =	vmov v12;
	s11 =	simm.s32 $0x2;
	v10 =	vmov v13;
	s23 =	simm.s32 $0x17800;
	s25 =	simm.s32 $0x18000  }
.LBB2_45:
.Ltmp100:
0x644: {  	(pc) =	sbr.rel .LBB2_48-.Ltmp100, $3  }
0x645: {  	_ =	sdelay $0x1  }
0x646: {  	s5 =	simm.s32 $0x60A0;
	s22 =	simm.s32 $0x70A0;
	s20 =	simm.s32 $0x70A0  }
0x647: {  	v6 =	vmovc v14;
	v7 =	vmov v11;
	v5 =	vmov v12;
	s11 =	simm.s32 $0x2;
	v10 =	vmov v13;
	s23 =	simm.s32 $0x17800;
	s25 =	simm.s32 $0x18000  }
.LBB2_75:
.Ltmp101:
0x648: {  	(pc) =	sbr.rel .LBB2_78-.Ltmp101, $3  }
0x649: {  	_ =	sdelay $0x1  }
0x64a: {  	s5 =	simm.s32 $0x60A0;
	s22 =	simm.s32 $0x70A0;
	s20 =	simm.s32 $0x70A0  }
0x64b: {  	v6 =	vmovc v14;
	v7 =	vmov v11;
	v5 =	vmov v12;
	s11 =	simm.s32 $0x2;
	v10 =	vmov v13;
	s23 =	simm.s32 $0x17800;
	s25 =	simm.s32 $0x18000  }
.LBB2_105:
.Ltmp102:
0x64c: {  	(pc) =	sbr.rel .LBB2_108-.Ltmp102, $3  }
0x64d: {  	_ =	sdelay $0x1  }
0x64e: {  	s5 =	simm.s32 $0x60A0;
	s22 =	simm.s32 $0x70A0;
	s20 =	simm.s32 $0x70A0  }
0x64f: {  	v6 =	vmovc v14;
	v7 =	vmov v11;
	v5 =	vmov v12;
	s11 =	simm.s32 $0x2;
	v10 =	vmov v13;
	s23 =	simm.s32 $0x17800;
	s25 =	simm.s32 $0x18000  }
.LBB2_127:
0x650: {  	_ =	sfence.sel $0x180000  }
0x651: {  	[bflag:$0x0] =	sbarrier.arrive $0xFFFF  }
0x652: {  	_ =	strace $0x90000047  }
0x653: {  	s0 =	stileid.u32;
	[bflag:$0x2] =	sbarrier.arrive $0xFFFF  }
0x654: {  	p0 =	sne.s32 s0, $0x0;
	s0 =	rddreg [dreg:$0x4]  }
0x655: {  	s0 =	sadd.s32 @!p0 $0x100000, s0  }
0x656: {  	[sflag:s0] =	ssyncadd.tile.s32 @!p0 $0x1;
	_ =	shalt  }
.Lfunc_end2:
_tile_overlayer_lowered:
.L_overlay_start_2:
0x657: {  	(tag) =	ssettag $0x2  }
0x658: {  	s0 =	rddreg [dreg:$0x0];
	s2 =	stileid.u32  }
0x659: {  	s1 =	rddreg [dreg:$0x1];
	p0 =	sne.s32 s2, $0x0  }
0x65a: {  	s3 =	rddreg [dreg:$0x2];
	[bflag:$0x3] =	sbarrier.arrive $0xFFFF;
	s2 =	simm.s32 @!p0 $0x1C05  }
0x65b: {  	[timem:s3], [sflag:s2] =	dma.local @!p0 [hbm:s0], s1  }
0x65c: {  	s0 =	simm.s32 @!p0 $0x5  }
0x65d: {  	_ =	swait.ge @!p0 [sflag:s0], s1  }
0x65e: {  	s1 =	ssub.s32 @!p0 $0x0, s1;
	[sflag:s0] =	ssyncset.done @!p0 $0x0  }
0x65f: {  	[sflag:s0] =	ssyncadd.s32 @!p0 s1  }
0x660: {  	[bflag:$0x3] =	sbarrier.arrive $0xFFFF  }
0x661: {  	_ =	shalt  }

</sc_bundles>
